<compile_context>
chip_gen: v7x
topology: tpu7x:2x2x1
jax: 0.10.2.dev20260603
libtpu: 0.0.44.dev20260713+nightly
codegen_flags: <defaults>
</compile_context>

<pallas_src>
import functools

import jax
import jax.numpy as jnp
from jax import lax
from jax.experimental import pallas as pl
from jax.experimental.pallas import tpu as pltpu
from jax.experimental.pallas import tpu_sc as plsc

N = 10000
E = 320000
D = 128
H = 128

NC = 2
NS = 16
NW = NC * NS
NPAD = 10240
RPT = NPAD // NS
CH = 64
NCH = 160
HCH = NCH // 2
EPW = NCH * CH
E2 = EPW * NW

_f32 = jnp.float32
_mesh = plsc.VectorSubcoreMesh(core_axis_name="c", subcore_axis_name="s")


def _fill_vmem_1d(ref, n, val):
    def body(i, carry):
        ref[pl.ds(i * 16, 16)] = jnp.full((16,), val, _f32)
        return carry
    lax.fori_loop(0, n // 16, body, 0)


def _zero_vmem_2d(ref, rows):
    def body(i, carry):
        for j in range(D // 16):
            ref[i, pl.ds(j * 16, 16)] = jnp.zeros((16,), _f32)
        return carry
    lax.fori_loop(0, rows, body, 0)


def _deg_body(dst2d_hbm, out_hbm, didx_all, ones_v, zb, deg_sh, dsem):
    c = lax.axis_index("c")
    s = lax.axis_index("s")
    w = s * NC + c

    pltpu.sync_copy(dst2d_hbm.at[pl.ds(w * NCH, NCH)], didx_all)
    _fill_vmem_1d(ones_v, CH, 1.0)
    _fill_vmem_1d(zb, RPT, 0.0)
    pltpu.sync_copy(zb, deg_sh.at[pl.ds(s * RPT, RPT)])
    plsc.subcore_barrier()

    def chunk(j, carry):
        pltpu.async_copy(ones_v, deg_sh.at[didx_all.at[j]], dsem, add=True)

        @pl.when(j >= 8)
        def _():
            pltpu.make_async_copy(ones_v, deg_sh.at[didx_all.at[j - 8]],
                                  dsem).wait()
        return carry

    lax.fori_loop(0, NCH, chunk, 0)
    for k in range(8):
        pltpu.make_async_copy(ones_v, deg_sh.at[didx_all.at[NCH - 8 + k]],
                              dsem).wait()

    plsc.subcore_barrier()
    pltpu.sync_copy(deg_sh.at[pl.ds(s * RPT, RPT)],
                    out_hbm.at[c, pl.ds(s * RPT, RPT)])


_deg_kernel = functools.partial(
    pl.kernel,
    out_type=jax.ShapeDtypeStruct((NC, NPAD), _f32),
    mesh=_mesh,
    scratch_types=[
        pltpu.VMEM((NCH, CH), jnp.int32),
        pltpu.VMEM((CH,), _f32),
        pltpu.VMEM((RPT,), _f32),
        pltpu.VMEM_SHARED((NPAD,), _f32),
        pltpu.SemaphoreType.DMA,
    ],
)(_deg_body)


def _agg_body(y_hbm, src_hbm, dst2d_hbm, out_hbm,
              sidx_h, didx_all, rows0, rows1, rows2, rows3, acc_sh,
              gsem0, gsem1, gsem2, gsem3, ssem0, ssem1, ssem2, ssem3):
    c = lax.axis_index("c")
    s = lax.axis_index("s")
    w = s * NC + c

    rows = (rows0, rows1, rows2, rows3)
    gsem = (gsem0, gsem1, gsem2, gsem3)
    ssem = (ssem0, ssem1, ssem2, ssem3)

    _zero_vmem_2d(rows0, 64)

    def zcp(t, carry):
        pltpu.sync_copy(rows0, acc_sh.at[pl.ds(s * RPT + t * 64, 64)])
        return carry

    lax.fori_loop(0, RPT // 64, zcp, 0)
    plsc.subcore_barrier()

    def gsl(l):
        return sidx_h.at[pl.ds(l * CH, CH)]

    for h in range(2):
        jbase = h * HCH
        pltpu.sync_copy(src_hbm.at[pl.ds(w * EPW + jbase * CH, HCH * CH)],
                        sidx_h)
        pltpu.sync_copy(dst2d_hbm.at[pl.ds(w * NCH + jbase, HCH)], didx_all)
        pltpu.async_copy(y_hbm.at[gsl(0)], rows0, gsem0)
        pltpu.async_copy(y_hbm.at[gsl(1)], rows1, gsem1)

        def quad(t, carry):
            for u in range(4):
                l = 4 * t + u
                b, b2 = u, (u + 2) % 4
                pltpu.make_async_copy(y_hbm.at[gsl(l)], rows[b],
                                      gsem[b]).wait()
                pltpu.async_copy(rows[b], acc_sh.at[didx_all.at[l]],
                                 ssem[b], add=True)

                @pl.when(l >= 2)
                def _():
                    pltpu.make_async_copy(rows[b2],
                                          acc_sh.at[didx_all.at[l - 2]],
                                          ssem[b2]).wait()

                @pl.when(l + 2 < HCH)
                def _():
                    pltpu.async_copy(y_hbm.at[gsl(l + 2)], rows[b2], gsem[b2])
            return carry

        lax.fori_loop(0, HCH // 4, quad, 0)
        pltpu.make_async_copy(rows2, acc_sh.at[didx_all.at[HCH - 2]],
                              ssem2).wait()
        pltpu.make_async_copy(rows3, acc_sh.at[didx_all.at[HCH - 1]],
                              ssem3).wait()

    plsc.subcore_barrier()
    pltpu.sync_copy(acc_sh.at[pl.ds(s * RPT, RPT)],
                    out_hbm.at[c, pl.ds(s * RPT, RPT)])


_agg_kernel = functools.partial(
    pl.kernel,
    out_type=jax.ShapeDtypeStruct((NC, NPAD, D), _f32),
    mesh=_mesh,
    scratch_types=[
        pltpu.VMEM((HCH * CH,), jnp.int32),
        pltpu.VMEM((HCH, CH), jnp.int32),
        pltpu.VMEM((CH, D), _f32),
        pltpu.VMEM((CH, D), _f32),
        pltpu.VMEM((CH, D), _f32),
        pltpu.VMEM((CH, D), _f32),
        pltpu.VMEM_SHARED((NPAD, D), _f32),
        pltpu.SemaphoreType.DMA,
        pltpu.SemaphoreType.DMA,
        pltpu.SemaphoreType.DMA,
        pltpu.SemaphoreType.DMA,
        pltpu.SemaphoreType.DMA,
        pltpu.SemaphoreType.DMA,
        pltpu.SemaphoreType.DMA,
        pltpu.SemaphoreType.DMA,
    ],
)(_agg_body)


def _d_of(dp):
    return lax.rsqrt(jnp.maximum(dp[0] + dp[1] + 1.0, 1.0))


def _y1_body(x_ref, w1_ref, dp_ref, o_ref):
    d = _d_of(dp_ref[...])
    o_ref[pl.ds(0, N)] = d[:N] * jnp.dot(x_ref[...], w1_ref[...],
                                         preferred_element_type=_f32)
    o_ref[pl.ds(N, NPAD - N)] = jnp.zeros((NPAD - N, H), _f32)


def _mid_body(dp_ref, y1_ref, p_ref, b1_ref, w2_ref, o_ref):
    d = _d_of(dp_ref[...])
    p = p_ref[...]
    h = jnp.maximum(d * (p[0] + p[1] + y1_ref[...]) + b1_ref[...], 0.0)
    o_ref[...] = d * jnp.dot(h, w2_ref[...], preferred_element_type=_f32)


def _out_body(dp_ref, y2_ref, p_ref, b2_ref, o_ref):
    d = _d_of(dp_ref[...])[:N]
    p = p_ref[...]
    o_ref[...] = d * (p[0, :N] + p[1, :N] + y2_ref[pl.ds(0, N)]) + b2_ref[...]


_y1_call = pl.pallas_call(
    _y1_body, out_shape=jax.ShapeDtypeStruct((NPAD, H), _f32))
_mid_call = pl.pallas_call(
    _mid_body, out_shape=jax.ShapeDtypeStruct((NPAD, H), _f32))
_out_call = pl.pallas_call(
    _out_body, out_shape=jax.ShapeDtypeStruct((N, H), _f32))


def kernel(x, edge_index, W1, b1, W2, b2):
    src = edge_index[0]
    dst = edge_index[1]

    pad = E2 - E
    ar = jnp.arange(pad, dtype=jnp.int32)
    src_p = jnp.concatenate([src, (ar * 37) % N])
    dst_p = jnp.concatenate([dst, N + (ar % (NPAD - N))])
    dst2d = dst_p.reshape(E2 // CH, CH)

    degp = _deg_kernel(dst2d)
    dp = degp.reshape(NC, NPAD, 1)

    y1 = _y1_call(x, W1, dp)
    p1 = _agg_kernel(y1, src_p, dst2d)
    y2 = _mid_call(dp, y1, p1, b1, W2)
    p2 = _agg_kernel(y2, src_p, dst2d)
    return _out_call(dp, y2, p2, b2)

# --- scband reference (transcript-rebuilt; emitter-appended) ---
"""Pipeline reference for scband-gcn-12558484373611 (READ-ONLY COPY).

The authoritative reference and input builder live on the scoring server;
editing this copy changes nothing except your own understanding.
"""

import jax, jax.numpy as jnp
import numpy as np

N = 10000
E = 320000
D = 128
H = 128


def setup_inputs(seed: int = 0) -> dict:
    key = jax.random.key(seed)
    k1, k2, k3, k4, k5, k6 = jax.random.split(key, 6)
    x = jax.random.normal(k1, (N, D), dtype=jnp.float32)
    edge_index = jax.random.randint(k2, (2, E), 0, N, dtype=jnp.int32)
    W1 = jax.random.normal(k3, (D, H), dtype=jnp.float32) * (1.0 / np.sqrt(D))
    b1 = jnp.zeros((H,), dtype=jnp.float32)
    W2 = jax.random.normal(k4, (H, H), dtype=jnp.float32) * (1.0 / np.sqrt(H))
    b2 = jnp.zeros((H,), dtype=jnp.float32)
    return {"x": x, "edge_index": edge_index, "W1": W1, "b1": b1, "W2": W2, "b2": b2}


def _gcn_conv(x, edge_index, W, b):
    # GCNConv: x' = D^{-1/2} (A + I) D^{-1/2} (x W) + b
    src = edge_index[0]
    dst = edge_index[1]
    loop = jnp.arange(N, dtype=edge_index.dtype)
    src = jnp.concatenate([src, loop])
    dst = jnp.concatenate([dst, loop])
    deg = jnp.zeros((N,), dtype=x.dtype).at[dst].add(1.0)
    deg_inv_sqrt = jnp.where(deg > 0, jax.lax.rsqrt(jnp.maximum(deg, 1e-12)), 0.0)
    norm = deg_inv_sqrt[src] * deg_inv_sqrt[dst]
    xw = x @ W
    msg = jnp.take(xw, src, axis=0) * norm[:, None]
    out = jax.ops.segment_sum(msg, dst, num_segments=N)
    return out + b


def reference(x, edge_index, W1, b1, W2, b2):
    h = jax.nn.relu(_gcn_conv(x, edge_index, W1, b1))
    # F.dropout with training=False is identity (eval mode)
    out = _gcn_conv(h, edge_index, W2, b2)
    return out

if __name__ == "__main__":
    import jax
    _d = setup_inputs()
    print(jax.jit(kernel)(*tuple(_d.values())))

</pallas_src>

<mosaic_0001>
#map = affine_map<(d0, d1) -> (0, 0)>
module attributes {stable_mosaic.version = 14 : i64} {
  func.func @_deg_body(%arg0: i32, %arg1: i32, %arg2: memref<5120x64xi32, #tpu.memory_space<hbm>>, %arg3: memref<2x10240xf32, #tpu.memory_space<hbm>>, %arg4: memref<160x64xi32, #tpu.memory_space<vmem>>, %arg5: memref<64xf32, #tpu.memory_space<vmem>>, %arg6: memref<640xf32, #tpu.memory_space<vmem>>, %arg7: memref<10240xf32, #tpu.memory_space<vmem_shared>>, %arg8: memref<!tpu.dma_semaphore, #tpu.memory_space<semaphore_mem>>) attributes {dimension_semantics = [#tpu.dimension_semantics<core_parallel>, #tpu.dimension_semantics<subcore_parallel>], iteration_bounds = array<i64: 2, 16>, scalar_prefetch = 0 : i64, scratch_operands = 5 : i64, tpu.core_type = #tpu.core_type<sc_vector_subcore>, window_params = [{transform_indices = #map}, {transform_indices = #map}]} {
    %mul3A = arith.constant 2 : i32
    %mul3A_0 = arith.muli %arg1, %mul3A : i32
    %add3A = arith.addi %mul3A_0, %arg0 : i32
    %mul3A_1 = arith.constant 160 : i32
    %mul3A_2 = arith.muli %add3A, %mul3A_1 : i32
    "tpu.region"() ({
      %run_scoped3A = tpu.sem_alloc : memref<!tpu.dma_semaphore, #tpu.memory_space<semaphore_mem>>
      %dma_start3A = arith.constant 0 : i32
      %dma_start3A_74 = tpu.memref_slice %arg2[%mul3A_2, %dma_start3A] : memref<5120x64xi32, #tpu.memory_space<hbm>> -> memref<160x64xi32, #tpu.memory_space<hbm>>
      %dma_start3A_75 = arith.constant 0 : i32
      %dma_start3A_76 = tpu.memref_slice %arg2[%mul3A_2, %dma_start3A_75] : memref<5120x64xi32, #tpu.memory_space<hbm>> -> memref<160x64xi32, #tpu.memory_space<hbm>>
      tpu.enqueue_dma source(%dma_start3A_76 : memref<160x64xi32, #tpu.memory_space<hbm>>) target(%arg4 : memref<160x64xi32, #tpu.memory_space<vmem>>) target_semaphore(%run_scoped3A : memref<!tpu.dma_semaphore, #tpu.memory_space<semaphore_mem>>)
      %dma_wait3A_77 = arith.constant 0 : i32
      %dma_wait3A_78 = tpu.memref_slice %arg2[%mul3A_2, %dma_wait3A_77] : memref<5120x64xi32, #tpu.memory_space<hbm>> -> memref<160x64xi32, #tpu.memory_space<hbm>>
      %dma_wait3A_79 = arith.constant 0 : i32
      %dma_wait3A_80 = tpu.memref_slice %arg2[%mul3A_2, %dma_wait3A_79] : memref<5120x64xi32, #tpu.memory_space<hbm>> -> memref<160x64xi32, #tpu.memory_space<hbm>>
      tpu.wait_dma2 semaphore(%run_scoped3A : memref<!tpu.dma_semaphore, #tpu.memory_space<semaphore_mem>>) src(%dma_wait3A_80 : memref<160x64xi32, #tpu.memory_space<hbm>>) dst(%arg4 : memref<160x64xi32, #tpu.memory_space<vmem>>)
      tpu.yield
    }) : () -> ()
    %scan3A = arith.constant 0 : i32
    %scan3A_3 = arith.constant 0 : i32
    %scan3A_4 = arith.constant 4 : i32
    %scan3A_5 = arith.addi %scan3A_3, %scan3A_4 : i32
    %scan3A_6 = arith.constant 1 : i32
    scf.for %scan3A_74 = %scan3A_3 to %scan3A_5 step %scan3A_6  : i32 {
      %broadcast_in_dim3A = arith.constant 1.000000e+00 : f32
      %broadcast_in_dim3A_75 = vector.broadcast %broadcast_in_dim3A : f32 to vector<16xf32>
      %mul3A_76 = arith.constant 16 : i32
      %mul3A_77 = arith.muli %scan3A_74, %mul3A_76 : i32
      %swap3A = arith.index_cast %mul3A_77 : i32 to index
      %swap3A_78 = tpu.vector_load %arg5[%swap3A] {strides = array<i32>} : memref<64xf32, #tpu.memory_space<vmem>>, vector<16xf32>,
      %swap3A_79 = vector.shape_cast %swap3A_78 : vector<16xf32> to vector<16xf32>
      %swap3A_80 = vector.shape_cast %broadcast_in_dim3A_75 : vector<16xf32> to vector<16xf32>
      tpu.vector_store %arg5[%swap3A], %swap3A_80 {strides = array<i32>} : memref<64xf32, #tpu.memory_space<vmem>>, vector<16xf32>,
    }
    %scan3A_7 = arith.constant 4 : i32
    %scan3A_8 = arith.constant 0 : i32
    %scan3A_9 = arith.constant 0 : i32
    %scan3A_10 = arith.constant 40 : i32
    %scan3A_11 = arith.addi %scan3A_9, %scan3A_10 : i32
    %scan3A_12 = arith.constant 1 : i32
    scf.for %scan3A_74 = %scan3A_9 to %scan3A_11 step %scan3A_12  : i32 {
      %broadcast_in_dim3A = arith.constant 0.000000e+00 : f32
      %broadcast_in_dim3A_75 = vector.broadcast %broadcast_in_dim3A : f32 to vector<16xf32>
      %mul3A_76 = arith.constant 16 : i32
      %mul3A_77 = arith.muli %scan3A_74, %mul3A_76 : i32
      %swap3A = arith.index_cast %mul3A_77 : i32 to index
      %swap3A_78 = tpu.vector_load %arg6[%swap3A] {strides = array<i32>} : memref<640xf32, #tpu.memory_space<vmem>>, vector<16xf32>,
      %swap3A_79 = vector.shape_cast %swap3A_78 : vector<16xf32> to vector<16xf32>
      %swap3A_80 = vector.shape_cast %broadcast_in_dim3A_75 : vector<16xf32> to vector<16xf32>
      tpu.vector_store %arg6[%swap3A], %swap3A_80 {strides = array<i32>} : memref<640xf32, #tpu.memory_space<vmem>>, vector<16xf32>,
    }
    %scan3A_13 = arith.constant 40 : i32
    %mul3A_14 = arith.constant 640 : i32
    %mul3A_15 = arith.muli %arg1, %mul3A_14 : i32
    "tpu.region"() ({
      %run_scoped3A = tpu.sem_alloc : memref<!tpu.dma_semaphore, #tpu.memory_space<semaphore_mem>>
      %dma_start3A = tpu.memref_slice %arg7[%mul3A_15] : memref<10240xf32, #tpu.memory_space<vmem_shared>> -> memref<640xf32, #tpu.memory_space<vmem_shared>>
      %dma_start3A_74 = tpu.memref_slice %arg7[%mul3A_15] : memref<10240xf32, #tpu.memory_space<vmem_shared>> -> memref<640xf32, #tpu.memory_space<vmem_shared>>
      tpu.enqueue_dma source(%arg6 : memref<640xf32, #tpu.memory_space<vmem>>) target(%dma_start3A_74 : memref<640xf32, #tpu.memory_space<vmem_shared>>) target_semaphore(%run_scoped3A : memref<!tpu.dma_semaphore, #tpu.memory_space<semaphore_mem>>)
      %dma_wait3A_75 = tpu.memref_slice %arg7[%mul3A_15] : memref<10240xf32, #tpu.memory_space<vmem_shared>> -> memref<640xf32, #tpu.memory_space<vmem_shared>>
      %dma_wait3A_76 = tpu.memref_slice %arg7[%mul3A_15] : memref<10240xf32, #tpu.memory_space<vmem_shared>> -> memref<640xf32, #tpu.memory_space<vmem_shared>>
      tpu.wait_dma2 semaphore(%run_scoped3A : memref<!tpu.dma_semaphore, #tpu.memory_space<semaphore_mem>>) src(%arg6 : memref<640xf32, #tpu.memory_space<vmem>>) dst(%dma_wait3A_76 : memref<640xf32, #tpu.memory_space<vmem_shared>>)
      tpu.yield
    }) : () -> ()
    %barrier3A = arith.constant 0 : index
    tpu.barrier barrier_id(%barrier3A)
    %scan3A_16 = arith.constant 0 : i32
    %scan3A_17 = arith.constant 0 : i32
    %scan3A_18 = arith.constant 160 : i32
    %scan3A_19 = arith.addi %scan3A_17, %scan3A_18 : i32
    %scan3A_20 = arith.constant 1 : i32
    scf.for %scan3A_74 = %scan3A_17 to %scan3A_19 step %scan3A_20  : i32 {
      %dma_start3A = arith.constant 0 : i32
      %dma_start3A_75 = tpu.memref_slice %arg4[%scan3A_74, %dma_start3A] : memref<160x64xi32, #tpu.memory_space<vmem>> -> memref<1x64xi32, #tpu.memory_space<vmem>>
      %dma_start3A_76 = tpu.memref_squeeze %dma_start3A_75 : memref<1x64xi32, #tpu.memory_space<vmem>> -> memref<64xi32, #tpu.memory_space<vmem>>
      %dma_start3A_77 = arith.constant 0 : i32
      %dma_start3A_78 = tpu.memref_slice %arg7[%dma_start3A_77] : memref<10240xf32, #tpu.memory_space<vmem_shared>> -> memref<10240xf32, #tpu.memory_space<vmem_shared>>
      tpu.enqueue_indirect_dma source(%arg5 : memref<64xf32, #tpu.memory_space<vmem>>) target(%dma_start3A_78 : memref<10240xf32, #tpu.memory_space<vmem_shared>>) offsets(%dma_start3A_76 : memref<64xi32, #tpu.memory_space<vmem>>) semaphore(%arg8 : memref<!tpu.dma_semaphore, #tpu.memory_space<semaphore_mem>>) {add = true}
      %ge3A = arith.constant 8 : i32
      %ge3A_79 = arith.cmpi sge, %scan3A_74, %ge3A : i32
      %convert_element_type3A = arith.extui %ge3A_79 : i1 to i32
      %cond3A = arith.constant 0 : i32
      %cond3A_80 = arith.cmpi ne, %convert_element_type3A, %cond3A : i32
      scf.if %cond3A_80 {
        %sub3A = arith.constant 8 : i32
        %sub3A_81 = arith.subi %scan3A_74, %sub3A : i32
        %dma_wait3A_82 = arith.constant 0 : i32
        %dma_wait3A_83 = tpu.memref_slice %arg4[%sub3A_81, %dma_wait3A_82] : memref<160x64xi32, #tpu.memory_space<vmem>> -> memref<1x64xi32, #tpu.memory_space<vmem>>
        %dma_wait3A_84 = tpu.memref_squeeze %dma_wait3A_83 : memref<1x64xi32, #tpu.memory_space<vmem>> -> memref<64xi32, #tpu.memory_space<vmem>>
        %dma_wait3A_85 = arith.constant 0 : i32
        %dma_wait3A_86 = tpu.memref_slice %arg7[%dma_wait3A_85] : memref<10240xf32, #tpu.memory_space<vmem_shared>> -> memref<10240xf32, #tpu.memory_space<vmem_shared>>
        tpu.wait_indirect_dma semaphore(%arg8 : memref<!tpu.dma_semaphore, #tpu.memory_space<semaphore_mem>>) src(%arg5 : memref<64xf32, #tpu.memory_space<vmem>>) dst(%dma_wait3A_86 : memref<10240xf32, #tpu.memory_space<vmem_shared>>)
      } else {
      }
    }
    %scan3A_21 = arith.constant 160 : i32
    %dma_wait3A = arith.constant 152 : i32
    %dma_wait3A_22 = arith.constant 0 : i32
    %dma_wait3A_23 = tpu.memref_slice %arg4[%dma_wait3A, %dma_wait3A_22] : memref<160x64xi32, #tpu.memory_space<vmem>> -> memref<1x64xi32, #tpu.memory_space<vmem>>
    %dma_wait3A_24 = tpu.memref_squeeze %dma_wait3A_23 : memref<1x64xi32, #tpu.memory_space<vmem>> -> memref<64xi32, #tpu.memory_space<vmem>>
    %dma_wait3A_25 = arith.constant 0 : i32
    %dma_wait3A_26 = tpu.memref_slice %arg7[%dma_wait3A_25] : memref<10240xf32, #tpu.memory_space<vmem_shared>> -> memref<10240xf32, #tpu.memory_space<vmem_shared>>
    tpu.wait_indirect_dma semaphore(%arg8 : memref<!tpu.dma_semaphore, #tpu.memory_space<semaphore_mem>>) src(%arg5 : memref<64xf32, #tpu.memory_space<vmem>>) dst(%dma_wait3A_26 : memref<10240xf32, #tpu.memory_space<vmem_shared>>)
    %dma_wait3A_27 = arith.constant 153 : i32
    %dma_wait3A_28 = arith.constant 0 : i32
    %dma_wait3A_29 = tpu.memref_slice %arg4[%dma_wait3A_27, %dma_wait3A_28] : memref<160x64xi32, #tpu.memory_space<vmem>> -> memref<1x64xi32, #tpu.memory_space<vmem>>
    %dma_wait3A_30 = tpu.memref_squeeze %dma_wait3A_29 : memref<1x64xi32, #tpu.memory_space<vmem>> -> memref<64xi32, #tpu.memory_space<vmem>>
    %dma_wait3A_31 = arith.constant 0 : i32
    %dma_wait3A_32 = tpu.memref_slice %arg7[%dma_wait3A_31] : memref<10240xf32, #tpu.memory_space<vmem_shared>> -> memref<10240xf32, #tpu.memory_space<vmem_shared>>
    tpu.wait_indirect_dma semaphore(%arg8 : memref<!tpu.dma_semaphore, #tpu.memory_space<semaphore_mem>>) src(%arg5 : memref<64xf32, #tpu.memory_space<vmem>>) dst(%dma_wait3A_32 : memref<10240xf32, #tpu.memory_space<vmem_shared>>)
    %dma_wait3A_33 = arith.constant 154 : i32
    %dma_wait3A_34 = arith.constant 0 : i32
    %dma_wait3A_35 = tpu.memref_slice %arg4[%dma_wait3A_33, %dma_wait3A_34] : memref<160x64xi32, #tpu.memory_space<vmem>> -> memref<1x64xi32, #tpu.memory_space<vmem>>
    %dma_wait3A_36 = tpu.memref_squeeze %dma_wait3A_35 : memref<1x64xi32, #tpu.memory_space<vmem>> -> memref<64xi32, #tpu.memory_space<vmem>>
    %dma_wait3A_37 = arith.constant 0 : i32
    %dma_wait3A_38 = tpu.memref_slice %arg7[%dma_wait3A_37] : memref<10240xf32, #tpu.memory_space<vmem_shared>> -> memref<10240xf32, #tpu.memory_space<vmem_shared>>
    tpu.wait_indirect_dma semaphore(%arg8 : memref<!tpu.dma_semaphore, #tpu.memory_space<semaphore_mem>>) src(%arg5 : memref<64xf32, #tpu.memory_space<vmem>>) dst(%dma_wait3A_38 : memref<10240xf32, #tpu.memory_space<vmem_shared>>)
    %dma_wait3A_39 = arith.constant 155 : i32
    %dma_wait3A_40 = arith.constant 0 : i32
    %dma_wait3A_41 = tpu.memref_slice %arg4[%dma_wait3A_39, %dma_wait3A_40] : memref<160x64xi32, #tpu.memory_space<vmem>> -> memref<1x64xi32, #tpu.memory_space<vmem>>
    %dma_wait3A_42 = tpu.memref_squeeze %dma_wait3A_41 : memref<1x64xi32, #tpu.memory_space<vmem>> -> memref<64xi32, #tpu.memory_space<vmem>>
    %dma_wait3A_43 = arith.constant 0 : i32
    %dma_wait3A_44 = tpu.memref_slice %arg7[%dma_wait3A_43] : memref<10240xf32, #tpu.memory_space<vmem_shared>> -> memref<10240xf32, #tpu.memory_space<vmem_shared>>
    tpu.wait_indirect_dma semaphore(%arg8 : memref<!tpu.dma_semaphore, #tpu.memory_space<semaphore_mem>>) src(%arg5 : memref<64xf32, #tpu.memory_space<vmem>>) dst(%dma_wait3A_44 : memref<10240xf32, #tpu.memory_space<vmem_shared>>)
    %dma_wait3A_45 = arith.constant 156 : i32
    %dma_wait3A_46 = arith.constant 0 : i32
    %dma_wait3A_47 = tpu.memref_slice %arg4[%dma_wait3A_45, %dma_wait3A_46] : memref<160x64xi32, #tpu.memory_space<vmem>> -> memref<1x64xi32, #tpu.memory_space<vmem>>
    %dma_wait3A_48 = tpu.memref_squeeze %dma_wait3A_47 : memref<1x64xi32, #tpu.memory_space<vmem>> -> memref<64xi32, #tpu.memory_space<vmem>>
    %dma_wait3A_49 = arith.constant 0 : i32
    %dma_wait3A_50 = tpu.memref_slice %arg7[%dma_wait3A_49] : memref<10240xf32, #tpu.memory_space<vmem_shared>> -> memref<10240xf32, #tpu.memory_space<vmem_shared>>
    tpu.wait_indirect_dma semaphore(%arg8 : memref<!tpu.dma_semaphore, #tpu.memory_space<semaphore_mem>>) src(%arg5 : memref<64xf32, #tpu.memory_space<vmem>>) dst(%dma_wait3A_50 : memref<10240xf32, #tpu.memory_space<vmem_shared>>)
    %dma_wait3A_51 = arith.constant 157 : i32
    %dma_wait3A_52 = arith.constant 0 : i32
    %dma_wait3A_53 = tpu.memref_slice %arg4[%dma_wait3A_51, %dma_wait3A_52] : memref<160x64xi32, #tpu.memory_space<vmem>> -> memref<1x64xi32, #tpu.memory_space<vmem>>
    %dma_wait3A_54 = tpu.memref_squeeze %dma_wait3A_53 : memref<1x64xi32, #tpu.memory_space<vmem>> -> memref<64xi32, #tpu.memory_space<vmem>>
    %dma_wait3A_55 = arith.constant 0 : i32
    %dma_wait3A_56 = tpu.memref_slice %arg7[%dma_wait3A_55] : memref<10240xf32, #tpu.memory_space<vmem_shared>> -> memref<10240xf32, #tpu.memory_space<vmem_shared>>
    tpu.wait_indirect_dma semaphore(%arg8 : memref<!tpu.dma_semaphore, #tpu.memory_space<semaphore_mem>>) src(%arg5 : memref<64xf32, #tpu.memory_space<vmem>>) dst(%dma_wait3A_56 : memref<10240xf32, #tpu.memory_space<vmem_shared>>)
    %dma_wait3A_57 = arith.constant 158 : i32
    %dma_wait3A_58 = arith.constant 0 : i32
    %dma_wait3A_59 = tpu.memref_slice %arg4[%dma_wait3A_57, %dma_wait3A_58] : memref<160x64xi32, #tpu.memory_space<vmem>> -> memref<1x64xi32, #tpu.memory_space<vmem>>
    %dma_wait3A_60 = tpu.memref_squeeze %dma_wait3A_59 : memref<1x64xi32, #tpu.memory_space<vmem>> -> memref<64xi32, #tpu.memory_space<vmem>>
    %dma_wait3A_61 = arith.constant 0 : i32
    %dma_wait3A_62 = tpu.memref_slice %arg7[%dma_wait3A_61] : memref<10240xf32, #tpu.memory_space<vmem_shared>> -> memref<10240xf32, #tpu.memory_space<vmem_shared>>
    tpu.wait_indirect_dma semaphore(%arg8 : memref<!tpu.dma_semaphore, #tpu.memory_space<semaphore_mem>>) src(%arg5 : memref<64xf32, #tpu.memory_space<vmem>>) dst(%dma_wait3A_62 : memref<10240xf32, #tpu.memory_space<vmem_shared>>)
    %dma_wait3A_63 = arith.constant 159 : i32
    %dma_wait3A_64 = arith.constant 0 : i32
    %dma_wait3A_65 = tpu.memref_slice %arg4[%dma_wait3A_63, %dma_wait3A_64] : memref<160x64xi32, #tpu.memory_space<vmem>> -> memref<1x64xi32, #tpu.memory_space<vmem>>
    %dma_wait3A_66 = tpu.memref_squeeze %dma_wait3A_65 : memref<1x64xi32, #tpu.memory_space<vmem>> -> memref<64xi32, #tpu.memory_space<vmem>>
    %dma_wait3A_67 = arith.constant 0 : i32
    %dma_wait3A_68 = tpu.memref_slice %arg7[%dma_wait3A_67] : memref<10240xf32, #tpu.memory_space<vmem_shared>> -> memref<10240xf32, #tpu.memory_space<vmem_shared>>
    tpu.wait_indirect_dma semaphore(%arg8 : memref<!tpu.dma_semaphore, #tpu.memory_space<semaphore_mem>>) src(%arg5 : memref<64xf32, #tpu.memory_space<vmem>>) dst(%dma_wait3A_68 : memref<10240xf32, #tpu.memory_space<vmem_shared>>)
    %barrier3A_69 = arith.constant 0 : index
    tpu.barrier barrier_id(%barrier3A_69)
    %mul3A_70 = arith.constant 640 : i32
    %mul3A_71 = arith.muli %arg1, %mul3A_70 : i32
    %mul3A_72 = arith.constant 640 : i32
    %mul3A_73 = arith.muli %arg1, %mul3A_72 : i32
    "tpu.region"() ({
      %run_scoped3A = tpu.sem_alloc : memref<!tpu.dma_semaphore, #tpu.memory_space<semaphore_mem>>
      %dma_start3A = tpu.memref_slice %arg3[%arg0, %mul3A_73] : memref<2x10240xf32, #tpu.memory_space<hbm>> -> memref<1x640xf32, #tpu.memory_space<hbm>>
      %dma_start3A_74 = tpu.memref_squeeze %dma_start3A : memref<1x640xf32, #tpu.memory_space<hbm>> -> memref<640xf32, #tpu.memory_space<hbm>>
      %dma_start3A_75 = tpu.memref_slice %arg7[%mul3A_71] : memref<10240xf32, #tpu.memory_space<vmem_shared>> -> memref<640xf32, #tpu.memory_space<vmem_shared>>
      tpu.enqueue_dma source(%dma_start3A_75 : memref<640xf32, #tpu.memory_space<vmem_shared>>) target(%dma_start3A_74 : memref<640xf32, #tpu.memory_space<hbm>>) target_semaphore(%run_scoped3A : memref<!tpu.dma_semaphore, #tpu.memory_space<semaphore_mem>>)
      %dma_wait3A_76 = tpu.memref_slice %arg3[%arg0, %mul3A_73] : memref<2x10240xf32, #tpu.memory_space<hbm>> -> memref<1x640xf32, #tpu.memory_space<hbm>>
      %dma_wait3A_77 = tpu.memref_squeeze %dma_wait3A_76 : memref<1x640xf32, #tpu.memory_space<hbm>> -> memref<640xf32, #tpu.memory_space<hbm>>
      %dma_wait3A_78 = tpu.memref_slice %arg7[%mul3A_71] : memref<10240xf32, #tpu.memory_space<vmem_shared>> -> memref<640xf32, #tpu.memory_space<vmem_shared>>
      tpu.wait_dma2 semaphore(%run_scoped3A : memref<!tpu.dma_semaphore, #tpu.memory_space<semaphore_mem>>) src(%dma_wait3A_78 : memref<640xf32, #tpu.memory_space<vmem_shared>>) dst(%dma_wait3A_77 : memref<640xf32, #tpu.memory_space<hbm>>)
      tpu.yield
    }) : () -> ()
    return
  }
}

#map = affine_map<(d0, d1) -> (0, 0)>
#map1 = affine_map<(d0, d1) -> (0)>
#map2 = affine_map<(d0, d1) -> (0, 0, 0)>
module attributes {stable_mosaic.version = 14 : i64} {
  func.func @_agg_body(%arg0: i32, %arg1: i32, %arg2: memref<10240x128xf32, #tpu.memory_space<hbm>>, %arg3: memref<327680xi32, #tpu.memory_space<hbm>>, %arg4: memref<5120x64xi32, #tpu.memory_space<hbm>>, %arg5: memref<2x10240x128xf32, #tpu.memory_space<hbm>>, %arg6: memref<5120xi32, #tpu.memory_space<vmem>>, %arg7: memref<80x64xi32, #tpu.memory_space<vmem>>, %arg8: memref<64x128xf32, #tpu.memory_space<vmem>>, %arg9: memref<64x128xf32, #tpu.memory_space<vmem>>, %arg10: memref<64x128xf32, #tpu.memory_space<vmem>>, %arg11: memref<64x128xf32, #tpu.memory_space<vmem>>, %arg12: memref<10240x128xf32, #tpu.memory_space<vmem_shared>>, %arg13: memref<!tpu.dma_semaphore, #tpu.memory_space<semaphore_mem>>, %arg14: memref<!tpu.dma_semaphore, #tpu.memory_space<semaphore_mem>>, %arg15: memref<!tpu.dma_semaphore, #tpu.memory_space<semaphore_mem>>, %arg16: memref<!tpu.dma_semaphore, #tpu.memory_space<semaphore_mem>>, %arg17: memref<!tpu.dma_semaphore, #tpu.memory_space<semaphore_mem>>, %arg18: memref<!tpu.dma_semaphore, #tpu.memory_space<semaphore_mem>>, %arg19: memref<!tpu.dma_semaphore, #tpu.memory_space<semaphore_mem>>, %arg20: memref<!tpu.dma_semaphore, #tpu.memory_space<semaphore_mem>>) attributes {dimension_semantics = [#tpu.dimension_semantics<core_parallel>, #tpu.dimension_semantics<subcore_parallel>], iteration_bounds = array<i64: 2, 16>, scalar_prefetch = 0 : i64, scratch_operands = 15 : i64, tpu.core_type = #tpu.core_type<sc_vector_subcore>, window_params = [{transform_indices = #map}, {transform_indices = #map1}, {transform_indices = #map}, {transform_indices = #map2}]} {
    %mul3A = arith.constant 2 : i32
    %mul3A_0 = arith.muli %arg1, %mul3A : i32
    %add3A = arith.addi %mul3A_0, %arg0 : i32
    %scan3A = arith.constant 0 : i32
    %scan3A_1 = arith.constant 0 : i32
    %scan3A_2 = arith.constant 64 : i32
    %scan3A_3 = arith.addi %scan3A_1, %scan3A_2 : i32
    %scan3A_4 = arith.constant 1 : i32
    scf.for %scan3A_91 = %scan3A_1 to %scan3A_3 step %scan3A_4  : i32 {
      %broadcast_in_dim3A = arith.constant 0.000000e+00 : f32
      %broadcast_in_dim3A_92 = vector.broadcast %broadcast_in_dim3A : f32 to vector<16xf32>
      %swap3A = arith.index_cast %scan3A_91 : i32 to index
      %swap3A_93 = arith.constant 0 : index
      %swap3A_94 = tpu.vector_load %arg8[%swap3A, %swap3A_93] {strides = array<i32>} : memref<64x128xf32, #tpu.memory_space<vmem>>, vector<1x16xf32>,
      %swap3A_95 = vector.shape_cast %swap3A_94 : vector<1x16xf32> to vector<16xf32>
      %swap3A_96 = vector.shape_cast %broadcast_in_dim3A_92 : vector<16xf32> to vector<1x16xf32>
      tpu.vector_store %arg8[%swap3A, %swap3A_93], %swap3A_96 {strides = array<i32>} : memref<64x128xf32, #tpu.memory_space<vmem>>, vector<1x16xf32>,
      %broadcast_in_dim3A_97 = arith.constant 0.000000e+00 : f32
      %broadcast_in_dim3A_98 = vector.broadcast %broadcast_in_dim3A_97 : f32 to vector<16xf32>
      %swap3A_99 = arith.index_cast %scan3A_91 : i32 to index
      %swap3A_100 = arith.constant 16 : index
      %swap3A_101 = tpu.vector_load %arg8[%swap3A_99, %swap3A_100] {strides = array<i32>} : memref<64x128xf32, #tpu.memory_space<vmem>>, vector<1x16xf32>,
      %swap3A_102 = vector.shape_cast %swap3A_101 : vector<1x16xf32> to vector<16xf32>
      %swap3A_103 = vector.shape_cast %broadcast_in_dim3A_98 : vector<16xf32> to vector<1x16xf32>
      tpu.vector_store %arg8[%swap3A_99, %swap3A_100], %swap3A_103 {strides = array<i32>} : memref<64x128xf32, #tpu.memory_space<vmem>>, vector<1x16xf32>,
      %broadcast_in_dim3A_104 = arith.constant 0.000000e+00 : f32
      %broadcast_in_dim3A_105 = vector.broadcast %broadcast_in_dim3A_104 : f32 to vector<16xf32>
      %swap3A_106 = arith.index_cast %scan3A_91 : i32 to index
      %swap3A_107 = arith.constant 32 : index
      %swap3A_108 = tpu.vector_load %arg8[%swap3A_106, %swap3A_107] {strides = array<i32>} : memref<64x128xf32, #tpu.memory_space<vmem>>, vector<1x16xf32>,
      %swap3A_109 = vector.shape_cast %swap3A_108 : vector<1x16xf32> to vector<16xf32>
      %swap3A_110 = vector.shape_cast %broadcast_in_dim3A_105 : vector<16xf32> to vector<1x16xf32>
      tpu.vector_store %arg8[%swap3A_106, %swap3A_107], %swap3A_110 {strides = array<i32>} : memref<64x128xf32, #tpu.memory_space<vmem>>, vector<1x16xf32>,
      %broadcast_in_dim3A_111 = arith.constant 0.000000e+00 : f32
      %broadcast_in_dim3A_112 = vector.broadcast %broadcast_in_dim3A_111 : f32 to vector<16xf32>
      %swap3A_113 = arith.index_cast %scan3A_91 : i32 to index
      %swap3A_114 = arith.constant 48 : index
      %swap3A_115 = tpu.vector_load %arg8[%swap3A_113, %swap3A_114] {strides = array<i32>} : memref<64x128xf32, #tpu.memory_space<vmem>>, vector<1x16xf32>,
      %swap3A_116 = vector.shape_cast %swap3A_115 : vector<1x16xf32> to vector<16xf32>
      %swap3A_117 = vector.shape_cast %broadcast_in_dim3A_112 : vector<16xf32> to vector<1x16xf32>
      tpu.vector_store %arg8[%swap3A_113, %swap3A_114], %swap3A_117 {strides = array<i32>} : memref<64x128xf32, #tpu.memory_space<vmem>>, vector<1x16xf32>,
      %broadcast_in_dim3A_118 = arith.constant 0.000000e+00 : f32
      %broadcast_in_dim3A_119 = vector.broadcast %broadcast_in_dim3A_118 : f32 to vector<16xf32>
      %swap3A_120 = arith.index_cast %scan3A_91 : i32 to index
      %swap3A_121 = arith.constant 64 : index
      %swap3A_122 = tpu.vector_load %arg8[%swap3A_120, %swap3A_121] {strides = array<i32>} : memref<64x128xf32, #tpu.memory_space<vmem>>, vector<1x16xf32>,
      %swap3A_123 = vector.shape_cast %swap3A_122 : vector<1x16xf32> to vector<16xf32>
      %swap3A_124 = vector.shape_cast %broadcast_in_dim3A_119 : vector<16xf32> to vector<1x16xf32>
      tpu.vector_store %arg8[%swap3A_120, %swap3A_121], %swap3A_124 {strides = array<i32>} : memref<64x128xf32, #tpu.memory_space<vmem>>, vector<1x16xf32>,
      %broadcast_in_dim3A_125 = arith.constant 0.000000e+00 : f32
      %broadcast_in_dim3A_126 = vector.broadcast %broadcast_in_dim3A_125 : f32 to vector<16xf32>
      %swap3A_127 = arith.index_cast %scan3A_91 : i32 to index
      %swap3A_128 = arith.constant 80 : index
      %swap3A_129 = tpu.vector_load %arg8[%swap3A_127, %swap3A_128] {strides = array<i32>} : memref<64x128xf32, #tpu.memory_space<vmem>>, vector<1x16xf32>,
      %swap3A_130 = vector.shape_cast %swap3A_129 : vector<1x16xf32> to vector<16xf32>
      %swap3A_131 = vector.shape_cast %broadcast_in_dim3A_126 : vector<16xf32> to vector<1x16xf32>
      tpu.vector_store %arg8[%swap3A_127, %swap3A_128], %swap3A_131 {strides = array<i32>} : memref<64x128xf32, #tpu.memory_space<vmem>>, vector<1x16xf32>,
      %broadcast_in_dim3A_132 = arith.constant 0.000000e+00 : f32
      %broadcast_in_dim3A_133 = vector.broadcast %broadcast_in_dim3A_132 : f32 to vector<16xf32>
      %swap3A_134 = arith.index_cast %scan3A_91 : i32 to index
      %swap3A_135 = arith.constant 96 : index
      %swap3A_136 = tpu.vector_load %arg8[%swap3A_134, %swap3A_135] {strides = array<i32>} : memref<64x128xf32, #tpu.memory_space<vmem>>, vector<1x16xf32>,
      %swap3A_137 = vector.shape_cast %swap3A_136 : vector<1x16xf32> to vector<16xf32>
      %swap3A_138 = vector.shape_cast %broadcast_in_dim3A_133 : vector<16xf32> to vector<1x16xf32>
      tpu.vector_store %arg8[%swap3A_134, %swap3A_135], %swap3A_138 {strides = array<i32>} : memref<64x128xf32, #tpu.memory_space<vmem>>, vector<1x16xf32>,
      %broadcast_in_dim3A_139 = arith.constant 0.000000e+00 : f32
      %broadcast_in_dim3A_140 = vector.broadcast %broadcast_in_dim3A_139 : f32 to vector<16xf32>
      %swap3A_141 = arith.index_cast %scan3A_91 : i32 to index
      %swap3A_142 = arith.constant 112 : index
      %swap3A_143 = tpu.vector_load %arg8[%swap3A_141, %swap3A_142] {strides = array<i32>} : memref<64x128xf32, #tpu.memory_space<vmem>>, vector<1x16xf32>,
      %swap3A_144 = vector.shape_cast %swap3A_143 : vector<1x16xf32> to vector<16xf32>
      %swap3A_145 = vector.shape_cast %broadcast_in_dim3A_140 : vector<16xf32> to vector<1x16xf32>
      tpu.vector_store %arg8[%swap3A_141, %swap3A_142], %swap3A_145 {strides = array<i32>} : memref<64x128xf32, #tpu.memory_space<vmem>>, vector<1x16xf32>,
    }
    %scan3A_5 = arith.constant 64 : i32
    %scan3A_6 = arith.constant 0 : i32
    %scan3A_7 = arith.constant 0 : i32
    %scan3A_8 = arith.constant 10 : i32
    %scan3A_9 = arith.addi %scan3A_7, %scan3A_8 : i32
    %scan3A_10 = arith.constant 1 : i32
    scf.for %scan3A_91 = %scan3A_7 to %scan3A_9 step %scan3A_10  : i32 {
      %mul3A_92 = arith.constant 640 : i32
      %mul3A_93 = arith.muli %arg1, %mul3A_92 : i32
      %mul3A_94 = arith.constant 64 : i32
      %mul3A_95 = arith.muli %scan3A_91, %mul3A_94 : i32
      %add3A_96 = arith.addi %mul3A_93, %mul3A_95 : i32
      "tpu.region"() ({
        %run_scoped3A = tpu.sem_alloc : memref<!tpu.dma_semaphore, #tpu.memory_space<semaphore_mem>>
        %dma_start3A_97 = arith.constant 0 : i32
        %dma_start3A_98 = tpu.memref_slice %arg12[%add3A_96, %dma_start3A_97] : memref<10240x128xf32, #tpu.memory_space<vmem_shared>> -> memref<64x128xf32, #tpu.memory_space<vmem_shared>>
        %dma_start3A_99 = arith.constant 0 : i32
        %dma_start3A_100 = tpu.memref_slice %arg12[%add3A_96, %dma_start3A_99] : memref<10240x128xf32, #tpu.memory_space<vmem_shared>> -> memref<64x128xf32, #tpu.memory_space<vmem_shared>>
        tpu.enqueue_dma source(%arg8 : memref<64x128xf32, #tpu.memory_space<vmem>>) target(%dma_start3A_100 : memref<64x128xf32, #tpu.memory_space<vmem_shared>>) target_semaphore(%run_scoped3A : memref<!tpu.dma_semaphore, #tpu.memory_space<semaphore_mem>>)
        %dma_wait3A_101 = arith.constant 0 : i32
        %dma_wait3A_102 = tpu.memref_slice %arg12[%add3A_96, %dma_wait3A_101] : memref<10240x128xf32, #tpu.memory_space<vmem_shared>> -> memref<64x128xf32, #tpu.memory_space<vmem_shared>>
        %dma_wait3A_103 = arith.constant 0 : i32
        %dma_wait3A_104 = tpu.memref_slice %arg12[%add3A_96, %dma_wait3A_103] : memref<10240x128xf32, #tpu.memory_space<vmem_shared>> -> memref<64x128xf32, #tpu.memory_space<vmem_shared>>
        tpu.wait_dma2 semaphore(%run_scoped3A : memref<!tpu.dma_semaphore, #tpu.memory_space<semaphore_mem>>) src(%arg8 : memref<64x128xf32, #tpu.memory_space<vmem>>) dst(%dma_wait3A_104 : memref<64x128xf32, #tpu.memory_space<vmem_shared>>)
        tpu.yield
      }) : () -> ()
    }
    %scan3A_11 = arith.constant 10 : i32
    %barrier3A = arith.constant 0 : index
    tpu.barrier barrier_id(%barrier3A)
    %mul3A_12 = arith.constant 10240 : i32
    %mul3A_13 = arith.muli %add3A, %mul3A_12 : i32
    %add3A_14 = arith.constant 0 : i32
    %add3A_15 = arith.addi %mul3A_13, %add3A_14 : i32
    "tpu.region"() ({
      %run_scoped3A = tpu.sem_alloc : memref<!tpu.dma_semaphore, #tpu.memory_space<semaphore_mem>>
      %dma_start3A_91 = tpu.memref_slice %arg3[%add3A_15] : memref<327680xi32, #tpu.memory_space<hbm>> -> memref<5120xi32, #tpu.memory_space<hbm>>
      %dma_start3A_92 = tpu.memref_slice %arg3[%add3A_15] : memref<327680xi32, #tpu.memory_space<hbm>> -> memref<5120xi32, #tpu.memory_space<hbm>>
      tpu.enqueue_dma source(%dma_start3A_92 : memref<5120xi32, #tpu.memory_space<hbm>>) target(%arg6 : memref<5120xi32, #tpu.memory_space<vmem>>) target_semaphore(%run_scoped3A : memref<!tpu.dma_semaphore, #tpu.memory_space<semaphore_mem>>)
      %dma_wait3A_93 = tpu.memref_slice %arg3[%add3A_15] : memref<327680xi32, #tpu.memory_space<hbm>> -> memref<5120xi32, #tpu.memory_space<hbm>>
      %dma_wait3A_94 = tpu.memref_slice %arg3[%add3A_15] : memref<327680xi32, #tpu.memory_space<hbm>> -> memref<5120xi32, #tpu.memory_space<hbm>>
      tpu.wait_dma2 semaphore(%run_scoped3A : memref<!tpu.dma_semaphore, #tpu.memory_space<semaphore_mem>>) src(%dma_wait3A_94 : memref<5120xi32, #tpu.memory_space<hbm>>) dst(%arg6 : memref<5120xi32, #tpu.memory_space<vmem>>)
      tpu.yield
    }) : () -> ()
    %mul3A_16 = arith.constant 160 : i32
    %mul3A_17 = arith.muli %add3A, %mul3A_16 : i32
    %add3A_18 = arith.constant 0 : i32
    %add3A_19 = arith.addi %mul3A_17, %add3A_18 : i32
    "tpu.region"() ({
      %run_scoped3A = tpu.sem_alloc : memref<!tpu.dma_semaphore, #tpu.memory_space<semaphore_mem>>
      %dma_start3A_91 = arith.constant 0 : i32
      %dma_start3A_92 = tpu.memref_slice %arg4[%add3A_19, %dma_start3A_91] : memref<5120x64xi32, #tpu.memory_space<hbm>> -> memref<80x64xi32, #tpu.memory_space<hbm>>
      %dma_start3A_93 = arith.constant 0 : i32
      %dma_start3A_94 = tpu.memref_slice %arg4[%add3A_19, %dma_start3A_93] : memref<5120x64xi32, #tpu.memory_space<hbm>> -> memref<80x64xi32, #tpu.memory_space<hbm>>
      tpu.enqueue_dma source(%dma_start3A_94 : memref<80x64xi32, #tpu.memory_space<hbm>>) target(%arg7 : memref<80x64xi32, #tpu.memory_space<vmem>>) target_semaphore(%run_scoped3A : memref<!tpu.dma_semaphore, #tpu.memory_space<semaphore_mem>>)
      %dma_wait3A_95 = arith.constant 0 : i32
      %dma_wait3A_96 = tpu.memref_slice %arg4[%add3A_19, %dma_wait3A_95] : memref<5120x64xi32, #tpu.memory_space<hbm>> -> memref<80x64xi32, #tpu.memory_space<hbm>>
      %dma_wait3A_97 = arith.constant 0 : i32
      %dma_wait3A_98 = tpu.memref_slice %arg4[%add3A_19, %dma_wait3A_97] : memref<5120x64xi32, #tpu.memory_space<hbm>> -> memref<80x64xi32, #tpu.memory_space<hbm>>
      tpu.wait_dma2 semaphore(%run_scoped3A : memref<!tpu.dma_semaphore, #tpu.memory_space<semaphore_mem>>) src(%dma_wait3A_98 : memref<80x64xi32, #tpu.memory_space<hbm>>) dst(%arg7 : memref<80x64xi32, #tpu.memory_space<vmem>>)
      tpu.yield
    }) : () -> ()
    %dma_start3A = arith.constant 0 : i32
    %dma_start3A_20 = tpu.memref_slice %arg6[%dma_start3A] : memref<5120xi32, #tpu.memory_space<vmem>> -> memref<64xi32, #tpu.memory_space<vmem>>
    %dma_start3A_21 = arith.constant 0 : i32
    %dma_start3A_22 = arith.constant 0 : i32
    %dma_start3A_23 = tpu.memref_slice %arg2[%dma_start3A_21, %dma_start3A_22] : memref<10240x128xf32, #tpu.memory_space<hbm>> -> memref<10240x128xf32, #tpu.memory_space<hbm>>
    tpu.enqueue_indirect_dma source(%dma_start3A_23 : memref<10240x128xf32, #tpu.memory_space<hbm>>) target(%arg8 : memref<64x128xf32, #tpu.memory_space<vmem>>) offsets(%dma_start3A_20 : memref<64xi32, #tpu.memory_space<vmem>>) semaphore(%arg13 : memref<!tpu.dma_semaphore, #tpu.memory_space<semaphore_mem>>)
    %dma_start3A_24 = arith.constant 64 : i32
    %dma_start3A_25 = tpu.memref_slice %arg6[%dma_start3A_24] : memref<5120xi32, #tpu.memory_space<vmem>> -> memref<64xi32, #tpu.memory_space<vmem>>
    %dma_start3A_26 = arith.constant 0 : i32
    %dma_start3A_27 = arith.constant 0 : i32
    %dma_start3A_28 = tpu.memref_slice %arg2[%dma_start3A_26, %dma_start3A_27] : memref<10240x128xf32, #tpu.memory_space<hbm>> -> memref<10240x128xf32, #tpu.memory_space<hbm>>
    tpu.enqueue_indirect_dma source(%dma_start3A_28 : memref<10240x128xf32, #tpu.memory_space<hbm>>) target(%arg9 : memref<64x128xf32, #tpu.memory_space<vmem>>) offsets(%dma_start3A_25 : memref<64xi32, #tpu.memory_space<vmem>>) semaphore(%arg14 : memref<!tpu.dma_semaphore, #tpu.memory_space<semaphore_mem>>)
    %scan3A_29 = arith.constant 0 : i32
    %scan3A_30 = arith.constant 0 : i32
    %scan3A_31 = arith.constant 20 : i32
    %scan3A_32 = arith.addi %scan3A_30, %scan3A_31 : i32
    %scan3A_33 = arith.constant 1 : i32
    scf.for %scan3A_91 = %scan3A_30 to %scan3A_32 step %scan3A_33  : i32 {
      %mul3A_92 = arith.constant 4 : i32
      %mul3A_93 = arith.muli %mul3A_92, %scan3A_91 : i32
      %add3A_94 = arith.constant 0 : i32
      %add3A_95 = arith.addi %mul3A_93, %add3A_94 : i32
      %mul3A_96 = arith.constant 64 : i32
      %mul3A_97 = arith.muli %add3A_95, %mul3A_96 : i32
      %dma_wait3A_98 = tpu.memref_slice %arg6[%mul3A_97] : memref<5120xi32, #tpu.memory_space<vmem>> -> memref<64xi32, #tpu.memory_space<vmem>>
      %dma_wait3A_99 = arith.constant 0 : i32
      %dma_wait3A_100 = arith.constant 0 : i32
      %dma_wait3A_101 = tpu.memref_slice %arg2[%dma_wait3A_99, %dma_wait3A_100] : memref<10240x128xf32, #tpu.memory_space<hbm>> -> memref<10240x128xf32, #tpu.memory_space<hbm>>
      tpu.wait_indirect_dma semaphore(%arg13 : memref<!tpu.dma_semaphore, #tpu.memory_space<semaphore_mem>>) src(%dma_wait3A_101 : memref<10240x128xf32, #tpu.memory_space<hbm>>) dst(%arg8 : memref<64x128xf32, #tpu.memory_space<vmem>>)
      %dma_start3A_102 = arith.constant 0 : i32
      %dma_start3A_103 = tpu.memref_slice %arg7[%add3A_95, %dma_start3A_102] : memref<80x64xi32, #tpu.memory_space<vmem>> -> memref<1x64xi32, #tpu.memory_space<vmem>>
      %dma_start3A_104 = tpu.memref_squeeze %dma_start3A_103 : memref<1x64xi32, #tpu.memory_space<vmem>> -> memref<64xi32, #tpu.memory_space<vmem>>
      %dma_start3A_105 = arith.constant 0 : i32
      %dma_start3A_106 = arith.constant 0 : i32
      %dma_start3A_107 = tpu.memref_slice %arg12[%dma_start3A_105, %dma_start3A_106] : memref<10240x128xf32, #tpu.memory_space<vmem_shared>> -> memref<10240x128xf32, #tpu.memory_space<vmem_shared>>
      tpu.enqueue_indirect_dma source(%arg8 : memref<64x128xf32, #tpu.memory_space<vmem>>) target(%dma_start3A_107 : memref<10240x128xf32, #tpu.memory_space<vmem_shared>>) offsets(%dma_start3A_104 : memref<64xi32, #tpu.memory_space<vmem>>) semaphore(%arg17 : memref<!tpu.dma_semaphore, #tpu.memory_space<semaphore_mem>>) {add = true}
      %ge3A = arith.constant 2 : i32
      %ge3A_108 = arith.cmpi sge, %add3A_95, %ge3A : i32
      %convert_element_type3A = arith.extui %ge3A_108 : i1 to i32
      %cond3A = arith.constant 0 : i32
      %cond3A_109 = arith.cmpi ne, %convert_element_type3A, %cond3A : i32
      scf.if %cond3A_109 {
        %sub3A = arith.constant 2 : i32
        %sub3A_200 = arith.subi %add3A_95, %sub3A : i32
        %dma_wait3A_201 = arith.constant 0 : i32
        %dma_wait3A_202 = tpu.memref_slice %arg7[%sub3A_200, %dma_wait3A_201] : memref<80x64xi32, #tpu.memory_space<vmem>> -> memref<1x64xi32, #tpu.memory_space<vmem>>
        %dma_wait3A_203 = tpu.memref_squeeze %dma_wait3A_202 : memref<1x64xi32, #tpu.memory_space<vmem>> -> memref<64xi32, #tpu.memory_space<vmem>>
        %dma_wait3A_204 = arith.constant 0 : i32
        %dma_wait3A_205 = arith.constant 0 : i32
        %dma_wait3A_206 = tpu.memref_slice %arg12[%dma_wait3A_204, %dma_wait3A_205] : memref<10240x128xf32, #tpu.memory_space<vmem_shared>> -> memref<10240x128xf32, #tpu.memory_space<vmem_shared>>
        tpu.wait_indirect_dma semaphore(%arg19 : memref<!tpu.dma_semaphore, #tpu.memory_space<semaphore_mem>>) src(%arg10 : memref<64x128xf32, #tpu.memory_space<vmem>>) dst(%dma_wait3A_206 : memref<10240x128xf32, #tpu.memory_space<vmem_shared>>)
      } else {
      }
      %add3A_110 = arith.constant 2 : i32
      %add3A_111 = arith.addi %add3A_95, %add3A_110 : i32
      %lt3A = arith.constant 80 : i32
      %lt3A_112 = arith.cmpi slt, %add3A_111, %lt3A : i32
      %convert_element_type3A_113 = arith.extui %lt3A_112 : i1 to i32
      %cond3A_114 = arith.constant 0 : i32
      %cond3A_115 = arith.cmpi ne, %convert_element_type3A_113, %cond3A_114 : i32
      scf.if %cond3A_115 {
        %add3A_200 = arith.constant 2 : i32
        %add3A_201 = arith.addi %add3A_95, %add3A_200 : i32
        %mul3A_202 = arith.constant 64 : i32
        %mul3A_203 = arith.muli %add3A_201, %mul3A_202 : i32
        %dma_start3A_204 = tpu.memref_slice %arg6[%mul3A_203] : memref<5120xi32, #tpu.memory_space<vmem>> -> memref<64xi32, #tpu.memory_space<vmem>>
        %dma_start3A_205 = arith.constant 0 : i32
        %dma_start3A_206 = arith.constant 0 : i32
        %dma_start3A_207 = tpu.memref_slice %arg2[%dma_start3A_205, %dma_start3A_206] : memref<10240x128xf32, #tpu.memory_space<hbm>> -> memref<10240x128xf32, #tpu.memory_space<hbm>>
        tpu.enqueue_indirect_dma source(%dma_start3A_207 : memref<10240x128xf32, #tpu.memory_space<hbm>>) target(%arg10 : memref<64x128xf32, #tpu.memory_space<vmem>>) offsets(%dma_start3A_204 : memref<64xi32, #tpu.memory_space<vmem>>) semaphore(%arg15 : memref<!tpu.dma_semaphore, #tpu.memory_space<semaphore_mem>>)
      } else {
      }
      %mul3A_116 = arith.constant 4 : i32
      %mul3A_117 = arith.muli %mul3A_116, %scan3A_91 : i32
      %add3A_118 = arith.constant 1 : i32
      %add3A_119 = arith.addi %mul3A_117, %add3A_118 : i32
      %mul3A_120 = arith.constant 64 : i32
      %mul3A_121 = arith.muli %add3A_119, %mul3A_120 : i32
      %dma_wait3A_122 = tpu.memref_slice %arg6[%mul3A_121] : memref<5120xi32, #tpu.memory_space<vmem>> -> memref<64xi32, #tpu.memory_space<vmem>>
      %dma_wait3A_123 = arith.constant 0 : i32
      %dma_wait3A_124 = arith.constant 0 : i32
      %dma_wait3A_125 = tpu.memref_slice %arg2[%dma_wait3A_123, %dma_wait3A_124] : memref<10240x128xf32, #tpu.memory_space<hbm>> -> memref<10240x128xf32, #tpu.memory_space<hbm>>
      tpu.wait_indirect_dma semaphore(%arg14 : memref<!tpu.dma_semaphore, #tpu.memory_space<semaphore_mem>>) src(%dma_wait3A_125 : memref<10240x128xf32, #tpu.memory_space<hbm>>) dst(%arg9 : memref<64x128xf32, #tpu.memory_space<vmem>>)
      %dma_start3A_126 = arith.constant 0 : i32
      %dma_start3A_127 = tpu.memref_slice %arg7[%add3A_119, %dma_start3A_126] : memref<80x64xi32, #tpu.memory_space<vmem>> -> memref<1x64xi32, #tpu.memory_space<vmem>>
      %dma_start3A_128 = tpu.memref_squeeze %dma_start3A_127 : memref<1x64xi32, #tpu.memory_space<vmem>> -> memref<64xi32, #tpu.memory_space<vmem>>
      %dma_start3A_129 = arith.constant 0 : i32
      %dma_start3A_130 = arith.constant 0 : i32
      %dma_start3A_131 = tpu.memref_slice %arg12[%dma_start3A_129, %dma_start3A_130] : memref<10240x128xf32, #tpu.memory_space<vmem_shared>> -> memref<10240x128xf32, #tpu.memory_space<vmem_shared>>
      tpu.enqueue_indirect_dma source(%arg9 : memref<64x128xf32, #tpu.memory_space<vmem>>) target(%dma_start3A_131 : memref<10240x128xf32, #tpu.memory_space<vmem_shared>>) offsets(%dma_start3A_128 : memref<64xi32, #tpu.memory_space<vmem>>) semaphore(%arg18 : memref<!tpu.dma_semaphore, #tpu.memory_space<semaphore_mem>>) {add = true}
      %ge3A_132 = arith.constant 2 : i32
      %ge3A_133 = arith.cmpi sge, %add3A_119, %ge3A_132 : i32
      %convert_element_type3A_134 = arith.extui %ge3A_133 : i1 to i32
      %cond3A_135 = arith.constant 0 : i32
      %cond3A_136 = arith.cmpi ne, %convert_element_type3A_134, %cond3A_135 : i32
      scf.if %cond3A_136 {
        %sub3A = arith.constant 2 : i32
        %sub3A_200 = arith.subi %add3A_119, %sub3A : i32
        %dma_wait3A_201 = arith.constant 0 : i32
        %dma_wait3A_202 = tpu.memref_slice %arg7[%sub3A_200, %dma_wait3A_201] : memref<80x64xi32, #tpu.memory_space<vmem>> -> memref<1x64xi32, #tpu.memory_space<vmem>>
        %dma_wait3A_203 = tpu.memref_squeeze %dma_wait3A_202 : memref<1x64xi32, #tpu.memory_space<vmem>> -> memref<64xi32, #tpu.memory_space<vmem>>
        %dma_wait3A_204 = arith.constant 0 : i32
        %dma_wait3A_205 = arith.constant 0 : i32
        %dma_wait3A_206 = tpu.memref_slice %arg12[%dma_wait3A_204, %dma_wait3A_205] : memref<10240x128xf32, #tpu.memory_space<vmem_shared>> -> memref<10240x128xf32, #tpu.memory_space<vmem_shared>>
        tpu.wait_indirect_dma semaphore(%arg20 : memref<!tpu.dma_semaphore, #tpu.memory_space<semaphore_mem>>) src(%arg11 : memref<64x128xf32, #tpu.memory_space<vmem>>) dst(%dma_wait3A_206 : memref<10240x128xf32, #tpu.memory_space<vmem_shared>>)
      } else {
      }
      %add3A_137 = arith.constant 2 : i32
      %add3A_138 = arith.addi %add3A_119, %add3A_137 : i32
      %lt3A_139 = arith.constant 80 : i32
      %lt3A_140 = arith.cmpi slt, %add3A_138, %lt3A_139 : i32
      %convert_element_type3A_141 = arith.extui %lt3A_140 : i1 to i32
      %cond3A_142 = arith.constant 0 : i32
      %cond3A_143 = arith.cmpi ne, %convert_element_type3A_141, %cond3A_142 : i32
      scf.if %cond3A_143 {
        %add3A_200 = arith.constant 2 : i32
        %add3A_201 = arith.addi %add3A_119, %add3A_200 : i32
        %mul3A_202 = arith.constant 64 : i32
        %mul3A_203 = arith.muli %add3A_201, %mul3A_202 : i32
        %dma_start3A_204 = tpu.memref_slice %arg6[%mul3A_203] : memref<5120xi32, #tpu.memory_space<vmem>> -> memref<64xi32, #tpu.memory_space<vmem>>
        %dma_start3A_205 = arith.constant 0 : i32
        %dma_start3A_206 = arith.constant 0 : i32
        %dma_start3A_207 = tpu.memref_slice %arg2[%dma_start3A_205, %dma_start3A_206] : memref<10240x128xf32, #tpu.memory_space<hbm>> -> memref<10240x128xf32, #tpu.memory_space<hbm>>
        tpu.enqueue_indirect_dma source(%dma_start3A_207 : memref<10240x128xf32, #tpu.memory_space<hbm>>) target(%arg11 : memref<64x128xf32, #tpu.memory_space<vmem>>) offsets(%dma_start3A_204 : memref<64xi32, #tpu.memory_space<vmem>>) semaphore(%arg16 : memref<!tpu.dma_semaphore, #tpu.memory_space<semaphore_mem>>)
      } else {
      }
      %mul3A_144 = arith.constant 4 : i32
      %mul3A_145 = arith.muli %mul3A_144, %scan3A_91 : i32
      %add3A_146 = arith.constant 2 : i32
      %add3A_147 = arith.addi %mul3A_145, %add3A_146 : i32
      %mul3A_148 = arith.constant 64 : i32
      %mul3A_149 = arith.muli %add3A_147, %mul3A_148 : i32
      %dma_wait3A_150 = tpu.memref_slice %arg6[%mul3A_149] : memref<5120xi32, #tpu.memory_space<vmem>> -> memref<64xi32, #tpu.memory_space<vmem>>
      %dma_wait3A_151 = arith.constant 0 : i32
      %dma_wait3A_152 = arith.constant 0 : i32
      %dma_wait3A_153 = tpu.memref_slice %arg2[%dma_wait3A_151, %dma_wait3A_152] : memref<10240x128xf32, #tpu.memory_space<hbm>> -> memref<10240x128xf32, #tpu.memory_space<hbm>>
      tpu.wait_indirect_dma semaphore(%arg15 : memref<!tpu.dma_semaphore, #tpu.memory_space<semaphore_mem>>) src(%dma_wait3A_153 : memref<10240x128xf32, #tpu.memory_space<hbm>>) dst(%arg10 : memref<64x128xf32, #tpu.memory_space<vmem>>)
      %dma_start3A_154 = arith.constant 0 : i32
      %dma_start3A_155 = tpu.memref_slice %arg7[%add3A_147, %dma_start3A_154] : memref<80x64xi32, #tpu.memory_space<vmem>> -> memref<1x64xi32, #tpu.memory_space<vmem>>
      %dma_start3A_156 = tpu.memref_squeeze %dma_start3A_155 : memref<1x64xi32, #tpu.memory_space<vmem>> -> memref<64xi32, #tpu.memory_space<vmem>>
      %dma_start3A_157 = arith.constant 0 : i32
      %dma_start3A_158 = arith.constant 0 : i32
      %dma_start3A_159 = tpu.memref_slice %arg12[%dma_start3A_157, %dma_start3A_158] : memref<10240x128xf32, #tpu.memory_space<vmem_shared>> -> memref<10240x128xf32, #tpu.memory_space<vmem_shared>>
      tpu.enqueue_indirect_dma source(%arg10 : memref<64x128xf32, #tpu.memory_space<vmem>>) target(%dma_start3A_159 : memref<10240x128xf32, #tpu.memory_space<vmem_shared>>) offsets(%dma_start3A_156 : memref<64xi32, #tpu.memory_space<vmem>>) semaphore(%arg19 : memref<!tpu.dma_semaphore, #tpu.memory_space<semaphore_mem>>) {add = true}
      %ge3A_160 = arith.constant 2 : i32
      %ge3A_161 = arith.cmpi sge, %add3A_147, %ge3A_160 : i32
      %convert_element_type3A_162 = arith.extui %ge3A_161 : i1 to i32
      %cond3A_163 = arith.constant 0 : i32
      %cond3A_164 = arith.cmpi ne, %convert_element_type3A_162, %cond3A_163 : i32
      scf.if %cond3A_164 {
        %sub3A = arith.constant 2 : i32
        %sub3A_200 = arith.subi %add3A_147, %sub3A : i32
        %dma_wait3A_201 = arith.constant 0 : i32
        %dma_wait3A_202 = tpu.memref_slice %arg7[%sub3A_200, %dma_wait3A_201] : memref<80x64xi32, #tpu.memory_space<vmem>> -> memref<1x64xi32, #tpu.memory_space<vmem>>
        %dma_wait3A_203 = tpu.memref_squeeze %dma_wait3A_202 : memref<1x64xi32, #tpu.memory_space<vmem>> -> memref<64xi32, #tpu.memory_space<vmem>>
        %dma_wait3A_204 = arith.constant 0 : i32
        %dma_wait3A_205 = arith.constant 0 : i32
        %dma_wait3A_206 = tpu.memref_slice %arg12[%dma_wait3A_204, %dma_wait3A_205] : memref<10240x128xf32, #tpu.memory_space<vmem_shared>> -> memref<10240x128xf32, #tpu.memory_space<vmem_shared>>
        tpu.wait_indirect_dma semaphore(%arg17 : memref<!tpu.dma_semaphore, #tpu.memory_space<semaphore_mem>>) src(%arg8 : memref<64x128xf32, #tpu.memory_space<vmem>>) dst(%dma_wait3A_206 : memref<10240x128xf32, #tpu.memory_space<vmem_shared>>)
      } else {
      }
      %add3A_165 = arith.constant 2 : i32
      %add3A_166 = arith.addi %add3A_147, %add3A_165 : i32
      %lt3A_167 = arith.constant 80 : i32
      %lt3A_168 = arith.cmpi slt, %add3A_166, %lt3A_167 : i32
      %convert_element_type3A_169 = arith.extui %lt3A_168 : i1 to i32
      %cond3A_170 = arith.constant 0 : i32
      %cond3A_171 = arith.cmpi ne, %convert_element_type3A_169, %cond3A_170 : i32
      scf.if %cond3A_171 {
        %add3A_200 = arith.constant 2 : i32
        %add3A_201 = arith.addi %add3A_147, %add3A_200 : i32
        %mul3A_202 = arith.constant 64 : i32
        %mul3A_203 = arith.muli %add3A_201, %mul3A_202 : i32
        %dma_start3A_204 = tpu.memref_slice %arg6[%mul3A_203] : memref<5120xi32, #tpu.memory_space<vmem>> -> memref<64xi32, #tpu.memory_space<vmem>>
        %dma_start3A_205 = arith.constant 0 : i32
        %dma_start3A_206 = arith.constant 0 : i32
        %dma_start3A_207 = tpu.memref_slice %arg2[%dma_start3A_205, %dma_start3A_206] : memref<10240x128xf32, #tpu.memory_space<hbm>> -> memref<10240x128xf32, #tpu.memory_space<hbm>>
        tpu.enqueue_indirect_dma source(%dma_start3A_207 : memref<10240x128xf32, #tpu.memory_space<hbm>>) target(%arg8 : memref<64x128xf32, #tpu.memory_space<vmem>>) offsets(%dma_start3A_204 : memref<64xi32, #tpu.memory_space<vmem>>) semaphore(%arg13 : memref<!tpu.dma_semaphore, #tpu.memory_space<semaphore_mem>>)
      } else {
      }
      %mul3A_172 = arith.constant 4 : i32
      %mul3A_173 = arith.muli %mul3A_172, %scan3A_91 : i32
      %add3A_174 = arith.constant 3 : i32
      %add3A_175 = arith.addi %mul3A_173, %add3A_174 : i32
      %mul3A_176 = arith.constant 64 : i32
      %mul3A_177 = arith.muli %add3A_175, %mul3A_176 : i32
      %dma_wait3A_178 = tpu.memref_slice %arg6[%mul3A_177] : memref<5120xi32, #tpu.memory_space<vmem>> -> memref<64xi32, #tpu.memory_space<vmem>>
      %dma_wait3A_179 = arith.constant 0 : i32
      %dma_wait3A_180 = arith.constant 0 : i32
      %dma_wait3A_181 = tpu.memref_slice %arg2[%dma_wait3A_179, %dma_wait3A_180] : memref<10240x128xf32, #tpu.memory_space<hbm>> -> memref<10240x128xf32, #tpu.memory_space<hbm>>
      tpu.wait_indirect_dma semaphore(%arg16 : memref<!tpu.dma_semaphore, #tpu.memory_space<semaphore_mem>>) src(%dma_wait3A_181 : memref<10240x128xf32, #tpu.memory_space<hbm>>) dst(%arg11 : memref<64x128xf32, #tpu.memory_space<vmem>>)
      %dma_start3A_182 = arith.constant 0 : i32
      %dma_start3A_183 = tpu.memref_slice %arg7[%add3A_175, %dma_start3A_182] : memref<80x64xi32, #tpu.memory_space<vmem>> -> memref<1x64xi32, #tpu.memory_space<vmem>>
      %dma_start3A_184 = tpu.memref_squeeze %dma_start3A_183 : memref<1x64xi32, #tpu.memory_space<vmem>> -> memref<64xi32, #tpu.memory_space<vmem>>
      %dma_start3A_185 = arith.constant 0 : i32
      %dma_start3A_186 = arith.constant 0 : i32
      %dma_start3A_187 = tpu.memref_slice %arg12[%dma_start3A_185, %dma_start3A_186] : memref<10240x128xf32, #tpu.memory_space<vmem_shared>> -> memref<10240x128xf32, #tpu.memory_space<vmem_shared>>
      tpu.enqueue_indirect_dma source(%arg11 : memref<64x128xf32, #tpu.memory_space<vmem>>) target(%dma_start3A_187 : memref<10240x128xf32, #tpu.memory_space<vmem_shared>>) offsets(%dma_start3A_184 : memref<64xi32, #tpu.memory_space<vmem>>) semaphore(%arg20 : memref<!tpu.dma_semaphore, #tpu.memory_space<semaphore_mem>>) {add = true}
      %ge3A_188 = arith.constant 2 : i32
      %ge3A_189 = arith.cmpi sge, %add3A_175, %ge3A_188 : i32
      %convert_element_type3A_190 = arith.extui %ge3A_189 : i1 to i32
      %cond3A_191 = arith.constant 0 : i32
      %cond3A_192 = arith.cmpi ne, %convert_element_type3A_190, %cond3A_191 : i32
      scf.if %cond3A_192 {
        %sub3A = arith.constant 2 : i32
        %sub3A_200 = arith.subi %add3A_175, %sub3A : i32
        %dma_wait3A_201 = arith.constant 0 : i32
        %dma_wait3A_202 = tpu.memref_slice %arg7[%sub3A_200, %dma_wait3A_201] : memref<80x64xi32, #tpu.memory_space<vmem>> -> memref<1x64xi32, #tpu.memory_space<vmem>>
        %dma_wait3A_203 = tpu.memref_squeeze %dma_wait3A_202 : memref<1x64xi32, #tpu.memory_space<vmem>> -> memref<64xi32, #tpu.memory_space<vmem>>
        %dma_wait3A_204 = arith.constant 0 : i32
        %dma_wait3A_205 = arith.constant 0 : i32
        %dma_wait3A_206 = tpu.memref_slice %arg12[%dma_wait3A_204, %dma_wait3A_205] : memref<10240x128xf32, #tpu.memory_space<vmem_shared>> -> memref<10240x128xf32, #tpu.memory_space<vmem_shared>>
        tpu.wait_indirect_dma semaphore(%arg18 : memref<!tpu.dma_semaphore, #tpu.memory_space<semaphore_mem>>) src(%arg9 : memref<64x128xf32, #tpu.memory_space<vmem>>) dst(%dma_wait3A_206 : memref<10240x128xf32, #tpu.memory_space<vmem_shared>>)
      } else {
      }
      %add3A_193 = arith.constant 2 : i32
      %add3A_194 = arith.addi %add3A_175, %add3A_193 : i32
      %lt3A_195 = arith.constant 80 : i32
      %lt3A_196 = arith.cmpi slt, %add3A_194, %lt3A_195 : i32
      %convert_element_type3A_197 = arith.extui %lt3A_196 : i1 to i32
      %cond3A_198 = arith.constant 0 : i32
      %cond3A_199 = arith.cmpi ne, %convert_element_type3A_197, %cond3A_198 : i32
      scf.if %cond3A_199 {
        %add3A_200 = arith.constant 2 : i32
        %add3A_201 = arith.addi %add3A_175, %add3A_200 : i32
        %mul3A_202 = arith.constant 64 : i32
        %mul3A_203 = arith.muli %add3A_201, %mul3A_202 : i32
        %dma_start3A_204 = tpu.memref_slice %arg6[%mul3A_203] : memref<5120xi32, #tpu.memory_space<vmem>> -> memref<64xi32, #tpu.memory_space<vmem>>
        %dma_start3A_205 = arith.constant 0 : i32
        %dma_start3A_206 = arith.constant 0 : i32
        %dma_start3A_207 = tpu.memref_slice %arg2[%dma_start3A_205, %dma_start3A_206] : memref<10240x128xf32, #tpu.memory_space<hbm>> -> memref<10240x128xf32, #tpu.memory_space<hbm>>
        tpu.enqueue_indirect_dma source(%dma_start3A_207 : memref<10240x128xf32, #tpu.memory_space<hbm>>) target(%arg9 : memref<64x128xf32, #tpu.memory_space<vmem>>) offsets(%dma_start3A_204 : memref<64xi32, #tpu.memory_space<vmem>>) semaphore(%arg14 : memref<!tpu.dma_semaphore, #tpu.memory_space<semaphore_mem>>)
      } else {
      }
    }
    %scan3A_34 = arith.constant 20 : i32
    %dma_wait3A = arith.constant 78 : i32
    %dma_wait3A_35 = arith.constant 0 : i32
    %dma_wait3A_36 = tpu.memref_slice %arg7[%dma_wait3A, %dma_wait3A_35] : memref<80x64xi32, #tpu.memory_space<vmem>> -> memref<1x64xi32, #tpu.memory_space<vmem>>
    %dma_wait3A_37 = tpu.memref_squeeze %dma_wait3A_36 : memref<1x64xi32, #tpu.memory_space<vmem>> -> memref<64xi32, #tpu.memory_space<vmem>>
    %dma_wait3A_38 = arith.constant 0 : i32
    %dma_wait3A_39 = arith.constant 0 : i32
    %dma_wait3A_40 = tpu.memref_slice %arg12[%dma_wait3A_38, %dma_wait3A_39] : memref<10240x128xf32, #tpu.memory_space<vmem_shared>> -> memref<10240x128xf32, #tpu.memory_space<vmem_shared>>
    tpu.wait_indirect_dma semaphore(%arg19 : memref<!tpu.dma_semaphore, #tpu.memory_space<semaphore_mem>>) src(%arg10 : memref<64x128xf32, #tpu.memory_space<vmem>>) dst(%dma_wait3A_40 : memref<10240x128xf32, #tpu.memory_space<vmem_shared>>)
    %dma_wait3A_41 = arith.constant 79 : i32
    %dma_wait3A_42 = arith.constant 0 : i32
    %dma_wait3A_43 = tpu.memref_slice %arg7[%dma_wait3A_41, %dma_wait3A_42] : memref<80x64xi32, #tpu.memory_space<vmem>> -> memref<1x64xi32, #tpu.memory_space<vmem>>
    %dma_wait3A_44 = tpu.memref_squeeze %dma_wait3A_43 : memref<1x64xi32, #tpu.memory_space<vmem>> -> memref<64xi32, #tpu.memory_space<vmem>>
    %dma_wait3A_45 = arith.constant 0 : i32
    %dma_wait3A_46 = arith.constant 0 : i32
    %dma_wait3A_47 = tpu.memref_slice %arg12[%dma_wait3A_45, %dma_wait3A_46] : memref<10240x128xf32, #tpu.memory_space<vmem_shared>> -> memref<10240x128xf32, #tpu.memory_space<vmem_shared>>
    tpu.wait_indirect_dma semaphore(%arg20 : memref<!tpu.dma_semaphore, #tpu.memory_space<semaphore_mem>>) src(%arg11 : memref<64x128xf32, #tpu.memory_space<vmem>>) dst(%dma_wait3A_47 : memref<10240x128xf32, #tpu.memory_space<vmem_shared>>)
    %mul3A_48 = arith.constant 10240 : i32
    %mul3A_49 = arith.muli %add3A, %mul3A_48 : i32
    %add3A_50 = arith.constant 5120 : i32
    %add3A_51 = arith.addi %mul3A_49, %add3A_50 : i32
    "tpu.region"() ({
      %run_scoped3A = tpu.sem_alloc : memref<!tpu.dma_semaphore, #tpu.memory_space<semaphore_mem>>
      %dma_start3A_91 = tpu.memref_slice %arg3[%add3A_51] : memref<327680xi32, #tpu.memory_space<hbm>> -> memref<5120xi32, #tpu.memory_space<hbm>>
      %dma_start3A_92 = tpu.memref_slice %arg3[%add3A_51] : memref<327680xi32, #tpu.memory_space<hbm>> -> memref<5120xi32, #tpu.memory_space<hbm>>
      tpu.enqueue_dma source(%dma_start3A_92 : memref<5120xi32, #tpu.memory_space<hbm>>) target(%arg6 : memref<5120xi32, #tpu.memory_space<vmem>>) target_semaphore(%run_scoped3A : memref<!tpu.dma_semaphore, #tpu.memory_space<semaphore_mem>>)
      %dma_wait3A_93 = tpu.memref_slice %arg3[%add3A_51] : memref<327680xi32, #tpu.memory_space<hbm>> -> memref<5120xi32, #tpu.memory_space<hbm>>
      %dma_wait3A_94 = tpu.memref_slice %arg3[%add3A_51] : memref<327680xi32, #tpu.memory_space<hbm>> -> memref<5120xi32, #tpu.memory_space<hbm>>
      tpu.wait_dma2 semaphore(%run_scoped3A : memref<!tpu.dma_semaphore, #tpu.memory_space<semaphore_mem>>) src(%dma_wait3A_94 : memref<5120xi32, #tpu.memory_space<hbm>>) dst(%arg6 : memref<5120xi32, #tpu.memory_space<vmem>>)
      tpu.yield
    }) : () -> ()
    %mul3A_52 = arith.constant 160 : i32
    %mul3A_53 = arith.muli %add3A, %mul3A_52 : i32
    %add3A_54 = arith.constant 80 : i32
    %add3A_55 = arith.addi %mul3A_53, %add3A_54 : i32
    "tpu.region"() ({
      %run_scoped3A = tpu.sem_alloc : memref<!tpu.dma_semaphore, #tpu.memory_space<semaphore_mem>>
      %dma_start3A_91 = arith.constant 0 : i32
      %dma_start3A_92 = tpu.memref_slice %arg4[%add3A_55, %dma_start3A_91] : memref<5120x64xi32, #tpu.memory_space<hbm>> -> memref<80x64xi32, #tpu.memory_space<hbm>>
      %dma_start3A_93 = arith.constant 0 : i32
      %dma_start3A_94 = tpu.memref_slice %arg4[%add3A_55, %dma_start3A_93] : memref<5120x64xi32, #tpu.memory_space<hbm>> -> memref<80x64xi32, #tpu.memory_space<hbm>>
      tpu.enqueue_dma source(%dma_start3A_94 : memref<80x64xi32, #tpu.memory_space<hbm>>) target(%arg7 : memref<80x64xi32, #tpu.memory_space<vmem>>) target_semaphore(%run_scoped3A : memref<!tpu.dma_semaphore, #tpu.memory_space<semaphore_mem>>)
      %dma_wait3A_95 = arith.constant 0 : i32
      %dma_wait3A_96 = tpu.memref_slice %arg4[%add3A_55, %dma_wait3A_95] : memref<5120x64xi32, #tpu.memory_space<hbm>> -> memref<80x64xi32, #tpu.memory_space<hbm>>
      %dma_wait3A_97 = arith.constant 0 : i32
      %dma_wait3A_98 = tpu.memref_slice %arg4[%add3A_55, %dma_wait3A_97] : memref<5120x64xi32, #tpu.memory_space<hbm>> -> memref<80x64xi32, #tpu.memory_space<hbm>>
      tpu.wait_dma2 semaphore(%run_scoped3A : memref<!tpu.dma_semaphore, #tpu.memory_space<semaphore_mem>>) src(%dma_wait3A_98 : memref<80x64xi32, #tpu.memory_space<hbm>>) dst(%arg7 : memref<80x64xi32, #tpu.memory_space<vmem>>)
      tpu.yield
    }) : () -> ()
    %dma_start3A_56 = arith.constant 0 : i32
    %dma_start3A_57 = tpu.memref_slice %arg6[%dma_start3A_56] : memref<5120xi32, #tpu.memory_space<vmem>> -> memref<64xi32, #tpu.memory_space<vmem>>
    %dma_start3A_58 = arith.constant 0 : i32
    %dma_start3A_59 = arith.constant 0 : i32
    %dma_start3A_60 = tpu.memref_slice %arg2[%dma_start3A_58, %dma_start3A_59] : memref<10240x128xf32, #tpu.memory_space<hbm>> -> memref<10240x128xf32, #tpu.memory_space<hbm>>
    tpu.enqueue_indirect_dma source(%dma_start3A_60 : memref<10240x128xf32, #tpu.memory_space<hbm>>) target(%arg8 : memref<64x128xf32, #tpu.memory_space<vmem>>) offsets(%dma_start3A_57 : memref<64xi32, #tpu.memory_space<vmem>>) semaphore(%arg13 : memref<!tpu.dma_semaphore, #tpu.memory_space<semaphore_mem>>)
    %dma_start3A_61 = arith.constant 64 : i32
    %dma_start3A_62 = tpu.memref_slice %arg6[%dma_start3A_61] : memref<5120xi32, #tpu.memory_space<vmem>> -> memref<64xi32, #tpu.memory_space<vmem>>
    %dma_start3A_63 = arith.constant 0 : i32
    %dma_start3A_64 = arith.constant 0 : i32
    %dma_start3A_65 = tpu.memref_slice %arg2[%dma_start3A_63, %dma_start3A_64] : memref<10240x128xf32, #tpu.memory_space<hbm>> -> memref<10240x128xf32, #tpu.memory_space<hbm>>
    tpu.enqueue_indirect_dma source(%dma_start3A_65 : memref<10240x128xf32, #tpu.memory_space<hbm>>) target(%arg9 : memref<64x128xf32, #tpu.memory_space<vmem>>) offsets(%dma_start3A_62 : memref<64xi32, #tpu.memory_space<vmem>>) semaphore(%arg14 : memref<!tpu.dma_semaphore, #tpu.memory_space<semaphore_mem>>)
    %scan3A_66 = arith.constant 0 : i32
    %scan3A_67 = arith.constant 0 : i32
    %scan3A_68 = arith.constant 20 : i32
    %scan3A_69 = arith.addi %scan3A_67, %scan3A_68 : i32
    %scan3A_70 = arith.constant 1 : i32
    scf.for %scan3A_91 = %scan3A_67 to %scan3A_69 step %scan3A_70  : i32 {
      %mul3A_92 = arith.constant 4 : i32
      %mul3A_93 = arith.muli %mul3A_92, %scan3A_91 : i32
      %add3A_94 = arith.constant 0 : i32
      %add3A_95 = arith.addi %mul3A_93, %add3A_94 : i32
      %mul3A_96 = arith.constant 64 : i32
      %mul3A_97 = arith.muli %add3A_95, %mul3A_96 : i32
      %dma_wait3A_98 = tpu.memref_slice %arg6[%mul3A_97] : memref<5120xi32, #tpu.memory_space<vmem>> -> memref<64xi32, #tpu.memory_space<vmem>>
      %dma_wait3A_99 = arith.constant 0 : i32
      %dma_wait3A_100 = arith.constant 0 : i32
      %dma_wait3A_101 = tpu.memref_slice %arg2[%dma_wait3A_99, %dma_wait3A_100] : memref<10240x128xf32, #tpu.memory_space<hbm>> -> memref<10240x128xf32, #tpu.memory_space<hbm>>
      tpu.wait_indirect_dma semaphore(%arg13 : memref<!tpu.dma_semaphore, #tpu.memory_space<semaphore_mem>>) src(%dma_wait3A_101 : memref<10240x128xf32, #tpu.memory_space<hbm>>) dst(%arg8 : memref<64x128xf32, #tpu.memory_space<vmem>>)
      %dma_start3A_102 = arith.constant 0 : i32
      %dma_start3A_103 = tpu.memref_slice %arg7[%add3A_95, %dma_start3A_102] : memref<80x64xi32, #tpu.memory_space<vmem>> -> memref<1x64xi32, #tpu.memory_space<vmem>>
      %dma_start3A_104 = tpu.memref_squeeze %dma_start3A_103 : memref<1x64xi32, #tpu.memory_space<vmem>> -> memref<64xi32, #tpu.memory_space<vmem>>
      %dma_start3A_105 = arith.constant 0 : i32
      %dma_start3A_106 = arith.constant 0 : i32
      %dma_start3A_107 = tpu.memref_slice %arg12[%dma_start3A_105, %dma_start3A_106] : memref<10240x128xf32, #tpu.memory_space<vmem_shared>> -> memref<10240x128xf32, #tpu.memory_space<vmem_shared>>
      tpu.enqueue_indirect_dma source(%arg8 : memref<64x128xf32, #tpu.memory_space<vmem>>) target(%dma_start3A_107 : memref<10240x128xf32, #tpu.memory_space<vmem_shared>>) offsets(%dma_start3A_104 : memref<64xi32, #tpu.memory_space<vmem>>) semaphore(%arg17 : memref<!tpu.dma_semaphore, #tpu.memory_space<semaphore_mem>>) {add = true}
      %ge3A = arith.constant 2 : i32
      %ge3A_108 = arith.cmpi sge, %add3A_95, %ge3A : i32
      %convert_element_type3A = arith.extui %ge3A_108 : i1 to i32
      %cond3A = arith.constant 0 : i32
      %cond3A_109 = arith.cmpi ne, %convert_element_type3A, %cond3A : i32
      scf.if %cond3A_109 {
        %sub3A = arith.constant 2 : i32
        %sub3A_200 = arith.subi %add3A_95, %sub3A : i32
        %dma_wait3A_201 = arith.constant 0 : i32
        %dma_wait3A_202 = tpu.memref_slice %arg7[%sub3A_200, %dma_wait3A_201] : memref<80x64xi32, #tpu.memory_space<vmem>> -> memref<1x64xi32, #tpu.memory_space<vmem>>
        %dma_wait3A_203 = tpu.memref_squeeze %dma_wait3A_202 : memref<1x64xi32, #tpu.memory_space<vmem>> -> memref<64xi32, #tpu.memory_space<vmem>>
        %dma_wait3A_204 = arith.constant 0 : i32
        %dma_wait3A_205 = arith.constant 0 : i32
        %dma_wait3A_206 = tpu.memref_slice %arg12[%dma_wait3A_204, %dma_wait3A_205] : memref<10240x128xf32, #tpu.memory_space<vmem_shared>> -> memref<10240x128xf32, #tpu.memory_space<vmem_shared>>
        tpu.wait_indirect_dma semaphore(%arg19 : memref<!tpu.dma_semaphore, #tpu.memory_space<semaphore_mem>>) src(%arg10 : memref<64x128xf32, #tpu.memory_space<vmem>>) dst(%dma_wait3A_206 : memref<10240x128xf32, #tpu.memory_space<vmem_shared>>)
      } else {
      }
      %add3A_110 = arith.constant 2 : i32
      %add3A_111 = arith.addi %add3A_95, %add3A_110 : i32
      %lt3A = arith.constant 80 : i32
      %lt3A_112 = arith.cmpi slt, %add3A_111, %lt3A : i32
      %convert_element_type3A_113 = arith.extui %lt3A_112 : i1 to i32
      %cond3A_114 = arith.constant 0 : i32
      %cond3A_115 = arith.cmpi ne, %convert_element_type3A_113, %cond3A_114 : i32
      scf.if %cond3A_115 {
        %add3A_200 = arith.constant 2 : i32
        %add3A_201 = arith.addi %add3A_95, %add3A_200 : i32
        %mul3A_202 = arith.constant 64 : i32
        %mul3A_203 = arith.muli %add3A_201, %mul3A_202 : i32
        %dma_start3A_204 = tpu.memref_slice %arg6[%mul3A_203] : memref<5120xi32, #tpu.memory_space<vmem>> -> memref<64xi32, #tpu.memory_space<vmem>>
        %dma_start3A_205 = arith.constant 0 : i32
        %dma_start3A_206 = arith.constant 0 : i32
        %dma_start3A_207 = tpu.memref_slice %arg2[%dma_start3A_205, %dma_start3A_206] : memref<10240x128xf32, #tpu.memory_space<hbm>> -> memref<10240x128xf32, #tpu.memory_space<hbm>>
        tpu.enqueue_indirect_dma source(%dma_start3A_207 : memref<10240x128xf32, #tpu.memory_space<hbm>>) target(%arg10 : memref<64x128xf32, #tpu.memory_space<vmem>>) offsets(%dma_start3A_204 : memref<64xi32, #tpu.memory_space<vmem>>) semaphore(%arg15 : memref<!tpu.dma_semaphore, #tpu.memory_space<semaphore_mem>>)
      } else {
      }
      %mul3A_116 = arith.constant 4 : i32
      %mul3A_117 = arith.muli %mul3A_116, %scan3A_91 : i32
      %add3A_118 = arith.constant 1 : i32
      %add3A_119 = arith.addi %mul3A_117, %add3A_118 : i32
      %mul3A_120 = arith.constant 64 : i32
      %mul3A_121 = arith.muli %add3A_119, %mul3A_120 : i32
      %dma_wait3A_122 = tpu.memref_slice %arg6[%mul3A_121] : memref<5120xi32, #tpu.memory_space<vmem>> -> memref<64xi32, #tpu.memory_space<vmem>>
      %dma_wait3A_123 = arith.constant 0 : i32
      %dma_wait3A_124 = arith.constant 0 : i32
      %dma_wait3A_125 = tpu.memref_slice %arg2[%dma_wait3A_123, %dma_wait3A_124] : memref<10240x128xf32, #tpu.memory_space<hbm>> -> memref<10240x128xf32, #tpu.memory_space<hbm>>
      tpu.wait_indirect_dma semaphore(%arg14 : memref<!tpu.dma_semaphore, #tpu.memory_space<semaphore_mem>>) src(%dma_wait3A_125 : memref<10240x128xf32, #tpu.memory_space<hbm>>) dst(%arg9 : memref<64x128xf32, #tpu.memory_space<vmem>>)
      %dma_start3A_126 = arith.constant 0 : i32
      %dma_start3A_127 = tpu.memref_slice %arg7[%add3A_119, %dma_start3A_126] : memref<80x64xi32, #tpu.memory_space<vmem>> -> memref<1x64xi32, #tpu.memory_space<vmem>>
      %dma_start3A_128 = tpu.memref_squeeze %dma_start3A_127 : memref<1x64xi32, #tpu.memory_space<vmem>> -> memref<64xi32, #tpu.memory_space<vmem>>
      %dma_start3A_129 = arith.constant 0 : i32
      %dma_start3A_130 = arith.constant 0 : i32
      %dma_start3A_131 = tpu.memref_slice %arg12[%dma_start3A_129, %dma_start3A_130] : memref<10240x128xf32, #tpu.memory_space<vmem_shared>> -> memref<10240x128xf32, #tpu.memory_space<vmem_shared>>
      tpu.enqueue_indirect_dma source(%arg9 : memref<64x128xf32, #tpu.memory_space<vmem>>) target(%dma_start3A_131 : memref<10240x128xf32, #tpu.memory_space<vmem_shared>>) offsets(%dma_start3A_128 : memref<64xi32, #tpu.memory_space<vmem>>) semaphore(%arg18 : memref<!tpu.dma_semaphore, #tpu.memory_space<semaphore_mem>>) {add = true}
      %ge3A_132 = arith.constant 2 : i32
      %ge3A_133 = arith.cmpi sge, %add3A_119, %ge3A_132 : i32
      %convert_element_type3A_134 = arith.extui %ge3A_133 : i1 to i32
      %cond3A_135 = arith.constant 0 : i32
      %cond3A_136 = arith.cmpi ne, %convert_element_type3A_134, %cond3A_135 : i32
      scf.if %cond3A_136 {
        %sub3A = arith.constant 2 : i32
        %sub3A_200 = arith.subi %add3A_119, %sub3A : i32
        %dma_wait3A_201 = arith.constant 0 : i32
        %dma_wait3A_202 = tpu.memref_slice %arg7[%sub3A_200, %dma_wait3A_201] : memref<80x64xi32, #tpu.memory_space<vmem>> -> memref<1x64xi32, #tpu.memory_space<vmem>>
        %dma_wait3A_203 = tpu.memref_squeeze %dma_wait3A_202 : memref<1x64xi32, #tpu.memory_space<vmem>> -> memref<64xi32, #tpu.memory_space<vmem>>
        %dma_wait3A_204 = arith.constant 0 : i32
        %dma_wait3A_205 = arith.constant 0 : i32
        %dma_wait3A_206 = tpu.memref_slice %arg12[%dma_wait3A_204, %dma_wait3A_205] : memref<10240x128xf32, #tpu.memory_space<vmem_shared>> -> memref<10240x128xf32, #tpu.memory_space<vmem_shared>>
        tpu.wait_indirect_dma semaphore(%arg20 : memref<!tpu.dma_semaphore, #tpu.memory_space<semaphore_mem>>) src(%arg11 : memref<64x128xf32, #tpu.memory_space<vmem>>) dst(%dma_wait3A_206 : memref<10240x128xf32, #tpu.memory_space<vmem_shared>>)
      } else {
      }
      %add3A_137 = arith.constant 2 : i32
      %add3A_138 = arith.addi %add3A_119, %add3A_137 : i32
      %lt3A_139 = arith.constant 80 : i32
      %lt3A_140 = arith.cmpi slt, %add3A_138, %lt3A_139 : i32
      %convert_element_type3A_141 = arith.extui %lt3A_140 : i1 to i32
      %cond3A_142 = arith.constant 0 : i32
      %cond3A_143 = arith.cmpi ne, %convert_element_type3A_141, %cond3A_142 : i32
      scf.if %cond3A_143 {
        %add3A_200 = arith.constant 2 : i32
        %add3A_201 = arith.addi %add3A_119, %add3A_200 : i32
        %mul3A_202 = arith.constant 64 : i32
        %mul3A_203 = arith.muli %add3A_201, %mul3A_202 : i32
        %dma_start3A_204 = tpu.memref_slice %arg6[%mul3A_203] : memref<5120xi32, #tpu.memory_space<vmem>> -> memref<64xi32, #tpu.memory_space<vmem>>
        %dma_start3A_205 = arith.constant 0 : i32
        %dma_start3A_206 = arith.constant 0 : i32
        %dma_start3A_207 = tpu.memref_slice %arg2[%dma_start3A_205, %dma_start3A_206] : memref<10240x128xf32, #tpu.memory_space<hbm>> -> memref<10240x128xf32, #tpu.memory_space<hbm>>
        tpu.enqueue_indirect_dma source(%dma_start3A_207 : memref<10240x128xf32, #tpu.memory_space<hbm>>) target(%arg11 : memref<64x128xf32, #tpu.memory_space<vmem>>) offsets(%dma_start3A_204 : memref<64xi32, #tpu.memory_space<vmem>>) semaphore(%arg16 : memref<!tpu.dma_semaphore, #tpu.memory_space<semaphore_mem>>)
      } else {
      }
      %mul3A_144 = arith.constant 4 : i32
      %mul3A_145 = arith.muli %mul3A_144, %scan3A_91 : i32
      %add3A_146 = arith.constant 2 : i32
      %add3A_147 = arith.addi %mul3A_145, %add3A_146 : i32
      %mul3A_148 = arith.constant 64 : i32
      %mul3A_149 = arith.muli %add3A_147, %mul3A_148 : i32
      %dma_wait3A_150 = tpu.memref_slice %arg6[%mul3A_149] : memref<5120xi32, #tpu.memory_space<vmem>> -> memref<64xi32, #tpu.memory_space<vmem>>
      %dma_wait3A_151 = arith.constant 0 : i32
      %dma_wait3A_152 = arith.constant 0 : i32
      %dma_wait3A_153 = tpu.memref_slice %arg2[%dma_wait3A_151, %dma_wait3A_152] : memref<10240x128xf32, #tpu.memory_space<hbm>> -> memref<10240x128xf32, #tpu.memory_space<hbm>>
      tpu.wait_indirect_dma semaphore(%arg15 : memref<!tpu.dma_semaphore, #tpu.memory_space<semaphore_mem>>) src(%dma_wait3A_153 : memref<10240x128xf32, #tpu.memory_space<hbm>>) dst(%arg10 : memref<64x128xf32, #tpu.memory_space<vmem>>)
      %dma_start3A_154 = arith.constant 0 : i32
      %dma_start3A_155 = tpu.memref_slice %arg7[%add3A_147, %dma_start3A_154] : memref<80x64xi32, #tpu.memory_space<vmem>> -> memref<1x64xi32, #tpu.memory_space<vmem>>
      %dma_start3A_156 = tpu.memref_squeeze %dma_start3A_155 : memref<1x64xi32, #tpu.memory_space<vmem>> -> memref<64xi32, #tpu.memory_space<vmem>>
      %dma_start3A_157 = arith.constant 0 : i32
      %dma_start3A_158 = arith.constant 0 : i32
      %dma_start3A_159 = tpu.memref_slice %arg12[%dma_start3A_157, %dma_start3A_158] : memref<10240x128xf32, #tpu.memory_space<vmem_shared>> -> memref<10240x128xf32, #tpu.memory_space<vmem_shared>>
      tpu.enqueue_indirect_dma source(%arg10 : memref<64x128xf32, #tpu.memory_space<vmem>>) target(%dma_start3A_159 : memref<10240x128xf32, #tpu.memory_space<vmem_shared>>) offsets(%dma_start3A_156 : memref<64xi32, #tpu.memory_space<vmem>>) semaphore(%arg19 : memref<!tpu.dma_semaphore, #tpu.memory_space<semaphore_mem>>) {add = true}
      %ge3A_160 = arith.constant 2 : i32
      %ge3A_161 = arith.cmpi sge, %add3A_147, %ge3A_160 : i32
      %convert_element_type3A_162 = arith.extui %ge3A_161 : i1 to i32
      %cond3A_163 = arith.constant 0 : i32
      %cond3A_164 = arith.cmpi ne, %convert_element_type3A_162, %cond3A_163 : i32
      scf.if %cond3A_164 {
        %sub3A = arith.constant 2 : i32
        %sub3A_200 = arith.subi %add3A_147, %sub3A : i32
        %dma_wait3A_201 = arith.constant 0 : i32
        %dma_wait3A_202 = tpu.memref_slice %arg7[%sub3A_200, %dma_wait3A_201] : memref<80x64xi32, #tpu.memory_space<vmem>> -> memref<1x64xi32, #tpu.memory_space<vmem>>
        %dma_wait3A_203 = tpu.memref_squeeze %dma_wait3A_202 : memref<1x64xi32, #tpu.memory_space<vmem>> -> memref<64xi32, #tpu.memory_space<vmem>>
        %dma_wait3A_204 = arith.constant 0 : i32
        %dma_wait3A_205 = arith.constant 0 : i32
        %dma_wait3A_206 = tpu.memref_slice %arg12[%dma_wait3A_204, %dma_wait3A_205] : memref<10240x128xf32, #tpu.memory_space<vmem_shared>> -> memref<10240x128xf32, #tpu.memory_space<vmem_shared>>
        tpu.wait_indirect_dma semaphore(%arg17 : memref<!tpu.dma_semaphore, #tpu.memory_space<semaphore_mem>>) src(%arg8 : memref<64x128xf32, #tpu.memory_space<vmem>>) dst(%dma_wait3A_206 : memref<10240x128xf32, #tpu.memory_space<vmem_shared>>)
      } else {
      }
      %add3A_165 = arith.constant 2 : i32
      %add3A_166 = arith.addi %add3A_147, %add3A_165 : i32
      %lt3A_167 = arith.constant 80 : i32
      %lt3A_168 = arith.cmpi slt, %add3A_166, %lt3A_167 : i32
      %convert_element_type3A_169 = arith.extui %lt3A_168 : i1 to i32
      %cond3A_170 = arith.constant 0 : i32
      %cond3A_171 = arith.cmpi ne, %convert_element_type3A_169, %cond3A_170 : i32
      scf.if %cond3A_171 {
        %add3A_200 = arith.constant 2 : i32
        %add3A_201 = arith.addi %add3A_147, %add3A_200 : i32
        %mul3A_202 = arith.constant 64 : i32
        %mul3A_203 = arith.muli %add3A_201, %mul3A_202 : i32
        %dma_start3A_204 = tpu.memref_slice %arg6[%mul3A_203] : memref<5120xi32, #tpu.memory_space<vmem>> -> memref<64xi32, #tpu.memory_space<vmem>>
        %dma_start3A_205 = arith.constant 0 : i32
        %dma_start3A_206 = arith.constant 0 : i32
        %dma_start3A_207 = tpu.memref_slice %arg2[%dma_start3A_205, %dma_start3A_206] : memref<10240x128xf32, #tpu.memory_space<hbm>> -> memref<10240x128xf32, #tpu.memory_space<hbm>>
        tpu.enqueue_indirect_dma source(%dma_start3A_207 : memref<10240x128xf32, #tpu.memory_space<hbm>>) target(%arg8 : memref<64x128xf32, #tpu.memory_space<vmem>>) offsets(%dma_start3A_204 : memref<64xi32, #tpu.memory_space<vmem>>) semaphore(%arg13 : memref<!tpu.dma_semaphore, #tpu.memory_space<semaphore_mem>>)
      } else {
      }
      %mul3A_172 = arith.constant 4 : i32
      %mul3A_173 = arith.muli %mul3A_172, %scan3A_91 : i32
      %add3A_174 = arith.constant 3 : i32
      %add3A_175 = arith.addi %mul3A_173, %add3A_174 : i32
      %mul3A_176 = arith.constant 64 : i32
      %mul3A_177 = arith.muli %add3A_175, %mul3A_176 : i32
      %dma_wait3A_178 = tpu.memref_slice %arg6[%mul3A_177] : memref<5120xi32, #tpu.memory_space<vmem>> -> memref<64xi32, #tpu.memory_space<vmem>>
      %dma_wait3A_179 = arith.constant 0 : i32
      %dma_wait3A_180 = arith.constant 0 : i32
      %dma_wait3A_181 = tpu.memref_slice %arg2[%dma_wait3A_179, %dma_wait3A_180] : memref<10240x128xf32, #tpu.memory_space<hbm>> -> memref<10240x128xf32, #tpu.memory_space<hbm>>
      tpu.wait_indirect_dma semaphore(%arg16 : memref<!tpu.dma_semaphore, #tpu.memory_space<semaphore_mem>>) src(%dma_wait3A_181 : memref<10240x128xf32, #tpu.memory_space<hbm>>) dst(%arg11 : memref<64x128xf32, #tpu.memory_space<vmem>>)
      %dma_start3A_182 = arith.constant 0 : i32
      %dma_start3A_183 = tpu.memref_slice %arg7[%add3A_175, %dma_start3A_182] : memref<80x64xi32, #tpu.memory_space<vmem>> -> memref<1x64xi32, #tpu.memory_space<vmem>>
      %dma_start3A_184 = tpu.memref_squeeze %dma_start3A_183 : memref<1x64xi32, #tpu.memory_space<vmem>> -> memref<64xi32, #tpu.memory_space<vmem>>
      %dma_start3A_185 = arith.constant 0 : i32
      %dma_start3A_186 = arith.constant 0 : i32
      %dma_start3A_187 = tpu.memref_slice %arg12[%dma_start3A_185, %dma_start3A_186] : memref<10240x128xf32, #tpu.memory_space<vmem_shared>> -> memref<10240x128xf32, #tpu.memory_space<vmem_shared>>
      tpu.enqueue_indirect_dma source(%arg11 : memref<64x128xf32, #tpu.memory_space<vmem>>) target(%dma_start3A_187 : memref<10240x128xf32, #tpu.memory_space<vmem_shared>>) offsets(%dma_start3A_184 : memref<64xi32, #tpu.memory_space<vmem>>) semaphore(%arg20 : memref<!tpu.dma_semaphore, #tpu.memory_space<semaphore_mem>>) {add = true}
      %ge3A_188 = arith.constant 2 : i32
      %ge3A_189 = arith.cmpi sge, %add3A_175, %ge3A_188 : i32
      %convert_element_type3A_190 = arith.extui %ge3A_189 : i1 to i32
      %cond3A_191 = arith.constant 0 : i32
      %cond3A_192 = arith.cmpi ne, %convert_element_type3A_190, %cond3A_191 : i32
      scf.if %cond3A_192 {
        %sub3A = arith.constant 2 : i32
        %sub3A_200 = arith.subi %add3A_175, %sub3A : i32
        %dma_wait3A_201 = arith.constant 0 : i32
        %dma_wait3A_202 = tpu.memref_slice %arg7[%sub3A_200, %dma_wait3A_201] : memref<80x64xi32, #tpu.memory_space<vmem>> -> memref<1x64xi32, #tpu.memory_space<vmem>>
        %dma_wait3A_203 = tpu.memref_squeeze %dma_wait3A_202 : memref<1x64xi32, #tpu.memory_space<vmem>> -> memref<64xi32, #tpu.memory_space<vmem>>
        %dma_wait3A_204 = arith.constant 0 : i32
        %dma_wait3A_205 = arith.constant 0 : i32
        %dma_wait3A_206 = tpu.memref_slice %arg12[%dma_wait3A_204, %dma_wait3A_205] : memref<10240x128xf32, #tpu.memory_space<vmem_shared>> -> memref<10240x128xf32, #tpu.memory_space<vmem_shared>>
        tpu.wait_indirect_dma semaphore(%arg18 : memref<!tpu.dma_semaphore, #tpu.memory_space<semaphore_mem>>) src(%arg9 : memref<64x128xf32, #tpu.memory_space<vmem>>) dst(%dma_wait3A_206 : memref<10240x128xf32, #tpu.memory_space<vmem_shared>>)
      } else {
      }
      %add3A_193 = arith.constant 2 : i32
      %add3A_194 = arith.addi %add3A_175, %add3A_193 : i32
      %lt3A_195 = arith.constant 80 : i32
      %lt3A_196 = arith.cmpi slt, %add3A_194, %lt3A_195 : i32
      %convert_element_type3A_197 = arith.extui %lt3A_196 : i1 to i32
      %cond3A_198 = arith.constant 0 : i32
      %cond3A_199 = arith.cmpi ne, %convert_element_type3A_197, %cond3A_198 : i32
      scf.if %cond3A_199 {
        %add3A_200 = arith.constant 2 : i32
        %add3A_201 = arith.addi %add3A_175, %add3A_200 : i32
        %mul3A_202 = arith.constant 64 : i32
        %mul3A_203 = arith.muli %add3A_201, %mul3A_202 : i32
        %dma_start3A_204 = tpu.memref_slice %arg6[%mul3A_203] : memref<5120xi32, #tpu.memory_space<vmem>> -> memref<64xi32, #tpu.memory_space<vmem>>
        %dma_start3A_205 = arith.constant 0 : i32
        %dma_start3A_206 = arith.constant 0 : i32
        %dma_start3A_207 = tpu.memref_slice %arg2[%dma_start3A_205, %dma_start3A_206] : memref<10240x128xf32, #tpu.memory_space<hbm>> -> memref<10240x128xf32, #tpu.memory_space<hbm>>
        tpu.enqueue_indirect_dma source(%dma_start3A_207 : memref<10240x128xf32, #tpu.memory_space<hbm>>) target(%arg9 : memref<64x128xf32, #tpu.memory_space<vmem>>) offsets(%dma_start3A_204 : memref<64xi32, #tpu.memory_space<vmem>>) semaphore(%arg14 : memref<!tpu.dma_semaphore, #tpu.memory_space<semaphore_mem>>)
      } else {
      }
    }
    %scan3A_71 = arith.constant 20 : i32
    %dma_wait3A_72 = arith.constant 78 : i32
    %dma_wait3A_73 = arith.constant 0 : i32
    %dma_wait3A_74 = tpu.memref_slice %arg7[%dma_wait3A_72, %dma_wait3A_73] : memref<80x64xi32, #tpu.memory_space<vmem>> -> memref<1x64xi32, #tpu.memory_space<vmem>>
    %dma_wait3A_75 = tpu.memref_squeeze %dma_wait3A_74 : memref<1x64xi32, #tpu.memory_space<vmem>> -> memref<64xi32, #tpu.memory_space<vmem>>
    %dma_wait3A_76 = arith.constant 0 : i32
    %dma_wait3A_77 = arith.constant 0 : i32
    %dma_wait3A_78 = tpu.memref_slice %arg12[%dma_wait3A_76, %dma_wait3A_77] : memref<10240x128xf32, #tpu.memory_space<vmem_shared>> -> memref<10240x128xf32, #tpu.memory_space<vmem_shared>>
    tpu.wait_indirect_dma semaphore(%arg19 : memref<!tpu.dma_semaphore, #tpu.memory_space<semaphore_mem>>) src(%arg10 : memref<64x128xf32, #tpu.memory_space<vmem>>) dst(%dma_wait3A_78 : memref<10240x128xf32, #tpu.memory_space<vmem_shared>>)
    %dma_wait3A_79 = arith.constant 79 : i32
    %dma_wait3A_80 = arith.constant 0 : i32
    %dma_wait3A_81 = tpu.memref_slice %arg7[%dma_wait3A_79, %dma_wait3A_80] : memref<80x64xi32, #tpu.memory_space<vmem>> -> memref<1x64xi32, #tpu.memory_space<vmem>>
    %dma_wait3A_82 = tpu.memref_squeeze %dma_wait3A_81 : memref<1x64xi32, #tpu.memory_space<vmem>> -> memref<64xi32, #tpu.memory_space<vmem>>
    %dma_wait3A_83 = arith.constant 0 : i32
    %dma_wait3A_84 = arith.constant 0 : i32
    %dma_wait3A_85 = tpu.memref_slice %arg12[%dma_wait3A_83, %dma_wait3A_84] : memref<10240x128xf32, #tpu.memory_space<vmem_shared>> -> memref<10240x128xf32, #tpu.memory_space<vmem_shared>>
    tpu.wait_indirect_dma semaphore(%arg20 : memref<!tpu.dma_semaphore, #tpu.memory_space<semaphore_mem>>) src(%arg11 : memref<64x128xf32, #tpu.memory_space<vmem>>) dst(%dma_wait3A_85 : memref<10240x128xf32, #tpu.memory_space<vmem_shared>>)
    %barrier3A_86 = arith.constant 0 : index
    tpu.barrier barrier_id(%barrier3A_86)
    %mul3A_87 = arith.constant 640 : i32
    %mul3A_88 = arith.muli %arg1, %mul3A_87 : i32
    %mul3A_89 = arith.constant 640 : i32
    %mul3A_90 = arith.muli %arg1, %mul3A_89 : i32
    "tpu.region"() ({
      %run_scoped3A = tpu.sem_alloc : memref<!tpu.dma_semaphore, #tpu.memory_space<semaphore_mem>>
      %dma_start3A_91 = arith.constant 0 : i32
      %dma_start3A_92 = tpu.memref_slice %arg5[%arg0, %mul3A_90, %dma_start3A_91] : memref<2x10240x128xf32, #tpu.memory_space<hbm>> -> memref<1x640x128xf32, #tpu.memory_space<hbm>>
      %dma_start3A_93 = tpu.memref_squeeze %dma_start3A_92 : memref<1x640x128xf32, #tpu.memory_space<hbm>> -> memref<640x128xf32, #tpu.memory_space<hbm>>
      %dma_start3A_94 = arith.constant 0 : i32
      %dma_start3A_95 = tpu.memref_slice %arg12[%mul3A_88, %dma_start3A_94] : memref<10240x128xf32, #tpu.memory_space<vmem_shared>> -> memref<640x128xf32, #tpu.memory_space<vmem_shared>>
      tpu.enqueue_dma source(%dma_start3A_95 : memref<640x128xf32, #tpu.memory_space<vmem_shared>>) target(%dma_start3A_93 : memref<640x128xf32, #tpu.memory_space<hbm>>) target_semaphore(%run_scoped3A : memref<!tpu.dma_semaphore, #tpu.memory_space<semaphore_mem>>)
      %dma_wait3A_96 = arith.constant 0 : i32
      %dma_wait3A_97 = tpu.memref_slice %arg5[%arg0, %mul3A_90, %dma_wait3A_96] : memref<2x10240x128xf32, #tpu.memory_space<hbm>> -> memref<1x640x128xf32, #tpu.memory_space<hbm>>
      %dma_wait3A_98 = tpu.memref_squeeze %dma_wait3A_97 : memref<1x640x128xf32, #tpu.memory_space<hbm>> -> memref<640x128xf32, #tpu.memory_space<hbm>>
      %dma_wait3A_99 = arith.constant 0 : i32
      %dma_wait3A_100 = tpu.memref_slice %arg12[%mul3A_88, %dma_wait3A_99] : memref<10240x128xf32, #tpu.memory_space<vmem_shared>> -> memref<640x128xf32, #tpu.memory_space<vmem_shared>>
      tpu.wait_dma2 semaphore(%run_scoped3A : memref<!tpu.dma_semaphore, #tpu.memory_space<semaphore_mem>>) src(%dma_wait3A_100 : memref<640x128xf32, #tpu.memory_space<vmem_shared>>) dst(%dma_wait3A_98 : memref<640x128xf32, #tpu.memory_space<hbm>>)
      tpu.yield
    }) : () -> ()
    return
  }
}

#map = affine_map<(d0, d1) -> (0, 0)>
#map1 = affine_map<(d0, d1) -> (0)>
#map2 = affine_map<(d0, d1) -> (0, 0, 0)>
module attributes {stable_mosaic.version = 14 : i64} {
  func.func @_agg_body(%arg0: i32, %arg1: i32, %arg2: memref<10240x128xf32, #tpu.memory_space<hbm>>, %arg3: memref<327680xi32, #tpu.memory_space<hbm>>, %arg4: memref<5120x64xi32, #tpu.memory_space<hbm>>, %arg5: memref<2x10240x128xf32, #tpu.memory_space<hbm>>, %arg6: memref<5120xi32, #tpu.memory_space<vmem>>, %arg7: memref<80x64xi32, #tpu.memory_space<vmem>>, %arg8: memref<64x128xf32, #tpu.memory_space<vmem>>, %arg9: memref<64x128xf32, #tpu.memory_space<vmem>>, %arg10: memref<64x128xf32, #tpu.memory_space<vmem>>, %arg11: memref<64x128xf32, #tpu.memory_space<vmem>>, %arg12: memref<10240x128xf32, #tpu.memory_space<vmem_shared>>, %arg13: memref<!tpu.dma_semaphore, #tpu.memory_space<semaphore_mem>>, %arg14: memref<!tpu.dma_semaphore, #tpu.memory_space<semaphore_mem>>, %arg15: memref<!tpu.dma_semaphore, #tpu.memory_space<semaphore_mem>>, %arg16: memref<!tpu.dma_semaphore, #tpu.memory_space<semaphore_mem>>, %arg17: memref<!tpu.dma_semaphore, #tpu.memory_space<semaphore_mem>>, %arg18: memref<!tpu.dma_semaphore, #tpu.memory_space<semaphore_mem>>, %arg19: memref<!tpu.dma_semaphore, #tpu.memory_space<semaphore_mem>>, %arg20: memref<!tpu.dma_semaphore, #tpu.memory_space<semaphore_mem>>) attributes {dimension_semantics = [#tpu.dimension_semantics<core_parallel>, #tpu.dimension_semantics<subcore_parallel>], iteration_bounds = array<i64: 2, 16>, scalar_prefetch = 0 : i64, scratch_operands = 15 : i64, tpu.core_type = #tpu.core_type<sc_vector_subcore>, window_params = [{transform_indices = #map}, {transform_indices = #map1}, {transform_indices = #map}, {transform_indices = #map2}]} {
    %mul3A = arith.constant 2 : i32
    %mul3A_0 = arith.muli %arg1, %mul3A : i32
    %add3A = arith.addi %mul3A_0, %arg0 : i32
    %scan3A = arith.constant 0 : i32
    %scan3A_1 = arith.constant 0 : i32
    %scan3A_2 = arith.constant 64 : i32
    %scan3A_3 = arith.addi %scan3A_1, %scan3A_2 : i32
    %scan3A_4 = arith.constant 1 : i32
    scf.for %scan3A_91 = %scan3A_1 to %scan3A_3 step %scan3A_4  : i32 {
      %broadcast_in_dim3A = arith.constant 0.000000e+00 : f32
      %broadcast_in_dim3A_92 = vector.broadcast %broadcast_in_dim3A : f32 to vector<16xf32>
      %swap3A = arith.index_cast %scan3A_91 : i32 to index
      %swap3A_93 = arith.constant 0 : index
      %swap3A_94 = tpu.vector_load %arg8[%swap3A, %swap3A_93] {strides = array<i32>} : memref<64x128xf32, #tpu.memory_space<vmem>>, vector<1x16xf32>,
      %swap3A_95 = vector.shape_cast %swap3A_94 : vector<1x16xf32> to vector<16xf32>
      %swap3A_96 = vector.shape_cast %broadcast_in_dim3A_92 : vector<16xf32> to vector<1x16xf32>
      tpu.vector_store %arg8[%swap3A, %swap3A_93], %swap3A_96 {strides = array<i32>} : memref<64x128xf32, #tpu.memory_space<vmem>>, vector<1x16xf32>,
      %broadcast_in_dim3A_97 = arith.constant 0.000000e+00 : f32
      %broadcast_in_dim3A_98 = vector.broadcast %broadcast_in_dim3A_97 : f32 to vector<16xf32>
      %swap3A_99 = arith.index_cast %scan3A_91 : i32 to index
      %swap3A_100 = arith.constant 16 : index
      %swap3A_101 = tpu.vector_load %arg8[%swap3A_99, %swap3A_100] {strides = array<i32>} : memref<64x128xf32, #tpu.memory_space<vmem>>, vector<1x16xf32>,
      %swap3A_102 = vector.shape_cast %swap3A_101 : vector<1x16xf32> to vector<16xf32>
      %swap3A_103 = vector.shape_cast %broadcast_in_dim3A_98 : vector<16xf32> to vector<1x16xf32>
      tpu.vector_store %arg8[%swap3A_99, %swap3A_100], %swap3A_103 {strides = array<i32>} : memref<64x128xf32, #tpu.memory_space<vmem>>, vector<1x16xf32>,
      %broadcast_in_dim3A_104 = arith.constant 0.000000e+00 : f32
      %broadcast_in_dim3A_105 = vector.broadcast %broadcast_in_dim3A_104 : f32 to vector<16xf32>
      %swap3A_106 = arith.index_cast %scan3A_91 : i32 to index
      %swap3A_107 = arith.constant 32 : index
      %swap3A_108 = tpu.vector_load %arg8[%swap3A_106, %swap3A_107] {strides = array<i32>} : memref<64x128xf32, #tpu.memory_space<vmem>>, vector<1x16xf32>,
      %swap3A_109 = vector.shape_cast %swap3A_108 : vector<1x16xf32> to vector<16xf32>
      %swap3A_110 = vector.shape_cast %broadcast_in_dim3A_105 : vector<16xf32> to vector<1x16xf32>
      tpu.vector_store %arg8[%swap3A_106, %swap3A_107], %swap3A_110 {strides = array<i32>} : memref<64x128xf32, #tpu.memory_space<vmem>>, vector<1x16xf32>,
      %broadcast_in_dim3A_111 = arith.constant 0.000000e+00 : f32
      %broadcast_in_dim3A_112 = vector.broadcast %broadcast_in_dim3A_111 : f32 to vector<16xf32>
      %swap3A_113 = arith.index_cast %scan3A_91 : i32 to index
      %swap3A_114 = arith.constant 48 : index
      %swap3A_115 = tpu.vector_load %arg8[%swap3A_113, %swap3A_114] {strides = array<i32>} : memref<64x128xf32, #tpu.memory_space<vmem>>, vector<1x16xf32>,
      %swap3A_116 = vector.shape_cast %swap3A_115 : vector<1x16xf32> to vector<16xf32>
      %swap3A_117 = vector.shape_cast %broadcast_in_dim3A_112 : vector<16xf32> to vector<1x16xf32>
      tpu.vector_store %arg8[%swap3A_113, %swap3A_114], %swap3A_117 {strides = array<i32>} : memref<64x128xf32, #tpu.memory_space<vmem>>, vector<1x16xf32>,
      %broadcast_in_dim3A_118 = arith.constant 0.000000e+00 : f32
      %broadcast_in_dim3A_119 = vector.broadcast %broadcast_in_dim3A_118 : f32 to vector<16xf32>
      %swap3A_120 = arith.index_cast %scan3A_91 : i32 to index
      %swap3A_121 = arith.constant 64 : index
      %swap3A_122 = tpu.vector_load %arg8[%swap3A_120, %swap3A_121] {strides = array<i32>} : memref<64x128xf32, #tpu.memory_space<vmem>>, vector<1x16xf32>,
      %swap3A_123 = vector.shape_cast %swap3A_122 : vector<1x16xf32> to vector<16xf32>
      %swap3A_124 = vector.shape_cast %broadcast_in_dim3A_119 : vector<16xf32> to vector<1x16xf32>
      tpu.vector_store %arg8[%swap3A_120, %swap3A_121], %swap3A_124 {strides = array<i32>} : memref<64x128xf32, #tpu.memory_space<vmem>>, vector<1x16xf32>,
      %broadcast_in_dim3A_125 = arith.constant 0.000000e+00 : f32
      %broadcast_in_dim3A_126 = vector.broadcast %broadcast_in_dim3A_125 : f32 to vector<16xf32>
      %swap3A_127 = arith.index_cast %scan3A_91 : i32 to index
      %swap3A_128 = arith.constant 80 : index
      %swap3A_129 = tpu.vector_load %arg8[%swap3A_127, %swap3A_128] {strides = array<i32>} : memref<64x128xf32, #tpu.memory_space<vmem>>, vector<1x16xf32>,
      %swap3A_130 = vector.shape_cast %swap3A_129 : vector<1x16xf32> to vector<16xf32>
      %swap3A_131 = vector.shape_cast %broadcast_in_dim3A_126 : vector<16xf32> to vector<1x16xf32>
      tpu.vector_store %arg8[%swap3A_127, %swap3A_128], %swap3A_131 {strides = array<i32>} : memref<64x128xf32, #tpu.memory_space<vmem>>, vector<1x16xf32>,
      %broadcast_in_dim3A_132 = arith.constant 0.000000e+00 : f32
      %broadcast_in_dim3A_133 = vector.broadcast %broadcast_in_dim3A_132 : f32 to vector<16xf32>
      %swap3A_134 = arith.index_cast %scan3A_91 : i32 to index
      %swap3A_135 = arith.constant 96 : index
      %swap3A_136 = tpu.vector_load %arg8[%swap3A_134, %swap3A_135] {strides = array<i32>} : memref<64x128xf32, #tpu.memory_space<vmem>>, vector<1x16xf32>,
      %swap3A_137 = vector.shape_cast %swap3A_136 : vector<1x16xf32> to vector<16xf32>
      %swap3A_138 = vector.shape_cast %broadcast_in_dim3A_133 : vector<16xf32> to vector<1x16xf32>
      tpu.vector_store %arg8[%swap3A_134, %swap3A_135], %swap3A_138 {strides = array<i32>} : memref<64x128xf32, #tpu.memory_space<vmem>>, vector<1x16xf32>,
      %broadcast_in_dim3A_139 = arith.constant 0.000000e+00 : f32
      %broadcast_in_dim3A_140 = vector.broadcast %broadcast_in_dim3A_139 : f32 to vector<16xf32>
      %swap3A_141 = arith.index_cast %scan3A_91 : i32 to index
      %swap3A_142 = arith.constant 112 : index
      %swap3A_143 = tpu.vector_load %arg8[%swap3A_141, %swap3A_142] {strides = array<i32>} : memref<64x128xf32, #tpu.memory_space<vmem>>, vector<1x16xf32>,
      %swap3A_144 = vector.shape_cast %swap3A_143 : vector<1x16xf32> to vector<16xf32>
      %swap3A_145 = vector.shape_cast %broadcast_in_dim3A_140 : vector<16xf32> to vector<1x16xf32>
      tpu.vector_store %arg8[%swap3A_141, %swap3A_142], %swap3A_145 {strides = array<i32>} : memref<64x128xf32, #tpu.memory_space<vmem>>, vector<1x16xf32>,
    }
    %scan3A_5 = arith.constant 64 : i32
    %scan3A_6 = arith.constant 0 : i32
    %scan3A_7 = arith.constant 0 : i32
    %scan3A_8 = arith.constant 10 : i32
    %scan3A_9 = arith.addi %scan3A_7, %scan3A_8 : i32
    %scan3A_10 = arith.constant 1 : i32
    scf.for %scan3A_91 = %scan3A_7 to %scan3A_9 step %scan3A_10  : i32 {
      %mul3A_92 = arith.constant 640 : i32
      %mul3A_93 = arith.muli %arg1, %mul3A_92 : i32
      %mul3A_94 = arith.constant 64 : i32
      %mul3A_95 = arith.muli %scan3A_91, %mul3A_94 : i32
      %add3A_96 = arith.addi %mul3A_93, %mul3A_95 : i32
      "tpu.region"() ({
        %run_scoped3A = tpu.sem_alloc : memref<!tpu.dma_semaphore, #tpu.memory_space<semaphore_mem>>
        %dma_start3A_97 = arith.constant 0 : i32
        %dma_start3A_98 = tpu.memref_slice %arg12[%add3A_96, %dma_start3A_97] : memref<10240x128xf32, #tpu.memory_space<vmem_shared>> -> memref<64x128xf32, #tpu.memory_space<vmem_shared>>
        %dma_start3A_99 = arith.constant 0 : i32
        %dma_start3A_100 = tpu.memref_slice %arg12[%add3A_96, %dma_start3A_99] : memref<10240x128xf32, #tpu.memory_space<vmem_shared>> -> memref<64x128xf32, #tpu.memory_space<vmem_shared>>
        tpu.enqueue_dma source(%arg8 : memref<64x128xf32, #tpu.memory_space<vmem>>) target(%dma_start3A_100 : memref<64x128xf32, #tpu.memory_space<vmem_shared>>) target_semaphore(%run_scoped3A : memref<!tpu.dma_semaphore, #tpu.memory_space<semaphore_mem>>)
        %dma_wait3A_101 = arith.constant 0 : i32
        %dma_wait3A_102 = tpu.memref_slice %arg12[%add3A_96, %dma_wait3A_101] : memref<10240x128xf32, #tpu.memory_space<vmem_shared>> -> memref<64x128xf32, #tpu.memory_space<vmem_shared>>
        %dma_wait3A_103 = arith.constant 0 : i32
        %dma_wait3A_104 = tpu.memref_slice %arg12[%add3A_96, %dma_wait3A_103] : memref<10240x128xf32, #tpu.memory_space<vmem_shared>> -> memref<64x128xf32, #tpu.memory_space<vmem_shared>>
        tpu.wait_dma2 semaphore(%run_scoped3A : memref<!tpu.dma_semaphore, #tpu.memory_space<semaphore_mem>>) src(%arg8 : memref<64x128xf32, #tpu.memory_space<vmem>>) dst(%dma_wait3A_104 : memref<64x128xf32, #tpu.memory_space<vmem_shared>>)
        tpu.yield
      }) : () -> ()
    }
    %scan3A_11 = arith.constant 10 : i32
    %barrier3A = arith.constant 0 : index
    tpu.barrier barrier_id(%barrier3A)
    %mul3A_12 = arith.constant 10240 : i32
    %mul3A_13 = arith.muli %add3A, %mul3A_12 : i32
    %add3A_14 = arith.constant 0 : i32
    %add3A_15 = arith.addi %mul3A_13, %add3A_14 : i32
    "tpu.region"() ({
      %run_scoped3A = tpu.sem_alloc : memref<!tpu.dma_semaphore, #tpu.memory_space<semaphore_mem>>
      %dma_start3A_91 = tpu.memref_slice %arg3[%add3A_15] : memref<327680xi32, #tpu.memory_space<hbm>> -> memref<5120xi32, #tpu.memory_space<hbm>>
      %dma_start3A_92 = tpu.memref_slice %arg3[%add3A_15] : memref<327680xi32, #tpu.memory_space<hbm>> -> memref<5120xi32, #tpu.memory_space<hbm>>
      tpu.enqueue_dma source(%dma_start3A_92 : memref<5120xi32, #tpu.memory_space<hbm>>) target(%arg6 : memref<5120xi32, #tpu.memory_space<vmem>>) target_semaphore(%run_scoped3A : memref<!tpu.dma_semaphore, #tpu.memory_space<semaphore_mem>>)
      %dma_wait3A_93 = tpu.memref_slice %arg3[%add3A_15] : memref<327680xi32, #tpu.memory_space<hbm>> -> memref<5120xi32, #tpu.memory_space<hbm>>
      %dma_wait3A_94 = tpu.memref_slice %arg3[%add3A_15] : memref<327680xi32, #tpu.memory_space<hbm>> -> memref<5120xi32, #tpu.memory_space<hbm>>
      tpu.wait_dma2 semaphore(%run_scoped3A : memref<!tpu.dma_semaphore, #tpu.memory_space<semaphore_mem>>) src(%dma_wait3A_94 : memref<5120xi32, #tpu.memory_space<hbm>>) dst(%arg6 : memref<5120xi32, #tpu.memory_space<vmem>>)
      tpu.yield
    }) : () -> ()
    %mul3A_16 = arith.constant 160 : i32
    %mul3A_17 = arith.muli %add3A, %mul3A_16 : i32
    %add3A_18 = arith.constant 0 : i32
    %add3A_19 = arith.addi %mul3A_17, %add3A_18 : i32
    "tpu.region"() ({
      %run_scoped3A = tpu.sem_alloc : memref<!tpu.dma_semaphore, #tpu.memory_space<semaphore_mem>>
      %dma_start3A_91 = arith.constant 0 : i32
      %dma_start3A_92 = tpu.memref_slice %arg4[%add3A_19, %dma_start3A_91] : memref<5120x64xi32, #tpu.memory_space<hbm>> -> memref<80x64xi32, #tpu.memory_space<hbm>>
      %dma_start3A_93 = arith.constant 0 : i32
      %dma_start3A_94 = tpu.memref_slice %arg4[%add3A_19, %dma_start3A_93] : memref<5120x64xi32, #tpu.memory_space<hbm>> -> memref<80x64xi32, #tpu.memory_space<hbm>>
      tpu.enqueue_dma source(%dma_start3A_94 : memref<80x64xi32, #tpu.memory_space<hbm>>) target(%arg7 : memref<80x64xi32, #tpu.memory_space<vmem>>) target_semaphore(%run_scoped3A : memref<!tpu.dma_semaphore, #tpu.memory_space<semaphore_mem>>)
      %dma_wait3A_95 = arith.constant 0 : i32
      %dma_wait3A_96 = tpu.memref_slice %arg4[%add3A_19, %dma_wait3A_95] : memref<5120x64xi32, #tpu.memory_space<hbm>> -> memref<80x64xi32, #tpu.memory_space<hbm>>
      %dma_wait3A_97 = arith.constant 0 : i32
      %dma_wait3A_98 = tpu.memref_slice %arg4[%add3A_19, %dma_wait3A_97] : memref<5120x64xi32, #tpu.memory_space<hbm>> -> memref<80x64xi32, #tpu.memory_space<hbm>>
      tpu.wait_dma2 semaphore(%run_scoped3A : memref<!tpu.dma_semaphore, #tpu.memory_space<semaphore_mem>>) src(%dma_wait3A_98 : memref<80x64xi32, #tpu.memory_space<hbm>>) dst(%arg7 : memref<80x64xi32, #tpu.memory_space<vmem>>)
      tpu.yield
    }) : () -> ()
    %dma_start3A = arith.constant 0 : i32
    %dma_start3A_20 = tpu.memref_slice %arg6[%dma_start3A] : memref<5120xi32, #tpu.memory_space<vmem>> -> memref<64xi32, #tpu.memory_space<vmem>>
    %dma_start3A_21 = arith.constant 0 : i32
    %dma_start3A_22 = arith.constant 0 : i32
    %dma_start3A_23 = tpu.memref_slice %arg2[%dma_start3A_21, %dma_start3A_22] : memref<10240x128xf32, #tpu.memory_space<hbm>> -> memref<10240x128xf32, #tpu.memory_space<hbm>>
    tpu.enqueue_indirect_dma source(%dma_start3A_23 : memref<10240x128xf32, #tpu.memory_space<hbm>>) target(%arg8 : memref<64x128xf32, #tpu.memory_space<vmem>>) offsets(%dma_start3A_20 : memref<64xi32, #tpu.memory_space<vmem>>) semaphore(%arg13 : memref<!tpu.dma_semaphore, #tpu.memory_space<semaphore_mem>>)
    %dma_start3A_24 = arith.constant 64 : i32
    %dma_start3A_25 = tpu.memref_slice %arg6[%dma_start3A_24] : memref<5120xi32, #tpu.memory_space<vmem>> -> memref<64xi32, #tpu.memory_space<vmem>>
    %dma_start3A_26 = arith.constant 0 : i32
    %dma_start3A_27 = arith.constant 0 : i32
    %dma_start3A_28 = tpu.memref_slice %arg2[%dma_start3A_26, %dma_start3A_27] : memref<10240x128xf32, #tpu.memory_space<hbm>> -> memref<10240x128xf32, #tpu.memory_space<hbm>>
    tpu.enqueue_indirect_dma source(%dma_start3A_28 : memref<10240x128xf32, #tpu.memory_space<hbm>>) target(%arg9 : memref<64x128xf32, #tpu.memory_space<vmem>>) offsets(%dma_start3A_25 : memref<64xi32, #tpu.memory_space<vmem>>) semaphore(%arg14 : memref<!tpu.dma_semaphore, #tpu.memory_space<semaphore_mem>>)
    %scan3A_29 = arith.constant 0 : i32
    %scan3A_30 = arith.constant 0 : i32
    %scan3A_31 = arith.constant 20 : i32
    %scan3A_32 = arith.addi %scan3A_30, %scan3A_31 : i32
    %scan3A_33 = arith.constant 1 : i32
    scf.for %scan3A_91 = %scan3A_30 to %scan3A_32 step %scan3A_33  : i32 {
      %mul3A_92 = arith.constant 4 : i32
      %mul3A_93 = arith.muli %mul3A_92, %scan3A_91 : i32
      %add3A_94 = arith.constant 0 : i32
      %add3A_95 = arith.addi %mul3A_93, %add3A_94 : i32
      %mul3A_96 = arith.constant 64 : i32
      %mul3A_97 = arith.muli %add3A_95, %mul3A_96 : i32
      %dma_wait3A_98 = tpu.memref_slice %arg6[%mul3A_97] : memref<5120xi32, #tpu.memory_space<vmem>> -> memref<64xi32, #tpu.memory_space<vmem>>
      %dma_wait3A_99 = arith.constant 0 : i32
      %dma_wait3A_100 = arith.constant 0 : i32
      %dma_wait3A_101 = tpu.memref_slice %arg2[%dma_wait3A_99, %dma_wait3A_100] : memref<10240x128xf32, #tpu.memory_space<hbm>> -> memref<10240x128xf32, #tpu.memory_space<hbm>>
      tpu.wait_indirect_dma semaphore(%arg13 : memref<!tpu.dma_semaphore, #tpu.memory_space<semaphore_mem>>) src(%dma_wait3A_101 : memref<10240x128xf32, #tpu.memory_space<hbm>>) dst(%arg8 : memref<64x128xf32, #tpu.memory_space<vmem>>)
      %dma_start3A_102 = arith.constant 0 : i32
      %dma_start3A_103 = tpu.memref_slice %arg7[%add3A_95, %dma_start3A_102] : memref<80x64xi32, #tpu.memory_space<vmem>> -> memref<1x64xi32, #tpu.memory_space<vmem>>
      %dma_start3A_104 = tpu.memref_squeeze %dma_start3A_103 : memref<1x64xi32, #tpu.memory_space<vmem>> -> memref<64xi32, #tpu.memory_space<vmem>>
      %dma_start3A_105 = arith.constant 0 : i32
      %dma_start3A_106 = arith.constant 0 : i32
      %dma_start3A_107 = tpu.memref_slice %arg12[%dma_start3A_105, %dma_start3A_106] : memref<10240x128xf32, #tpu.memory_space<vmem_shared>> -> memref<10240x128xf32, #tpu.memory_space<vmem_shared>>
      tpu.enqueue_indirect_dma source(%arg8 : memref<64x128xf32, #tpu.memory_space<vmem>>) target(%dma_start3A_107 : memref<10240x128xf32, #tpu.memory_space<vmem_shared>>) offsets(%dma_start3A_104 : memref<64xi32, #tpu.memory_space<vmem>>) semaphore(%arg17 : memref<!tpu.dma_semaphore, #tpu.memory_space<semaphore_mem>>) {add = true}
      %ge3A = arith.constant 2 : i32
      %ge3A_108 = arith.cmpi sge, %add3A_95, %ge3A : i32
      %convert_element_type3A = arith.extui %ge3A_108 : i1 to i32
      %cond3A = arith.constant 0 : i32
      %cond3A_109 = arith.cmpi ne, %convert_element_type3A, %cond3A : i32
      scf.if %cond3A_109 {
        %sub3A = arith.constant 2 : i32
        %sub3A_200 = arith.subi %add3A_95, %sub3A : i32
        %dma_wait3A_201 = arith.constant 0 : i32
        %dma_wait3A_202 = tpu.memref_slice %arg7[%sub3A_200, %dma_wait3A_201] : memref<80x64xi32, #tpu.memory_space<vmem>> -> memref<1x64xi32, #tpu.memory_space<vmem>>
        %dma_wait3A_203 = tpu.memref_squeeze %dma_wait3A_202 : memref<1x64xi32, #tpu.memory_space<vmem>> -> memref<64xi32, #tpu.memory_space<vmem>>
        %dma_wait3A_204 = arith.constant 0 : i32
        %dma_wait3A_205 = arith.constant 0 : i32
        %dma_wait3A_206 = tpu.memref_slice %arg12[%dma_wait3A_204, %dma_wait3A_205] : memref<10240x128xf32, #tpu.memory_space<vmem_shared>> -> memref<10240x128xf32, #tpu.memory_space<vmem_shared>>
        tpu.wait_indirect_dma semaphore(%arg19 : memref<!tpu.dma_semaphore, #tpu.memory_space<semaphore_mem>>) src(%arg10 : memref<64x128xf32, #tpu.memory_space<vmem>>) dst(%dma_wait3A_206 : memref<10240x128xf32, #tpu.memory_space<vmem_shared>>)
      } else {
      }
      %add3A_110 = arith.constant 2 : i32
      %add3A_111 = arith.addi %add3A_95, %add3A_110 : i32
      %lt3A = arith.constant 80 : i32
      %lt3A_112 = arith.cmpi slt, %add3A_111, %lt3A : i32
      %convert_element_type3A_113 = arith.extui %lt3A_112 : i1 to i32
      %cond3A_114 = arith.constant 0 : i32
      %cond3A_115 = arith.cmpi ne, %convert_element_type3A_113, %cond3A_114 : i32
      scf.if %cond3A_115 {
        %add3A_200 = arith.constant 2 : i32
        %add3A_201 = arith.addi %add3A_95, %add3A_200 : i32
        %mul3A_202 = arith.constant 64 : i32
        %mul3A_203 = arith.muli %add3A_201, %mul3A_202 : i32
        %dma_start3A_204 = tpu.memref_slice %arg6[%mul3A_203] : memref<5120xi32, #tpu.memory_space<vmem>> -> memref<64xi32, #tpu.memory_space<vmem>>
        %dma_start3A_205 = arith.constant 0 : i32
        %dma_start3A_206 = arith.constant 0 : i32
        %dma_start3A_207 = tpu.memref_slice %arg2[%dma_start3A_205, %dma_start3A_206] : memref<10240x128xf32, #tpu.memory_space<hbm>> -> memref<10240x128xf32, #tpu.memory_space<hbm>>
        tpu.enqueue_indirect_dma source(%dma_start3A_207 : memref<10240x128xf32, #tpu.memory_space<hbm>>) target(%arg10 : memref<64x128xf32, #tpu.memory_space<vmem>>) offsets(%dma_start3A_204 : memref<64xi32, #tpu.memory_space<vmem>>) semaphore(%arg15 : memref<!tpu.dma_semaphore, #tpu.memory_space<semaphore_mem>>)
      } else {
      }
      %mul3A_116 = arith.constant 4 : i32
      %mul3A_117 = arith.muli %mul3A_116, %scan3A_91 : i32
      %add3A_118 = arith.constant 1 : i32
      %add3A_119 = arith.addi %mul3A_117, %add3A_118 : i32
      %mul3A_120 = arith.constant 64 : i32
      %mul3A_121 = arith.muli %add3A_119, %mul3A_120 : i32
      %dma_wait3A_122 = tpu.memref_slice %arg6[%mul3A_121] : memref<5120xi32, #tpu.memory_space<vmem>> -> memref<64xi32, #tpu.memory_space<vmem>>
      %dma_wait3A_123 = arith.constant 0 : i32
      %dma_wait3A_124 = arith.constant 0 : i32
      %dma_wait3A_125 = tpu.memref_slice %arg2[%dma_wait3A_123, %dma_wait3A_124] : memref<10240x128xf32, #tpu.memory_space<hbm>> -> memref<10240x128xf32, #tpu.memory_space<hbm>>
      tpu.wait_indirect_dma semaphore(%arg14 : memref<!tpu.dma_semaphore, #tpu.memory_space<semaphore_mem>>) src(%dma_wait3A_125 : memref<10240x128xf32, #tpu.memory_space<hbm>>) dst(%arg9 : memref<64x128xf32, #tpu.memory_space<vmem>>)
      %dma_start3A_126 = arith.constant 0 : i32
      %dma_start3A_127 = tpu.memref_slice %arg7[%add3A_119, %dma_start3A_126] : memref<80x64xi32, #tpu.memory_space<vmem>> -> memref<1x64xi32, #tpu.memory_space<vmem>>
      %dma_start3A_128 = tpu.memref_squeeze %dma_start3A_127 : memref<1x64xi32, #tpu.memory_space<vmem>> -> memref<64xi32, #tpu.memory_space<vmem>>
      %dma_start3A_129 = arith.constant 0 : i32
      %dma_start3A_130 = arith.constant 0 : i32
      %dma_start3A_131 = tpu.memref_slice %arg12[%dma_start3A_129, %dma_start3A_130] : memref<10240x128xf32, #tpu.memory_space<vmem_shared>> -> memref<10240x128xf32, #tpu.memory_space<vmem_shared>>
      tpu.enqueue_indirect_dma source(%arg9 : memref<64x128xf32, #tpu.memory_space<vmem>>) target(%dma_start3A_131 : memref<10240x128xf32, #tpu.memory_space<vmem_shared>>) offsets(%dma_start3A_128 : memref<64xi32, #tpu.memory_space<vmem>>) semaphore(%arg18 : memref<!tpu.dma_semaphore, #tpu.memory_space<semaphore_mem>>) {add = true}
      %ge3A_132 = arith.constant 2 : i32
      %ge3A_133 = arith.cmpi sge, %add3A_119, %ge3A_132 : i32
      %convert_element_type3A_134 = arith.extui %ge3A_133 : i1 to i32
      %cond3A_135 = arith.constant 0 : i32
      %cond3A_136 = arith.cmpi ne, %convert_element_type3A_134, %cond3A_135 : i32
      scf.if %cond3A_136 {
        %sub3A = arith.constant 2 : i32
        %sub3A_200 = arith.subi %add3A_119, %sub3A : i32
        %dma_wait3A_201 = arith.constant 0 : i32
        %dma_wait3A_202 = tpu.memref_slice %arg7[%sub3A_200, %dma_wait3A_201] : memref<80x64xi32, #tpu.memory_space<vmem>> -> memref<1x64xi32, #tpu.memory_space<vmem>>
        %dma_wait3A_203 = tpu.memref_squeeze %dma_wait3A_202 : memref<1x64xi32, #tpu.memory_space<vmem>> -> memref<64xi32, #tpu.memory_space<vmem>>
        %dma_wait3A_204 = arith.constant 0 : i32
        %dma_wait3A_205 = arith.constant 0 : i32
        %dma_wait3A_206 = tpu.memref_slice %arg12[%dma_wait3A_204, %dma_wait3A_205] : memref<10240x128xf32, #tpu.memory_space<vmem_shared>> -> memref<10240x128xf32, #tpu.memory_space<vmem_shared>>
        tpu.wait_indirect_dma semaphore(%arg20 : memref<!tpu.dma_semaphore, #tpu.memory_space<semaphore_mem>>) src(%arg11 : memref<64x128xf32, #tpu.memory_space<vmem>>) dst(%dma_wait3A_206 : memref<10240x128xf32, #tpu.memory_space<vmem_shared>>)
      } else {
      }
      %add3A_137 = arith.constant 2 : i32
      %add3A_138 = arith.addi %add3A_119, %add3A_137 : i32
      %lt3A_139 = arith.constant 80 : i32
      %lt3A_140 = arith.cmpi slt, %add3A_138, %lt3A_139 : i32
      %convert_element_type3A_141 = arith.extui %lt3A_140 : i1 to i32
      %cond3A_142 = arith.constant 0 : i32
      %cond3A_143 = arith.cmpi ne, %convert_element_type3A_141, %cond3A_142 : i32
      scf.if %cond3A_143 {
        %add3A_200 = arith.constant 2 : i32
        %add3A_201 = arith.addi %add3A_119, %add3A_200 : i32
        %mul3A_202 = arith.constant 64 : i32
        %mul3A_203 = arith.muli %add3A_201, %mul3A_202 : i32
        %dma_start3A_204 = tpu.memref_slice %arg6[%mul3A_203] : memref<5120xi32, #tpu.memory_space<vmem>> -> memref<64xi32, #tpu.memory_space<vmem>>
        %dma_start3A_205 = arith.constant 0 : i32
        %dma_start3A_206 = arith.constant 0 : i32
        %dma_start3A_207 = tpu.memref_slice %arg2[%dma_start3A_205, %dma_start3A_206] : memref<10240x128xf32, #tpu.memory_space<hbm>> -> memref<10240x128xf32, #tpu.memory_space<hbm>>
        tpu.enqueue_indirect_dma source(%dma_start3A_207 : memref<10240x128xf32, #tpu.memory_space<hbm>>) target(%arg11 : memref<64x128xf32, #tpu.memory_space<vmem>>) offsets(%dma_start3A_204 : memref<64xi32, #tpu.memory_space<vmem>>) semaphore(%arg16 : memref<!tpu.dma_semaphore, #tpu.memory_space<semaphore_mem>>)
      } else {
      }
      %mul3A_144 = arith.constant 4 : i32
      %mul3A_145 = arith.muli %mul3A_144, %scan3A_91 : i32
      %add3A_146 = arith.constant 2 : i32
      %add3A_147 = arith.addi %mul3A_145, %add3A_146 : i32
      %mul3A_148 = arith.constant 64 : i32
      %mul3A_149 = arith.muli %add3A_147, %mul3A_148 : i32
      %dma_wait3A_150 = tpu.memref_slice %arg6[%mul3A_149] : memref<5120xi32, #tpu.memory_space<vmem>> -> memref<64xi32, #tpu.memory_space<vmem>>
      %dma_wait3A_151 = arith.constant 0 : i32
      %dma_wait3A_152 = arith.constant 0 : i32
      %dma_wait3A_153 = tpu.memref_slice %arg2[%dma_wait3A_151, %dma_wait3A_152] : memref<10240x128xf32, #tpu.memory_space<hbm>> -> memref<10240x128xf32, #tpu.memory_space<hbm>>
      tpu.wait_indirect_dma semaphore(%arg15 : memref<!tpu.dma_semaphore, #tpu.memory_space<semaphore_mem>>) src(%dma_wait3A_153 : memref<10240x128xf32, #tpu.memory_space<hbm>>) dst(%arg10 : memref<64x128xf32, #tpu.memory_space<vmem>>)
      %dma_start3A_154 = arith.constant 0 : i32
      %dma_start3A_155 = tpu.memref_slice %arg7[%add3A_147, %dma_start3A_154] : memref<80x64xi32, #tpu.memory_space<vmem>> -> memref<1x64xi32, #tpu.memory_space<vmem>>
      %dma_start3A_156 = tpu.memref_squeeze %dma_start3A_155 : memref<1x64xi32, #tpu.memory_space<vmem>> -> memref<64xi32, #tpu.memory_space<vmem>>
      %dma_start3A_157 = arith.constant 0 : i32
      %dma_start3A_158 = arith.constant 0 : i32
      %dma_start3A_159 = tpu.memref_slice %arg12[%dma_start3A_157, %dma_start3A_158] : memref<10240x128xf32, #tpu.memory_space<vmem_shared>> -> memref<10240x128xf32, #tpu.memory_space<vmem_shared>>
      tpu.enqueue_indirect_dma source(%arg10 : memref<64x128xf32, #tpu.memory_space<vmem>>) target(%dma_start3A_159 : memref<10240x128xf32, #tpu.memory_space<vmem_shared>>) offsets(%dma_start3A_156 : memref<64xi32, #tpu.memory_space<vmem>>) semaphore(%arg19 : memref<!tpu.dma_semaphore, #tpu.memory_space<semaphore_mem>>) {add = true}
      %ge3A_160 = arith.constant 2 : i32
      %ge3A_161 = arith.cmpi sge, %add3A_147, %ge3A_160 : i32
      %convert_element_type3A_162 = arith.extui %ge3A_161 : i1 to i32
      %cond3A_163 = arith.constant 0 : i32
      %cond3A_164 = arith.cmpi ne, %convert_element_type3A_162, %cond3A_163 : i32
      scf.if %cond3A_164 {
        %sub3A = arith.constant 2 : i32
        %sub3A_200 = arith.subi %add3A_147, %sub3A : i32
        %dma_wait3A_201 = arith.constant 0 : i32
        %dma_wait3A_202 = tpu.memref_slice %arg7[%sub3A_200, %dma_wait3A_201] : memref<80x64xi32, #tpu.memory_space<vmem>> -> memref<1x64xi32, #tpu.memory_space<vmem>>
        %dma_wait3A_203 = tpu.memref_squeeze %dma_wait3A_202 : memref<1x64xi32, #tpu.memory_space<vmem>> -> memref<64xi32, #tpu.memory_space<vmem>>
        %dma_wait3A_204 = arith.constant 0 : i32
        %dma_wait3A_205 = arith.constant 0 : i32
        %dma_wait3A_206 = tpu.memref_slice %arg12[%dma_wait3A_204, %dma_wait3A_205] : memref<10240x128xf32, #tpu.memory_space<vmem_shared>> -> memref<10240x128xf32, #tpu.memory_space<vmem_shared>>
        tpu.wait_indirect_dma semaphore(%arg17 : memref<!tpu.dma_semaphore, #tpu.memory_space<semaphore_mem>>) src(%arg8 : memref<64x128xf32, #tpu.memory_space<vmem>>) dst(%dma_wait3A_206 : memref<10240x128xf32, #tpu.memory_space<vmem_shared>>)
      } else {
      }
      %add3A_165 = arith.constant 2 : i32
      %add3A_166 = arith.addi %add3A_147, %add3A_165 : i32
      %lt3A_167 = arith.constant 80 : i32
      %lt3A_168 = arith.cmpi slt, %add3A_166, %lt3A_167 : i32
      %convert_element_type3A_169 = arith.extui %lt3A_168 : i1 to i32
      %cond3A_170 = arith.constant 0 : i32
      %cond3A_171 = arith.cmpi ne, %convert_element_type3A_169, %cond3A_170 : i32
      scf.if %cond3A_171 {
        %add3A_200 = arith.constant 2 : i32
        %add3A_201 = arith.addi %add3A_147, %add3A_200 : i32
        %mul3A_202 = arith.constant 64 : i32
        %mul3A_203 = arith.muli %add3A_201, %mul3A_202 : i32
        %dma_start3A_204 = tpu.memref_slice %arg6[%mul3A_203] : memref<5120xi32, #tpu.memory_space<vmem>> -> memref<64xi32, #tpu.memory_space<vmem>>
        %dma_start3A_205 = arith.constant 0 : i32
        %dma_start3A_206 = arith.constant 0 : i32
        %dma_start3A_207 = tpu.memref_slice %arg2[%dma_start3A_205, %dma_start3A_206] : memref<10240x128xf32, #tpu.memory_space<hbm>> -> memref<10240x128xf32, #tpu.memory_space<hbm>>
        tpu.enqueue_indirect_dma source(%dma_start3A_207 : memref<10240x128xf32, #tpu.memory_space<hbm>>) target(%arg8 : memref<64x128xf32, #tpu.memory_space<vmem>>) offsets(%dma_start3A_204 : memref<64xi32, #tpu.memory_space<vmem>>) semaphore(%arg13 : memref<!tpu.dma_semaphore, #tpu.memory_space<semaphore_mem>>)
      } else {
      }
      %mul3A_172 = arith.constant 4 : i32
      %mul3A_173 = arith.muli %mul3A_172, %scan3A_91 : i32
      %add3A_174 = arith.constant 3 : i32
      %add3A_175 = arith.addi %mul3A_173, %add3A_174 : i32
      %mul3A_176 = arith.constant 64 : i32
      %mul3A_177 = arith.muli %add3A_175, %mul3A_176 : i32
      %dma_wait3A_178 = tpu.memref_slice %arg6[%mul3A_177] : memref<5120xi32, #tpu.memory_space<vmem>> -> memref<64xi32, #tpu.memory_space<vmem>>
      %dma_wait3A_179 = arith.constant 0 : i32
      %dma_wait3A_180 = arith.constant 0 : i32
      %dma_wait3A_181 = tpu.memref_slice %arg2[%dma_wait3A_179, %dma_wait3A_180] : memref<10240x128xf32, #tpu.memory_space<hbm>> -> memref<10240x128xf32, #tpu.memory_space<hbm>>
      tpu.wait_indirect_dma semaphore(%arg16 : memref<!tpu.dma_semaphore, #tpu.memory_space<semaphore_mem>>) src(%dma_wait3A_181 : memref<10240x128xf32, #tpu.memory_space<hbm>>) dst(%arg11 : memref<64x128xf32, #tpu.memory_space<vmem>>)
      %dma_start3A_182 = arith.constant 0 : i32
      %dma_start3A_183 = tpu.memref_slice %arg7[%add3A_175, %dma_start3A_182] : memref<80x64xi32, #tpu.memory_space<vmem>> -> memref<1x64xi32, #tpu.memory_space<vmem>>
      %dma_start3A_184 = tpu.memref_squeeze %dma_start3A_183 : memref<1x64xi32, #tpu.memory_space<vmem>> -> memref<64xi32, #tpu.memory_space<vmem>>
      %dma_start3A_185 = arith.constant 0 : i32
      %dma_start3A_186 = arith.constant 0 : i32
      %dma_start3A_187 = tpu.memref_slice %arg12[%dma_start3A_185, %dma_start3A_186] : memref<10240x128xf32, #tpu.memory_space<vmem_shared>> -> memref<10240x128xf32, #tpu.memory_space<vmem_shared>>
      tpu.enqueue_indirect_dma source(%arg11 : memref<64x128xf32, #tpu.memory_space<vmem>>) target(%dma_start3A_187 : memref<10240x128xf32, #tpu.memory_space<vmem_shared>>) offsets(%dma_start3A_184 : memref<64xi32, #tpu.memory_space<vmem>>) semaphore(%arg20 : memref<!tpu.dma_semaphore, #tpu.memory_space<semaphore_mem>>) {add = true}
      %ge3A_188 = arith.constant 2 : i32
      %ge3A_189 = arith.cmpi sge, %add3A_175, %ge3A_188 : i32
      %convert_element_type3A_190 = arith.extui %ge3A_189 : i1 to i32
      %cond3A_191 = arith.constant 0 : i32
      %cond3A_192 = arith.cmpi ne, %convert_element_type3A_190, %cond3A_191 : i32
      scf.if %cond3A_192 {
        %sub3A = arith.constant 2 : i32
        %sub3A_200 = arith.subi %add3A_175, %sub3A : i32
        %dma_wait3A_201 = arith.constant 0 : i32
        %dma_wait3A_202 = tpu.memref_slice %arg7[%sub3A_200, %dma_wait3A_201] : memref<80x64xi32, #tpu.memory_space<vmem>> -> memref<1x64xi32, #tpu.memory_space<vmem>>
        %dma_wait3A_203 = tpu.memref_squeeze %dma_wait3A_202 : memref<1x64xi32, #tpu.memory_space<vmem>> -> memref<64xi32, #tpu.memory_space<vmem>>
        %dma_wait3A_204 = arith.constant 0 : i32
        %dma_wait3A_205 = arith.constant 0 : i32
        %dma_wait3A_206 = tpu.memref_slice %arg12[%dma_wait3A_204, %dma_wait3A_205] : memref<10240x128xf32, #tpu.memory_space<vmem_shared>> -> memref<10240x128xf32, #tpu.memory_space<vmem_shared>>
        tpu.wait_indirect_dma semaphore(%arg18 : memref<!tpu.dma_semaphore, #tpu.memory_space<semaphore_mem>>) src(%arg9 : memref<64x128xf32, #tpu.memory_space<vmem>>) dst(%dma_wait3A_206 : memref<10240x128xf32, #tpu.memory_space<vmem_shared>>)
      } else {
      }
      %add3A_193 = arith.constant 2 : i32
      %add3A_194 = arith.addi %add3A_175, %add3A_193 : i32
      %lt3A_195 = arith.constant 80 : i32
      %lt3A_196 = arith.cmpi slt, %add3A_194, %lt3A_195 : i32
      %convert_element_type3A_197 = arith.extui %lt3A_196 : i1 to i32
      %cond3A_198 = arith.constant 0 : i32
      %cond3A_199 = arith.cmpi ne, %convert_element_type3A_197, %cond3A_198 : i32
      scf.if %cond3A_199 {
        %add3A_200 = arith.constant 2 : i32
        %add3A_201 = arith.addi %add3A_175, %add3A_200 : i32
        %mul3A_202 = arith.constant 64 : i32
        %mul3A_203 = arith.muli %add3A_201, %mul3A_202 : i32
        %dma_start3A_204 = tpu.memref_slice %arg6[%mul3A_203] : memref<5120xi32, #tpu.memory_space<vmem>> -> memref<64xi32, #tpu.memory_space<vmem>>
        %dma_start3A_205 = arith.constant 0 : i32
        %dma_start3A_206 = arith.constant 0 : i32
        %dma_start3A_207 = tpu.memref_slice %arg2[%dma_start3A_205, %dma_start3A_206] : memref<10240x128xf32, #tpu.memory_space<hbm>> -> memref<10240x128xf32, #tpu.memory_space<hbm>>
        tpu.enqueue_indirect_dma source(%dma_start3A_207 : memref<10240x128xf32, #tpu.memory_space<hbm>>) target(%arg9 : memref<64x128xf32, #tpu.memory_space<vmem>>) offsets(%dma_start3A_204 : memref<64xi32, #tpu.memory_space<vmem>>) semaphore(%arg14 : memref<!tpu.dma_semaphore, #tpu.memory_space<semaphore_mem>>)
      } else {
      }
    }
    %scan3A_34 = arith.constant 20 : i32
    %dma_wait3A = arith.constant 78 : i32
    %dma_wait3A_35 = arith.constant 0 : i32
    %dma_wait3A_36 = tpu.memref_slice %arg7[%dma_wait3A, %dma_wait3A_35] : memref<80x64xi32, #tpu.memory_space<vmem>> -> memref<1x64xi32, #tpu.memory_space<vmem>>
    %dma_wait3A_37 = tpu.memref_squeeze %dma_wait3A_36 : memref<1x64xi32, #tpu.memory_space<vmem>> -> memref<64xi32, #tpu.memory_space<vmem>>
    %dma_wait3A_38 = arith.constant 0 : i32
    %dma_wait3A_39 = arith.constant 0 : i32
    %dma_wait3A_40 = tpu.memref_slice %arg12[%dma_wait3A_38, %dma_wait3A_39] : memref<10240x128xf32, #tpu.memory_space<vmem_shared>> -> memref<10240x128xf32, #tpu.memory_space<vmem_shared>>
    tpu.wait_indirect_dma semaphore(%arg19 : memref<!tpu.dma_semaphore, #tpu.memory_space<semaphore_mem>>) src(%arg10 : memref<64x128xf32, #tpu.memory_space<vmem>>) dst(%dma_wait3A_40 : memref<10240x128xf32, #tpu.memory_space<vmem_shared>>)
    %dma_wait3A_41 = arith.constant 79 : i32
    %dma_wait3A_42 = arith.constant 0 : i32
    %dma_wait3A_43 = tpu.memref_slice %arg7[%dma_wait3A_41, %dma_wait3A_42] : memref<80x64xi32, #tpu.memory_space<vmem>> -> memref<1x64xi32, #tpu.memory_space<vmem>>
    %dma_wait3A_44 = tpu.memref_squeeze %dma_wait3A_43 : memref<1x64xi32, #tpu.memory_space<vmem>> -> memref<64xi32, #tpu.memory_space<vmem>>
    %dma_wait3A_45 = arith.constant 0 : i32
    %dma_wait3A_46 = arith.constant 0 : i32
    %dma_wait3A_47 = tpu.memref_slice %arg12[%dma_wait3A_45, %dma_wait3A_46] : memref<10240x128xf32, #tpu.memory_space<vmem_shared>> -> memref<10240x128xf32, #tpu.memory_space<vmem_shared>>
    tpu.wait_indirect_dma semaphore(%arg20 : memref<!tpu.dma_semaphore, #tpu.memory_space<semaphore_mem>>) src(%arg11 : memref<64x128xf32, #tpu.memory_space<vmem>>) dst(%dma_wait3A_47 : memref<10240x128xf32, #tpu.memory_space<vmem_shared>>)
    %mul3A_48 = arith.constant 10240 : i32
    %mul3A_49 = arith.muli %add3A, %mul3A_48 : i32
    %add3A_50 = arith.constant 5120 : i32
    %add3A_51 = arith.addi %mul3A_49, %add3A_50 : i32
    "tpu.region"() ({
      %run_scoped3A = tpu.sem_alloc : memref<!tpu.dma_semaphore, #tpu.memory_space<semaphore_mem>>
      %dma_start3A_91 = tpu.memref_slice %arg3[%add3A_51] : memref<327680xi32, #tpu.memory_space<hbm>> -> memref<5120xi32, #tpu.memory_space<hbm>>
      %dma_start3A_92 = tpu.memref_slice %arg3[%add3A_51] : memref<327680xi32, #tpu.memory_space<hbm>> -> memref<5120xi32, #tpu.memory_space<hbm>>
      tpu.enqueue_dma source(%dma_start3A_92 : memref<5120xi32, #tpu.memory_space<hbm>>) target(%arg6 : memref<5120xi32, #tpu.memory_space<vmem>>) target_semaphore(%run_scoped3A : memref<!tpu.dma_semaphore, #tpu.memory_space<semaphore_mem>>)
      %dma_wait3A_93 = tpu.memref_slice %arg3[%add3A_51] : memref<327680xi32, #tpu.memory_space<hbm>> -> memref<5120xi32, #tpu.memory_space<hbm>>
      %dma_wait3A_94 = tpu.memref_slice %arg3[%add3A_51] : memref<327680xi32, #tpu.memory_space<hbm>> -> memref<5120xi32, #tpu.memory_space<hbm>>
      tpu.wait_dma2 semaphore(%run_scoped3A : memref<!tpu.dma_semaphore, #tpu.memory_space<semaphore_mem>>) src(%dma_wait3A_94 : memref<5120xi32, #tpu.memory_space<hbm>>) dst(%arg6 : memref<5120xi32, #tpu.memory_space<vmem>>)
      tpu.yield
    }) : () -> ()
    %mul3A_52 = arith.constant 160 : i32
    %mul3A_53 = arith.muli %add3A, %mul3A_52 : i32
    %add3A_54 = arith.constant 80 : i32
    %add3A_55 = arith.addi %mul3A_53, %add3A_54 : i32
    "tpu.region"() ({
      %run_scoped3A = tpu.sem_alloc : memref<!tpu.dma_semaphore, #tpu.memory_space<semaphore_mem>>
      %dma_start3A_91 = arith.constant 0 : i32
      %dma_start3A_92 = tpu.memref_slice %arg4[%add3A_55, %dma_start3A_91] : memref<5120x64xi32, #tpu.memory_space<hbm>> -> memref<80x64xi32, #tpu.memory_space<hbm>>
      %dma_start3A_93 = arith.constant 0 : i32
      %dma_start3A_94 = tpu.memref_slice %arg4[%add3A_55, %dma_start3A_93] : memref<5120x64xi32, #tpu.memory_space<hbm>> -> memref<80x64xi32, #tpu.memory_space<hbm>>
      tpu.enqueue_dma source(%dma_start3A_94 : memref<80x64xi32, #tpu.memory_space<hbm>>) target(%arg7 : memref<80x64xi32, #tpu.memory_space<vmem>>) target_semaphore(%run_scoped3A : memref<!tpu.dma_semaphore, #tpu.memory_space<semaphore_mem>>)
      %dma_wait3A_95 = arith.constant 0 : i32
      %dma_wait3A_96 = tpu.memref_slice %arg4[%add3A_55, %dma_wait3A_95] : memref<5120x64xi32, #tpu.memory_space<hbm>> -> memref<80x64xi32, #tpu.memory_space<hbm>>
      %dma_wait3A_97 = arith.constant 0 : i32
      %dma_wait3A_98 = tpu.memref_slice %arg4[%add3A_55, %dma_wait3A_97] : memref<5120x64xi32, #tpu.memory_space<hbm>> -> memref<80x64xi32, #tpu.memory_space<hbm>>
      tpu.wait_dma2 semaphore(%run_scoped3A : memref<!tpu.dma_semaphore, #tpu.memory_space<semaphore_mem>>) src(%dma_wait3A_98 : memref<80x64xi32, #tpu.memory_space<hbm>>) dst(%arg7 : memref<80x64xi32, #tpu.memory_space<vmem>>)
      tpu.yield
    }) : () -> ()
    %dma_start3A_56 = arith.constant 0 : i32
    %dma_start3A_57 = tpu.memref_slice %arg6[%dma_start3A_56] : memref<5120xi32, #tpu.memory_space<vmem>> -> memref<64xi32, #tpu.memory_space<vmem>>
    %dma_start3A_58 = arith.constant 0 : i32
    %dma_start3A_59 = arith.constant 0 : i32
    %dma_start3A_60 = tpu.memref_slice %arg2[%dma_start3A_58, %dma_start3A_59] : memref<10240x128xf32, #tpu.memory_space<hbm>> -> memref<10240x128xf32, #tpu.memory_space<hbm>>
    tpu.enqueue_indirect_dma source(%dma_start3A_60 : memref<10240x128xf32, #tpu.memory_space<hbm>>) target(%arg8 : memref<64x128xf32, #tpu.memory_space<vmem>>) offsets(%dma_start3A_57 : memref<64xi32, #tpu.memory_space<vmem>>) semaphore(%arg13 : memref<!tpu.dma_semaphore, #tpu.memory_space<semaphore_mem>>)
    %dma_start3A_61 = arith.constant 64 : i32
    %dma_start3A_62 = tpu.memref_slice %arg6[%dma_start3A_61] : memref<5120xi32, #tpu.memory_space<vmem>> -> memref<64xi32, #tpu.memory_space<vmem>>
    %dma_start3A_63 = arith.constant 0 : i32
    %dma_start3A_64 = arith.constant 0 : i32
    %dma_start3A_65 = tpu.memref_slice %arg2[%dma_start3A_63, %dma_start3A_64] : memref<10240x128xf32, #tpu.memory_space<hbm>> -> memref<10240x128xf32, #tpu.memory_space<hbm>>
    tpu.enqueue_indirect_dma source(%dma_start3A_65 : memref<10240x128xf32, #tpu.memory_space<hbm>>) target(%arg9 : memref<64x128xf32, #tpu.memory_space<vmem>>) offsets(%dma_start3A_62 : memref<64xi32, #tpu.memory_space<vmem>>) semaphore(%arg14 : memref<!tpu.dma_semaphore, #tpu.memory_space<semaphore_mem>>)
    %scan3A_66 = arith.constant 0 : i32
    %scan3A_67 = arith.constant 0 : i32
    %scan3A_68 = arith.constant 20 : i32
    %scan3A_69 = arith.addi %scan3A_67, %scan3A_68 : i32
    %scan3A_70 = arith.constant 1 : i32
    scf.for %scan3A_91 = %scan3A_67 to %scan3A_69 step %scan3A_70  : i32 {
      %mul3A_92 = arith.constant 4 : i32
      %mul3A_93 = arith.muli %mul3A_92, %scan3A_91 : i32
      %add3A_94 = arith.constant 0 : i32
      %add3A_95 = arith.addi %mul3A_93, %add3A_94 : i32
      %mul3A_96 = arith.constant 64 : i32
      %mul3A_97 = arith.muli %add3A_95, %mul3A_96 : i32
      %dma_wait3A_98 = tpu.memref_slice %arg6[%mul3A_97] : memref<5120xi32, #tpu.memory_space<vmem>> -> memref<64xi32, #tpu.memory_space<vmem>>
      %dma_wait3A_99 = arith.constant 0 : i32
      %dma_wait3A_100 = arith.constant 0 : i32
      %dma_wait3A_101 = tpu.memref_slice %arg2[%dma_wait3A_99, %dma_wait3A_100] : memref<10240x128xf32, #tpu.memory_space<hbm>> -> memref<10240x128xf32, #tpu.memory_space<hbm>>
      tpu.wait_indirect_dma semaphore(%arg13 : memref<!tpu.dma_semaphore, #tpu.memory_space<semaphore_mem>>) src(%dma_wait3A_101 : memref<10240x128xf32, #tpu.memory_space<hbm>>) dst(%arg8 : memref<64x128xf32, #tpu.memory_space<vmem>>)
      %dma_start3A_102 = arith.constant 0 : i32
      %dma_start3A_103 = tpu.memref_slice %arg7[%add3A_95, %dma_start3A_102] : memref<80x64xi32, #tpu.memory_space<vmem>> -> memref<1x64xi32, #tpu.memory_space<vmem>>
      %dma_start3A_104 = tpu.memref_squeeze %dma_start3A_103 : memref<1x64xi32, #tpu.memory_space<vmem>> -> memref<64xi32, #tpu.memory_space<vmem>>
      %dma_start3A_105 = arith.constant 0 : i32
      %dma_start3A_106 = arith.constant 0 : i32
      %dma_start3A_107 = tpu.memref_slice %arg12[%dma_start3A_105, %dma_start3A_106] : memref<10240x128xf32, #tpu.memory_space<vmem_shared>> -> memref<10240x128xf32, #tpu.memory_space<vmem_shared>>
      tpu.enqueue_indirect_dma source(%arg8 : memref<64x128xf32, #tpu.memory_space<vmem>>) target(%dma_start3A_107 : memref<10240x128xf32, #tpu.memory_space<vmem_shared>>) offsets(%dma_start3A_104 : memref<64xi32, #tpu.memory_space<vmem>>) semaphore(%arg17 : memref<!tpu.dma_semaphore, #tpu.memory_space<semaphore_mem>>) {add = true}
      %ge3A = arith.constant 2 : i32
      %ge3A_108 = arith.cmpi sge, %add3A_95, %ge3A : i32
      %convert_element_type3A = arith.extui %ge3A_108 : i1 to i32
      %cond3A = arith.constant 0 : i32
      %cond3A_109 = arith.cmpi ne, %convert_element_type3A, %cond3A : i32
      scf.if %cond3A_109 {
        %sub3A = arith.constant 2 : i32
        %sub3A_200 = arith.subi %add3A_95, %sub3A : i32
        %dma_wait3A_201 = arith.constant 0 : i32
        %dma_wait3A_202 = tpu.memref_slice %arg7[%sub3A_200, %dma_wait3A_201] : memref<80x64xi32, #tpu.memory_space<vmem>> -> memref<1x64xi32, #tpu.memory_space<vmem>>
        %dma_wait3A_203 = tpu.memref_squeeze %dma_wait3A_202 : memref<1x64xi32, #tpu.memory_space<vmem>> -> memref<64xi32, #tpu.memory_space<vmem>>
        %dma_wait3A_204 = arith.constant 0 : i32
        %dma_wait3A_205 = arith.constant 0 : i32
        %dma_wait3A_206 = tpu.memref_slice %arg12[%dma_wait3A_204, %dma_wait3A_205] : memref<10240x128xf32, #tpu.memory_space<vmem_shared>> -> memref<10240x128xf32, #tpu.memory_space<vmem_shared>>
        tpu.wait_indirect_dma semaphore(%arg19 : memref<!tpu.dma_semaphore, #tpu.memory_space<semaphore_mem>>) src(%arg10 : memref<64x128xf32, #tpu.memory_space<vmem>>) dst(%dma_wait3A_206 : memref<10240x128xf32, #tpu.memory_space<vmem_shared>>)
      } else {
      }
      %add3A_110 = arith.constant 2 : i32
      %add3A_111 = arith.addi %add3A_95, %add3A_110 : i32
      %lt3A = arith.constant 80 : i32
      %lt3A_112 = arith.cmpi slt, %add3A_111, %lt3A : i32
      %convert_element_type3A_113 = arith.extui %lt3A_112 : i1 to i32
      %cond3A_114 = arith.constant 0 : i32
      %cond3A_115 = arith.cmpi ne, %convert_element_type3A_113, %cond3A_114 : i32
      scf.if %cond3A_115 {
        %add3A_200 = arith.constant 2 : i32
        %add3A_201 = arith.addi %add3A_95, %add3A_200 : i32
        %mul3A_202 = arith.constant 64 : i32
        %mul3A_203 = arith.muli %add3A_201, %mul3A_202 : i32
        %dma_start3A_204 = tpu.memref_slice %arg6[%mul3A_203] : memref<5120xi32, #tpu.memory_space<vmem>> -> memref<64xi32, #tpu.memory_space<vmem>>
        %dma_start3A_205 = arith.constant 0 : i32
        %dma_start3A_206 = arith.constant 0 : i32
        %dma_start3A_207 = tpu.memref_slice %arg2[%dma_start3A_205, %dma_start3A_206] : memref<10240x128xf32, #tpu.memory_space<hbm>> -> memref<10240x128xf32, #tpu.memory_space<hbm>>
        tpu.enqueue_indirect_dma source(%dma_start3A_207 : memref<10240x128xf32, #tpu.memory_space<hbm>>) target(%arg10 : memref<64x128xf32, #tpu.memory_space<vmem>>) offsets(%dma_start3A_204 : memref<64xi32, #tpu.memory_space<vmem>>) semaphore(%arg15 : memref<!tpu.dma_semaphore, #tpu.memory_space<semaphore_mem>>)
      } else {
      }
      %mul3A_116 = arith.constant 4 : i32
      %mul3A_117 = arith.muli %mul3A_116, %scan3A_91 : i32
      %add3A_118 = arith.constant 1 : i32
      %add3A_119 = arith.addi %mul3A_117, %add3A_118 : i32
      %mul3A_120 = arith.constant 64 : i32
      %mul3A_121 = arith.muli %add3A_119, %mul3A_120 : i32
      %dma_wait3A_122 = tpu.memref_slice %arg6[%mul3A_121] : memref<5120xi32, #tpu.memory_space<vmem>> -> memref<64xi32, #tpu.memory_space<vmem>>
      %dma_wait3A_123 = arith.constant 0 : i32
      %dma_wait3A_124 = arith.constant 0 : i32
      %dma_wait3A_125 = tpu.memref_slice %arg2[%dma_wait3A_123, %dma_wait3A_124] : memref<10240x128xf32, #tpu.memory_space<hbm>> -> memref<10240x128xf32, #tpu.memory_space<hbm>>
      tpu.wait_indirect_dma semaphore(%arg14 : memref<!tpu.dma_semaphore, #tpu.memory_space<semaphore_mem>>) src(%dma_wait3A_125 : memref<10240x128xf32, #tpu.memory_space<hbm>>) dst(%arg9 : memref<64x128xf32, #tpu.memory_space<vmem>>)
      %dma_start3A_126 = arith.constant 0 : i32
      %dma_start3A_127 = tpu.memref_slice %arg7[%add3A_119, %dma_start3A_126] : memref<80x64xi32, #tpu.memory_space<vmem>> -> memref<1x64xi32, #tpu.memory_space<vmem>>
      %dma_start3A_128 = tpu.memref_squeeze %dma_start3A_127 : memref<1x64xi32, #tpu.memory_space<vmem>> -> memref<64xi32, #tpu.memory_space<vmem>>
      %dma_start3A_129 = arith.constant 0 : i32
      %dma_start3A_130 = arith.constant 0 : i32
      %dma_start3A_131 = tpu.memref_slice %arg12[%dma_start3A_129, %dma_start3A_130] : memref<10240x128xf32, #tpu.memory_space<vmem_shared>> -> memref<10240x128xf32, #tpu.memory_space<vmem_shared>>
      tpu.enqueue_indirect_dma source(%arg9 : memref<64x128xf32, #tpu.memory_space<vmem>>) target(%dma_start3A_131 : memref<10240x128xf32, #tpu.memory_space<vmem_shared>>) offsets(%dma_start3A_128 : memref<64xi32, #tpu.memory_space<vmem>>) semaphore(%arg18 : memref<!tpu.dma_semaphore, #tpu.memory_space<semaphore_mem>>) {add = true}
      %ge3A_132 = arith.constant 2 : i32
      %ge3A_133 = arith.cmpi sge, %add3A_119, %ge3A_132 : i32
      %convert_element_type3A_134 = arith.extui %ge3A_133 : i1 to i32
      %cond3A_135 = arith.constant 0 : i32
      %cond3A_136 = arith.cmpi ne, %convert_element_type3A_134, %cond3A_135 : i32
      scf.if %cond3A_136 {
        %sub3A = arith.constant 2 : i32
        %sub3A_200 = arith.subi %add3A_119, %sub3A : i32
        %dma_wait3A_201 = arith.constant 0 : i32
        %dma_wait3A_202 = tpu.memref_slice %arg7[%sub3A_200, %dma_wait3A_201] : memref<80x64xi32, #tpu.memory_space<vmem>> -> memref<1x64xi32, #tpu.memory_space<vmem>>
        %dma_wait3A_203 = tpu.memref_squeeze %dma_wait3A_202 : memref<1x64xi32, #tpu.memory_space<vmem>> -> memref<64xi32, #tpu.memory_space<vmem>>
        %dma_wait3A_204 = arith.constant 0 : i32
        %dma_wait3A_205 = arith.constant 0 : i32
        %dma_wait3A_206 = tpu.memref_slice %arg12[%dma_wait3A_204, %dma_wait3A_205] : memref<10240x128xf32, #tpu.memory_space<vmem_shared>> -> memref<10240x128xf32, #tpu.memory_space<vmem_shared>>
        tpu.wait_indirect_dma semaphore(%arg20 : memref<!tpu.dma_semaphore, #tpu.memory_space<semaphore_mem>>) src(%arg11 : memref<64x128xf32, #tpu.memory_space<vmem>>) dst(%dma_wait3A_206 : memref<10240x128xf32, #tpu.memory_space<vmem_shared>>)
      } else {
      }
      %add3A_137 = arith.constant 2 : i32
      %add3A_138 = arith.addi %add3A_119, %add3A_137 : i32
      %lt3A_139 = arith.constant 80 : i32
      %lt3A_140 = arith.cmpi slt, %add3A_138, %lt3A_139 : i32
      %convert_element_type3A_141 = arith.extui %lt3A_140 : i1 to i32
      %cond3A_142 = arith.constant 0 : i32
      %cond3A_143 = arith.cmpi ne, %convert_element_type3A_141, %cond3A_142 : i32
      scf.if %cond3A_143 {
        %add3A_200 = arith.constant 2 : i32
        %add3A_201 = arith.addi %add3A_119, %add3A_200 : i32
        %mul3A_202 = arith.constant 64 : i32
        %mul3A_203 = arith.muli %add3A_201, %mul3A_202 : i32
        %dma_start3A_204 = tpu.memref_slice %arg6[%mul3A_203] : memref<5120xi32, #tpu.memory_space<vmem>> -> memref<64xi32, #tpu.memory_space<vmem>>
        %dma_start3A_205 = arith.constant 0 : i32
        %dma_start3A_206 = arith.constant 0 : i32
        %dma_start3A_207 = tpu.memref_slice %arg2[%dma_start3A_205, %dma_start3A_206] : memref<10240x128xf32, #tpu.memory_space<hbm>> -> memref<10240x128xf32, #tpu.memory_space<hbm>>
        tpu.enqueue_indirect_dma source(%dma_start3A_207 : memref<10240x128xf32, #tpu.memory_space<hbm>>) target(%arg11 : memref<64x128xf32, #tpu.memory_space<vmem>>) offsets(%dma_start3A_204 : memref<64xi32, #tpu.memory_space<vmem>>) semaphore(%arg16 : memref<!tpu.dma_semaphore, #tpu.memory_space<semaphore_mem>>)
      } else {
      }
      %mul3A_144 = arith.constant 4 : i32
      %mul3A_145 = arith.muli %mul3A_144, %scan3A_91 : i32
      %add3A_146 = arith.constant 2 : i32
      %add3A_147 = arith.addi %mul3A_145, %add3A_146 : i32
      %mul3A_148 = arith.constant 64 : i32
      %mul3A_149 = arith.muli %add3A_147, %mul3A_148 : i32
      %dma_wait3A_150 = tpu.memref_slice %arg6[%mul3A_149] : memref<5120xi32, #tpu.memory_space<vmem>> -> memref<64xi32, #tpu.memory_space<vmem>>
      %dma_wait3A_151 = arith.constant 0 : i32
      %dma_wait3A_152 = arith.constant 0 : i32
      %dma_wait3A_153 = tpu.memref_slice %arg2[%dma_wait3A_151, %dma_wait3A_152] : memref<10240x128xf32, #tpu.memory_space<hbm>> -> memref<10240x128xf32, #tpu.memory_space<hbm>>
      tpu.wait_indirect_dma semaphore(%arg15 : memref<!tpu.dma_semaphore, #tpu.memory_space<semaphore_mem>>) src(%dma_wait3A_153 : memref<10240x128xf32, #tpu.memory_space<hbm>>) dst(%arg10 : memref<64x128xf32, #tpu.memory_space<vmem>>)
      %dma_start3A_154 = arith.constant 0 : i32
      %dma_start3A_155 = tpu.memref_slice %arg7[%add3A_147, %dma_start3A_154] : memref<80x64xi32, #tpu.memory_space<vmem>> -> memref<1x64xi32, #tpu.memory_space<vmem>>
      %dma_start3A_156 = tpu.memref_squeeze %dma_start3A_155 : memref<1x64xi32, #tpu.memory_space<vmem>> -> memref<64xi32, #tpu.memory_space<vmem>>
      %dma_start3A_157 = arith.constant 0 : i32
      %dma_start3A_158 = arith.constant 0 : i32
      %dma_start3A_159 = tpu.memref_slice %arg12[%dma_start3A_157, %dma_start3A_158] : memref<10240x128xf32, #tpu.memory_space<vmem_shared>> -> memref<10240x128xf32, #tpu.memory_space<vmem_shared>>
      tpu.enqueue_indirect_dma source(%arg10 : memref<64x128xf32, #tpu.memory_space<vmem>>) target(%dma_start3A_159 : memref<10240x128xf32, #tpu.memory_space<vmem_shared>>) offsets(%dma_start3A_156 : memref<64xi32, #tpu.memory_space<vmem>>) semaphore(%arg19 : memref<!tpu.dma_semaphore, #tpu.memory_space<semaphore_mem>>) {add = true}
      %ge3A_160 = arith.constant 2 : i32
      %ge3A_161 = arith.cmpi sge, %add3A_147, %ge3A_160 : i32
      %convert_element_type3A_162 = arith.extui %ge3A_161 : i1 to i32
      %cond3A_163 = arith.constant 0 : i32
      %cond3A_164 = arith.cmpi ne, %convert_element_type3A_162, %cond3A_163 : i32
      scf.if %cond3A_164 {
        %sub3A = arith.constant 2 : i32
        %sub3A_200 = arith.subi %add3A_147, %sub3A : i32
        %dma_wait3A_201 = arith.constant 0 : i32
        %dma_wait3A_202 = tpu.memref_slice %arg7[%sub3A_200, %dma_wait3A_201] : memref<80x64xi32, #tpu.memory_space<vmem>> -> memref<1x64xi32, #tpu.memory_space<vmem>>
        %dma_wait3A_203 = tpu.memref_squeeze %dma_wait3A_202 : memref<1x64xi32, #tpu.memory_space<vmem>> -> memref<64xi32, #tpu.memory_space<vmem>>
        %dma_wait3A_204 = arith.constant 0 : i32
        %dma_wait3A_205 = arith.constant 0 : i32
        %dma_wait3A_206 = tpu.memref_slice %arg12[%dma_wait3A_204, %dma_wait3A_205] : memref<10240x128xf32, #tpu.memory_space<vmem_shared>> -> memref<10240x128xf32, #tpu.memory_space<vmem_shared>>
        tpu.wait_indirect_dma semaphore(%arg17 : memref<!tpu.dma_semaphore, #tpu.memory_space<semaphore_mem>>) src(%arg8 : memref<64x128xf32, #tpu.memory_space<vmem>>) dst(%dma_wait3A_206 : memref<10240x128xf32, #tpu.memory_space<vmem_shared>>)
      } else {
      }
      %add3A_165 = arith.constant 2 : i32
      %add3A_166 = arith.addi %add3A_147, %add3A_165 : i32
      %lt3A_167 = arith.constant 80 : i32
      %lt3A_168 = arith.cmpi slt, %add3A_166, %lt3A_167 : i32
      %convert_element_type3A_169 = arith.extui %lt3A_168 : i1 to i32
      %cond3A_170 = arith.constant 0 : i32
      %cond3A_171 = arith.cmpi ne, %convert_element_type3A_169, %cond3A_170 : i32
      scf.if %cond3A_171 {
        %add3A_200 = arith.constant 2 : i32
        %add3A_201 = arith.addi %add3A_147, %add3A_200 : i32
        %mul3A_202 = arith.constant 64 : i32
        %mul3A_203 = arith.muli %add3A_201, %mul3A_202 : i32
        %dma_start3A_204 = tpu.memref_slice %arg6[%mul3A_203] : memref<5120xi32, #tpu.memory_space<vmem>> -> memref<64xi32, #tpu.memory_space<vmem>>
        %dma_start3A_205 = arith.constant 0 : i32
        %dma_start3A_206 = arith.constant 0 : i32
        %dma_start3A_207 = tpu.memref_slice %arg2[%dma_start3A_205, %dma_start3A_206] : memref<10240x128xf32, #tpu.memory_space<hbm>> -> memref<10240x128xf32, #tpu.memory_space<hbm>>
        tpu.enqueue_indirect_dma source(%dma_start3A_207 : memref<10240x128xf32, #tpu.memory_space<hbm>>) target(%arg8 : memref<64x128xf32, #tpu.memory_space<vmem>>) offsets(%dma_start3A_204 : memref<64xi32, #tpu.memory_space<vmem>>) semaphore(%arg13 : memref<!tpu.dma_semaphore, #tpu.memory_space<semaphore_mem>>)
      } else {
      }
      %mul3A_172 = arith.constant 4 : i32
      %mul3A_173 = arith.muli %mul3A_172, %scan3A_91 : i32
      %add3A_174 = arith.constant 3 : i32
      %add3A_175 = arith.addi %mul3A_173, %add3A_174 : i32
      %mul3A_176 = arith.constant 64 : i32
      %mul3A_177 = arith.muli %add3A_175, %mul3A_176 : i32
      %dma_wait3A_178 = tpu.memref_slice %arg6[%mul3A_177] : memref<5120xi32, #tpu.memory_space<vmem>> -> memref<64xi32, #tpu.memory_space<vmem>>
      %dma_wait3A_179 = arith.constant 0 : i32
      %dma_wait3A_180 = arith.constant 0 : i32
      %dma_wait3A_181 = tpu.memref_slice %arg2[%dma_wait3A_179, %dma_wait3A_180] : memref<10240x128xf32, #tpu.memory_space<hbm>> -> memref<10240x128xf32, #tpu.memory_space<hbm>>
      tpu.wait_indirect_dma semaphore(%arg16 : memref<!tpu.dma_semaphore, #tpu.memory_space<semaphore_mem>>) src(%dma_wait3A_181 : memref<10240x128xf32, #tpu.memory_space<hbm>>) dst(%arg11 : memref<64x128xf32, #tpu.memory_space<vmem>>)
      %dma_start3A_182 = arith.constant 0 : i32
      %dma_start3A_183 = tpu.memref_slice %arg7[%add3A_175, %dma_start3A_182] : memref<80x64xi32, #tpu.memory_space<vmem>> -> memref<1x64xi32, #tpu.memory_space<vmem>>
      %dma_start3A_184 = tpu.memref_squeeze %dma_start3A_183 : memref<1x64xi32, #tpu.memory_space<vmem>> -> memref<64xi32, #tpu.memory_space<vmem>>
      %dma_start3A_185 = arith.constant 0 : i32
      %dma_start3A_186 = arith.constant 0 : i32
      %dma_start3A_187 = tpu.memref_slice %arg12[%dma_start3A_185, %dma_start3A_186] : memref<10240x128xf32, #tpu.memory_space<vmem_shared>> -> memref<10240x128xf32, #tpu.memory_space<vmem_shared>>
      tpu.enqueue_indirect_dma source(%arg11 : memref<64x128xf32, #tpu.memory_space<vmem>>) target(%dma_start3A_187 : memref<10240x128xf32, #tpu.memory_space<vmem_shared>>) offsets(%dma_start3A_184 : memref<64xi32, #tpu.memory_space<vmem>>) semaphore(%arg20 : memref<!tpu.dma_semaphore, #tpu.memory_space<semaphore_mem>>) {add = true}
      %ge3A_188 = arith.constant 2 : i32
      %ge3A_189 = arith.cmpi sge, %add3A_175, %ge3A_188 : i32
      %convert_element_type3A_190 = arith.extui %ge3A_189 : i1 to i32
      %cond3A_191 = arith.constant 0 : i32
      %cond3A_192 = arith.cmpi ne, %convert_element_type3A_190, %cond3A_191 : i32
      scf.if %cond3A_192 {
        %sub3A = arith.constant 2 : i32
        %sub3A_200 = arith.subi %add3A_175, %sub3A : i32
        %dma_wait3A_201 = arith.constant 0 : i32
        %dma_wait3A_202 = tpu.memref_slice %arg7[%sub3A_200, %dma_wait3A_201] : memref<80x64xi32, #tpu.memory_space<vmem>> -> memref<1x64xi32, #tpu.memory_space<vmem>>
        %dma_wait3A_203 = tpu.memref_squeeze %dma_wait3A_202 : memref<1x64xi32, #tpu.memory_space<vmem>> -> memref<64xi32, #tpu.memory_space<vmem>>
        %dma_wait3A_204 = arith.constant 0 : i32
        %dma_wait3A_205 = arith.constant 0 : i32
        %dma_wait3A_206 = tpu.memref_slice %arg12[%dma_wait3A_204, %dma_wait3A_205] : memref<10240x128xf32, #tpu.memory_space<vmem_shared>> -> memref<10240x128xf32, #tpu.memory_space<vmem_shared>>
        tpu.wait_indirect_dma semaphore(%arg18 : memref<!tpu.dma_semaphore, #tpu.memory_space<semaphore_mem>>) src(%arg9 : memref<64x128xf32, #tpu.memory_space<vmem>>) dst(%dma_wait3A_206 : memref<10240x128xf32, #tpu.memory_space<vmem_shared>>)
      } else {
      }
      %add3A_193 = arith.constant 2 : i32
      %add3A_194 = arith.addi %add3A_175, %add3A_193 : i32
      %lt3A_195 = arith.constant 80 : i32
      %lt3A_196 = arith.cmpi slt, %add3A_194, %lt3A_195 : i32
      %convert_element_type3A_197 = arith.extui %lt3A_196 : i1 to i32
      %cond3A_198 = arith.constant 0 : i32
      %cond3A_199 = arith.cmpi ne, %convert_element_type3A_197, %cond3A_198 : i32
      scf.if %cond3A_199 {
        %add3A_200 = arith.constant 2 : i32
        %add3A_201 = arith.addi %add3A_175, %add3A_200 : i32
        %mul3A_202 = arith.constant 64 : i32
        %mul3A_203 = arith.muli %add3A_201, %mul3A_202 : i32
        %dma_start3A_204 = tpu.memref_slice %arg6[%mul3A_203] : memref<5120xi32, #tpu.memory_space<vmem>> -> memref<64xi32, #tpu.memory_space<vmem>>
        %dma_start3A_205 = arith.constant 0 : i32
        %dma_start3A_206 = arith.constant 0 : i32
        %dma_start3A_207 = tpu.memref_slice %arg2[%dma_start3A_205, %dma_start3A_206] : memref<10240x128xf32, #tpu.memory_space<hbm>> -> memref<10240x128xf32, #tpu.memory_space<hbm>>
        tpu.enqueue_indirect_dma source(%dma_start3A_207 : memref<10240x128xf32, #tpu.memory_space<hbm>>) target(%arg9 : memref<64x128xf32, #tpu.memory_space<vmem>>) offsets(%dma_start3A_204 : memref<64xi32, #tpu.memory_space<vmem>>) semaphore(%arg14 : memref<!tpu.dma_semaphore, #tpu.memory_space<semaphore_mem>>)
      } else {
      }
    }
    %scan3A_71 = arith.constant 20 : i32
    %dma_wait3A_72 = arith.constant 78 : i32
    %dma_wait3A_73 = arith.constant 0 : i32
    %dma_wait3A_74 = tpu.memref_slice %arg7[%dma_wait3A_72, %dma_wait3A_73] : memref<80x64xi32, #tpu.memory_space<vmem>> -> memref<1x64xi32, #tpu.memory_space<vmem>>
    %dma_wait3A_75 = tpu.memref_squeeze %dma_wait3A_74 : memref<1x64xi32, #tpu.memory_space<vmem>> -> memref<64xi32, #tpu.memory_space<vmem>>
    %dma_wait3A_76 = arith.constant 0 : i32
    %dma_wait3A_77 = arith.constant 0 : i32
    %dma_wait3A_78 = tpu.memref_slice %arg12[%dma_wait3A_76, %dma_wait3A_77] : memref<10240x128xf32, #tpu.memory_space<vmem_shared>> -> memref<10240x128xf32, #tpu.memory_space<vmem_shared>>
    tpu.wait_indirect_dma semaphore(%arg19 : memref<!tpu.dma_semaphore, #tpu.memory_space<semaphore_mem>>) src(%arg10 : memref<64x128xf32, #tpu.memory_space<vmem>>) dst(%dma_wait3A_78 : memref<10240x128xf32, #tpu.memory_space<vmem_shared>>)
    %dma_wait3A_79 = arith.constant 79 : i32
    %dma_wait3A_80 = arith.constant 0 : i32
    %dma_wait3A_81 = tpu.memref_slice %arg7[%dma_wait3A_79, %dma_wait3A_80] : memref<80x64xi32, #tpu.memory_space<vmem>> -> memref<1x64xi32, #tpu.memory_space<vmem>>
    %dma_wait3A_82 = tpu.memref_squeeze %dma_wait3A_81 : memref<1x64xi32, #tpu.memory_space<vmem>> -> memref<64xi32, #tpu.memory_space<vmem>>
    %dma_wait3A_83 = arith.constant 0 : i32
    %dma_wait3A_84 = arith.constant 0 : i32
    %dma_wait3A_85 = tpu.memref_slice %arg12[%dma_wait3A_83, %dma_wait3A_84] : memref<10240x128xf32, #tpu.memory_space<vmem_shared>> -> memref<10240x128xf32, #tpu.memory_space<vmem_shared>>
    tpu.wait_indirect_dma semaphore(%arg20 : memref<!tpu.dma_semaphore, #tpu.memory_space<semaphore_mem>>) src(%arg11 : memref<64x128xf32, #tpu.memory_space<vmem>>) dst(%dma_wait3A_85 : memref<10240x128xf32, #tpu.memory_space<vmem_shared>>)
    %barrier3A_86 = arith.constant 0 : index
    tpu.barrier barrier_id(%barrier3A_86)
    %mul3A_87 = arith.constant 640 : i32
    %mul3A_88 = arith.muli %arg1, %mul3A_87 : i32
    %mul3A_89 = arith.constant 640 : i32
    %mul3A_90 = arith.muli %arg1, %mul3A_89 : i32
    "tpu.region"() ({
      %run_scoped3A = tpu.sem_alloc : memref<!tpu.dma_semaphore, #tpu.memory_space<semaphore_mem>>
      %dma_start3A_91 = arith.constant 0 : i32
      %dma_start3A_92 = tpu.memref_slice %arg5[%arg0, %mul3A_90, %dma_start3A_91] : memref<2x10240x128xf32, #tpu.memory_space<hbm>> -> memref<1x640x128xf32, #tpu.memory_space<hbm>>
      %dma_start3A_93 = tpu.memref_squeeze %dma_start3A_92 : memref<1x640x128xf32, #tpu.memory_space<hbm>> -> memref<640x128xf32, #tpu.memory_space<hbm>>
      %dma_start3A_94 = arith.constant 0 : i32
      %dma_start3A_95 = tpu.memref_slice %arg12[%mul3A_88, %dma_start3A_94] : memref<10240x128xf32, #tpu.memory_space<vmem_shared>> -> memref<640x128xf32, #tpu.memory_space<vmem_shared>>
      tpu.enqueue_dma source(%dma_start3A_95 : memref<640x128xf32, #tpu.memory_space<vmem_shared>>) target(%dma_start3A_93 : memref<640x128xf32, #tpu.memory_space<hbm>>) target_semaphore(%run_scoped3A : memref<!tpu.dma_semaphore, #tpu.memory_space<semaphore_mem>>)
      %dma_wait3A_96 = arith.constant 0 : i32
      %dma_wait3A_97 = tpu.memref_slice %arg5[%arg0, %mul3A_90, %dma_wait3A_96] : memref<2x10240x128xf32, #tpu.memory_space<hbm>> -> memref<1x640x128xf32, #tpu.memory_space<hbm>>
      %dma_wait3A_98 = tpu.memref_squeeze %dma_wait3A_97 : memref<1x640x128xf32, #tpu.memory_space<hbm>> -> memref<640x128xf32, #tpu.memory_space<hbm>>
      %dma_wait3A_99 = arith.constant 0 : i32
      %dma_wait3A_100 = tpu.memref_slice %arg12[%mul3A_88, %dma_wait3A_99] : memref<10240x128xf32, #tpu.memory_space<vmem_shared>> -> memref<640x128xf32, #tpu.memory_space<vmem_shared>>
      tpu.wait_dma2 semaphore(%run_scoped3A : memref<!tpu.dma_semaphore, #tpu.memory_space<semaphore_mem>>) src(%dma_wait3A_100 : memref<640x128xf32, #tpu.memory_space<vmem_shared>>) dst(%dma_wait3A_98 : memref<640x128xf32, #tpu.memory_space<hbm>>)
      tpu.yield
    }) : () -> ()
    return
  }
}

module attributes {stable_mosaic.version = 14 : i64} {
  func.func @_y1_body(%arg0: memref<10000x128xf32, #tpu.memory_space<vmem>>, %arg1: memref<128x128xf32, #tpu.memory_space<vmem>>, %arg2: memref<2x10240x1xf32, #tpu.memory_space<vmem>>, %arg3: memref<10240x128xf32, #tpu.memory_space<vmem>>) attributes {dimension_semantics = [], scalar_prefetch = 0 : i64, scratch_operands = 0 : i64, tpu.core_type = #tpu.core_type<tc>} {
    %get3A = arith.constant 0 : index
    %get3A_0 = arith.constant 0 : index
    %get3A_1 = arith.constant 0 : index
    %get3A_2 = vector.load %arg2[%get3A, %get3A_0, %get3A_1] : memref<2x10240x1xf32, #tpu.memory_space<vmem>>, vector<2x10240x1xf32>
    %slice3A = vector.extract_strided_slice %get3A_2 {offsets = [0, 0, 0], sizes = [1, 10240, 1], strides = [1, 1, 1]} : vector<2x10240x1xf32> to vector<1x10240x1xf32>
    %squeeze3A = vector.shape_cast %slice3A : vector<1x10240x1xf32> to vector<10240x1xf32>
    %slice3A_3 = vector.extract_strided_slice %get3A_2 {offsets = [1, 0, 0], sizes = [1, 10240, 1], strides = [1, 1, 1]} : vector<2x10240x1xf32> to vector<1x10240x1xf32>
    %squeeze3A_4 = vector.shape_cast %slice3A_3 : vector<1x10240x1xf32> to vector<10240x1xf32>
    %add3A = arith.addf %squeeze3A, %squeeze3A_4 : vector<10240x1xf32>
    %add3A_5 = arith.constant 1.000000e+00 : f32
    %add3A_6 = vector.broadcast %add3A_5 : f32 to vector<10240x1xf32>
    %add3A_7 = arith.addf %add3A, %add3A_6 : vector<10240x1xf32>
    %max3A = arith.constant 1.000000e+00 : f32
    %max3A_8 = vector.broadcast %max3A : f32 to vector<10240x1xf32>
    %max3A_9 = arith.maximumf %add3A_7, %max3A_8 : vector<10240x1xf32>
    %rsqrt3A = math.rsqrt %max3A_9 : vector<10240x1xf32>
    %slice3A_10 = vector.extract_strided_slice %rsqrt3A {offsets = [0, 0], sizes = [10000, 1], strides = [1, 1]} : vector<10240x1xf32> to vector<10000x1xf32>
    %get3A_11 = arith.constant 0 : index
    %get3A_12 = arith.constant 0 : index
    %get3A_13 = vector.load %arg0[%get3A_11, %get3A_12] : memref<10000x128xf32, #tpu.memory_space<vmem>>, vector<10000x128xf32>
    %get3A_14 = arith.constant 0 : index
    %get3A_15 = arith.constant 0 : index
    %get3A_16 = vector.load %arg1[%get3A_14, %get3A_15] : memref<128x128xf32, #tpu.memory_space<vmem>>, vector<128x128xf32>
    %dot_general3A = arith.constant dense<0.000000e+00> : vector<10000x128xf32>
    %dot_general3A_17 = tpu.matmul %get3A_13, %get3A_16, %dot_general3A {dimension_numbers = #tpu.dot_dimension_numbers<[1], [0], [0], [1], [0, 0, 1, 1], [], []>, transpose_lhs_hint = false} : vector<10000x128xf32>, vector<128x128xf32>, vector<10000x128xf32> -> vector<10000x128xf32>
    %mul3A = vector.broadcast %slice3A_10 : vector<10000x1xf32> to vector<10000x128xf32>
    %mul3A_18 = arith.mulf %mul3A, %dot_general3A_17 : vector<10000x128xf32>
    %swap3A = arith.constant 0 : index
    %swap3A_19 = arith.constant 0 : index
    %swap3A_20 = vector.load %arg3[%swap3A, %swap3A_19] : memref<10240x128xf32, #tpu.memory_space<vmem>>, vector<10000x128xf32>
    tpu.vector_store %arg3[%swap3A, %swap3A_19], %mul3A_18 {strides = array<i32>} : memref<10240x128xf32, #tpu.memory_space<vmem>>, vector<10000x128xf32>,
    %broadcast_in_dim3A = arith.constant 0.000000e+00 : f32
    %broadcast_in_dim3A_21 = vector.broadcast %broadcast_in_dim3A : f32 to vector<240x128xf32>
    %swap3A_22 = arith.constant 10000 : index
    %swap3A_23 = arith.constant 0 : index
    %swap3A_24 = vector.load %arg3[%swap3A_22, %swap3A_23] : memref<10240x128xf32, #tpu.memory_space<vmem>>, vector<240x128xf32>
    tpu.vector_store %arg3[%swap3A_22, %swap3A_23], %broadcast_in_dim3A_21 {strides = array<i32>} : memref<10240x128xf32, #tpu.memory_space<vmem>>, vector<240x128xf32>,
    return
  }
}

module attributes {stable_mosaic.version = 14 : i64} {
  func.func @_mid_body(%arg0: memref<2x10240x1xf32, #tpu.memory_space<vmem>>, %arg1: memref<10240x128xf32, #tpu.memory_space<vmem>>, %arg2: memref<2x10240x128xf32, #tpu.memory_space<vmem>>, %arg3: memref<128xf32, #tpu.memory_space<vmem>>, %arg4: memref<128x128xf32, #tpu.memory_space<vmem>>, %arg5: memref<10240x128xf32, #tpu.memory_space<vmem>>) attributes {dimension_semantics = [], scalar_prefetch = 0 : i64, scratch_operands = 0 : i64, tpu.core_type = #tpu.core_type<tc>} {
    %get3A = arith.constant 0 : index
    %get3A_0 = arith.constant 0 : index
    %get3A_1 = arith.constant 0 : index
    %get3A_2 = vector.load %arg0[%get3A, %get3A_0, %get3A_1] : memref<2x10240x1xf32, #tpu.memory_space<vmem>>, vector<2x10240x1xf32>
    %slice3A = vector.extract_strided_slice %get3A_2 {offsets = [0, 0, 0], sizes = [1, 10240, 1], strides = [1, 1, 1]} : vector<2x10240x1xf32> to vector<1x10240x1xf32>
    %squeeze3A = vector.shape_cast %slice3A : vector<1x10240x1xf32> to vector<10240x1xf32>
    %slice3A_3 = vector.extract_strided_slice %get3A_2 {offsets = [1, 0, 0], sizes = [1, 10240, 1], strides = [1, 1, 1]} : vector<2x10240x1xf32> to vector<1x10240x1xf32>
    %squeeze3A_4 = vector.shape_cast %slice3A_3 : vector<1x10240x1xf32> to vector<10240x1xf32>
    %add3A = arith.addf %squeeze3A, %squeeze3A_4 : vector<10240x1xf32>
    %add3A_5 = arith.constant 1.000000e+00 : f32
    %add3A_6 = vector.broadcast %add3A_5 : f32 to vector<10240x1xf32>
    %add3A_7 = arith.addf %add3A, %add3A_6 : vector<10240x1xf32>
    %max3A = arith.constant 1.000000e+00 : f32
    %max3A_8 = vector.broadcast %max3A : f32 to vector<10240x1xf32>
    %max3A_9 = arith.maximumf %add3A_7, %max3A_8 : vector<10240x1xf32>
    %rsqrt3A = math.rsqrt %max3A_9 : vector<10240x1xf32>
    %get3A_10 = arith.constant 0 : index
    %get3A_11 = arith.constant 0 : index
    %get3A_12 = arith.constant 0 : index
    %get3A_13 = vector.load %arg2[%get3A_10, %get3A_11, %get3A_12] : memref<2x10240x128xf32, #tpu.memory_space<vmem>>, vector<2x10240x128xf32>
    %slice3A_14 = vector.extract_strided_slice %get3A_13 {offsets = [0, 0, 0], sizes = [1, 10240, 128], strides = [1, 1, 1]} : vector<2x10240x128xf32> to vector<1x10240x128xf32>
    %squeeze3A_15 = vector.shape_cast %slice3A_14 : vector<1x10240x128xf32> to vector<10240x128xf32>
    %slice3A_16 = vector.extract_strided_slice %get3A_13 {offsets = [1, 0, 0], sizes = [1, 10240, 128], strides = [1, 1, 1]} : vector<2x10240x128xf32> to vector<1x10240x128xf32>
    %squeeze3A_17 = vector.shape_cast %slice3A_16 : vector<1x10240x128xf32> to vector<10240x128xf32>
    %add3A_18 = arith.addf %squeeze3A_15, %squeeze3A_17 : vector<10240x128xf32>
    %get3A_19 = arith.constant 0 : index
    %get3A_20 = arith.constant 0 : index
    %get3A_21 = vector.load %arg1[%get3A_19, %get3A_20] : memref<10240x128xf32, #tpu.memory_space<vmem>>, vector<10240x128xf32>
    %add3A_22 = arith.addf %add3A_18, %get3A_21 : vector<10240x128xf32>
    %mul3A = vector.broadcast %rsqrt3A : vector<10240x1xf32> to vector<10240x128xf32>
    %mul3A_23 = arith.mulf %mul3A, %add3A_22 : vector<10240x128xf32>
    %get3A_24 = arith.constant 0 : index
    %get3A_25 = vector.load %arg3[%get3A_24] : memref<128xf32, #tpu.memory_space<vmem>>, vector<128xf32>
    %broadcast_in_dim3A = vector.shape_cast %get3A_25 : vector<128xf32> to vector<1x128xf32>
    %add3A_26 = vector.broadcast %broadcast_in_dim3A : vector<1x128xf32> to vector<10240x128xf32>
    %add3A_27 = arith.addf %mul3A_23, %add3A_26 : vector<10240x128xf32>
    %max3A_28 = arith.constant 0.000000e+00 : f32
    %max3A_29 = vector.broadcast %max3A_28 : f32 to vector<10240x128xf32>
    %max3A_30 = arith.maximumf %add3A_27, %max3A_29 : vector<10240x128xf32>
    %get3A_31 = arith.constant 0 : index
    %get3A_32 = arith.constant 0 : index
    %get3A_33 = vector.load %arg4[%get3A_31, %get3A_32] : memref<128x128xf32, #tpu.memory_space<vmem>>, vector<128x128xf32>
    %dot_general3A = arith.constant dense<0.000000e+00> : vector<10240x128xf32>
    %dot_general3A_34 = tpu.matmul %max3A_30, %get3A_33, %dot_general3A {dimension_numbers = #tpu.dot_dimension_numbers<[1], [0], [0], [1], [0, 0, 1, 1], [], []>, transpose_lhs_hint = false} : vector<10240x128xf32>, vector<128x128xf32>, vector<10240x128xf32> -> vector<10240x128xf32>
    %mul3A_35 = vector.broadcast %rsqrt3A : vector<10240x1xf32> to vector<10240x128xf32>
    %mul3A_36 = arith.mulf %mul3A_35, %dot_general3A_34 : vector<10240x128xf32>
    %swap3A = arith.constant 0 : index
    %swap3A_37 = arith.constant 0 : index
    %swap3A_38 = vector.load %arg5[%swap3A, %swap3A_37] : memref<10240x128xf32, #tpu.memory_space<vmem>>, vector<10240x128xf32>
    tpu.vector_store %arg5[%swap3A, %swap3A_37], %mul3A_36 {strides = array<i32>} : memref<10240x128xf32, #tpu.memory_space<vmem>>, vector<10240x128xf32>,
    return
  }
}

module attributes {stable_mosaic.version = 14 : i64} {
  func.func @_out_body(%arg0: memref<2x10240x1xf32, #tpu.memory_space<vmem>>, %arg1: memref<10240x128xf32, #tpu.memory_space<vmem>>, %arg2: memref<2x10240x128xf32, #tpu.memory_space<vmem>>, %arg3: memref<128xf32, #tpu.memory_space<vmem>>, %arg4: memref<10000x128xf32, #tpu.memory_space<vmem>>) attributes {dimension_semantics = [], scalar_prefetch = 0 : i64, scratch_operands = 0 : i64, tpu.core_type = #tpu.core_type<tc>} {
    %get3A = arith.constant 0 : index
    %get3A_0 = arith.constant 0 : index
    %get3A_1 = arith.constant 0 : index
    %get3A_2 = vector.load %arg0[%get3A, %get3A_0, %get3A_1] : memref<2x10240x1xf32, #tpu.memory_space<vmem>>, vector<2x10240x1xf32>
    %slice3A = vector.extract_strided_slice %get3A_2 {offsets = [0, 0, 0], sizes = [1, 10240, 1], strides = [1, 1, 1]} : vector<2x10240x1xf32> to vector<1x10240x1xf32>
    %squeeze3A = vector.shape_cast %slice3A : vector<1x10240x1xf32> to vector<10240x1xf32>
    %slice3A_3 = vector.extract_strided_slice %get3A_2 {offsets = [1, 0, 0], sizes = [1, 10240, 1], strides = [1, 1, 1]} : vector<2x10240x1xf32> to vector<1x10240x1xf32>
    %squeeze3A_4 = vector.shape_cast %slice3A_3 : vector<1x10240x1xf32> to vector<10240x1xf32>
    %add3A = arith.addf %squeeze3A, %squeeze3A_4 : vector<10240x1xf32>
    %add3A_5 = arith.constant 1.000000e+00 : f32
    %add3A_6 = vector.broadcast %add3A_5 : f32 to vector<10240x1xf32>
    %add3A_7 = arith.addf %add3A, %add3A_6 : vector<10240x1xf32>
    %max3A = arith.constant 1.000000e+00 : f32
    %max3A_8 = vector.broadcast %max3A : f32 to vector<10240x1xf32>
    %max3A_9 = arith.maximumf %add3A_7, %max3A_8 : vector<10240x1xf32>
    %rsqrt3A = math.rsqrt %max3A_9 : vector<10240x1xf32>
    %slice3A_10 = vector.extract_strided_slice %rsqrt3A {offsets = [0, 0], sizes = [10000, 1], strides = [1, 1]} : vector<10240x1xf32> to vector<10000x1xf32>
    %get3A_11 = arith.constant 0 : index
    %get3A_12 = arith.constant 0 : index
    %get3A_13 = arith.constant 0 : index
    %get3A_14 = vector.load %arg2[%get3A_11, %get3A_12, %get3A_13] : memref<2x10240x128xf32, #tpu.memory_space<vmem>>, vector<2x10240x128xf32>
    %slice3A_15 = vector.extract_strided_slice %get3A_14 {offsets = [0, 0, 0], sizes = [1, 10000, 128], strides = [1, 1, 1]} : vector<2x10240x128xf32> to vector<1x10000x128xf32>
    %squeeze3A_16 = vector.shape_cast %slice3A_15 : vector<1x10000x128xf32> to vector<10000x128xf32>
    %slice3A_17 = vector.extract_strided_slice %get3A_14 {offsets = [1, 0, 0], sizes = [1, 10000, 128], strides = [1, 1, 1]} : vector<2x10240x128xf32> to vector<1x10000x128xf32>
    %squeeze3A_18 = vector.shape_cast %slice3A_17 : vector<1x10000x128xf32> to vector<10000x128xf32>
    %add3A_19 = arith.addf %squeeze3A_16, %squeeze3A_18 : vector<10000x128xf32>
    %get3A_20 = arith.constant 0 : index
    %get3A_21 = arith.constant 0 : index
    %get3A_22 = vector.load %arg1[%get3A_20, %get3A_21] : memref<10240x128xf32, #tpu.memory_space<vmem>>, vector<10000x128xf32>
    %add3A_23 = arith.addf %add3A_19, %get3A_22 : vector<10000x128xf32>
    %mul3A = vector.broadcast %slice3A_10 : vector<10000x1xf32> to vector<10000x128xf32>
    %mul3A_24 = arith.mulf %mul3A, %add3A_23 : vector<10000x128xf32>
    %get3A_25 = arith.constant 0 : index
    %get3A_26 = vector.load %arg3[%get3A_25] : memref<128xf32, #tpu.memory_space<vmem>>, vector<128xf32>
    %broadcast_in_dim3A = vector.shape_cast %get3A_26 : vector<128xf32> to vector<1x128xf32>
    %add3A_27 = vector.broadcast %broadcast_in_dim3A : vector<1x128xf32> to vector<10000x128xf32>
    %add3A_28 = arith.addf %mul3A_24, %add3A_27 : vector<10000x128xf32>
    %swap3A = arith.constant 0 : index
    %swap3A_29 = arith.constant 0 : index
    %swap3A_30 = vector.load %arg4[%swap3A, %swap3A_29] : memref<10000x128xf32, #tpu.memory_space<vmem>>, vector<10000x128xf32>
    tpu.vector_store %arg4[%swap3A, %swap3A_29], %add3A_28 {strides = array<i32>} : memref<10000x128xf32, #tpu.memory_space<vmem>>, vector<10000x128xf32>,
    return
  }
}

</mosaic_0001>

<sc_bundles>
// kernel: kernel.11.cloned.1.call-start
scs
__scs_entry_jumppad:
0x0: {  	(pc) =	sbr.rel $0x88, $3  }
0x1: {  	(tag) =	ssettag $0x0;
	lr =	simm.s32 $0x1  }
0x2: {  	[smem:$0x3F9B] =	sst lr;
	_ =	strace $0xD0000000  }
0x3: {  	_ = 	snop  }
0x4: {  	_ = 	snop  }
0x5: {  	_ = 	snop  }
0x6: {  	_ = 	snop  }
0x7: {  	_ = 	snop  }
__scs_overlays_trampoline_lowered:
0x8: {  	[smem:$0x3FAA] =	sst s0  }
0x9: {  	[smem:$0x3FAB] =	sst s1  }
0xa: {  	[smem:$0x3FAC] =	sst s2  }
0xb: {  	[smem:$0x3FAD] =	sst s3  }
0xc: {  	[smem:$0x3FAE] =	sst s4  }
0xd: {  	[smem:$0x3FAF] =	sst s5  }
0xe: {  	[smem:$0x3FB0] =	sst s6  }
0xf: {  	[smem:$0x3FB1] =	sst s7  }
0x10: {  	[smem:$0x3FB2] =	sst s8  }
0x11: {  	[smem:$0x3FB3] =	sst s9;
	s0 =	simm.s32 @!p0 $0x0  }
0x12: {  	s1 =	sld [smem:$0x3F99];
	s0 =	simm.s32 @p0 $0x1  }
0x13: {  	[smem:$0x3FB4] =	sst s0;
	s0 =	simm.s32 @!p1 $0x0  }
0x14: {  	s2 =	sld [smem:$0x3F98];
	s0 =	simm.s32 @p1 $0x1  }
0x15: {  	[smem:$0x3FB5] =	sst s0;
	s0 =	simm.s32 @!p2 $0x0  }
0x16: {  	s3 =	sld [smem:$0x3FDB];
	s0 =	simm.s32 @p2 $0x1  }
0x17: {  	s4 =	simm.s32 $0x1BF5;
	[smem:$0x3FB7] =	sst s0  }
0x18: {  	s0 =	sld [smem:$0x3F9A];
	_ =	swait.ge [sflag:s4], $0x0  }
0x19: {  	s7 =	sld [smem:$0x3F9B]  }
0x1a: {  	s8 =	sadd.s32 $0xFFFFE003, lr  }
0x1b: {  	s9 =	sadd.s32 $0xFFFFFEF7, lr;
	s5 =	simm.s32 $0xFFFFFFFF;
	p2 =	slt.u32 s8, $0xFFFFF086  }
0x1c: {  	p1 =	slt.u32 s9, $0xF7A;
	s5 =	simm.s32 @!p2 $0x0  }
0x1d: {  	s5 =	simm.s32 @p1 $0x1;
	p0 =	seq.s32 s7, s2  }
0x1e: {  	s7 =	smul.u32 @!p0 $0xF7A, s2;
	p2 =	seq.s32 @!p0 s5, $0x0  }
0x1f: {  	s9 =	smul.u32 $0xF7A, s1;
	s8 =	simm.s32 @!p0 $0x1BF5;
	p2 =	por !p2, p0  }
0x20: {  	[sflag:s8] =	ssyncset.s32 @!p0 $0xFFFFF086;
	s6 =	sadd.s32 @!p0 s3, s7;
	s7 =	simm.s32 @!p0 $0x108  }
0x21: {  	s3 =	sadd.s32 s3, s9;
	s6 =	sadd.s32 @!p0 $0x88, s6;
	s7 =	simm.s32 @p2 $0x1082  }
0x22: {  	[simem:s7], [sflag:s8] =	dma.local @!p0 [hbm:s6], $0xF7A  }
0x23: {  	s9 =	sor.u32 $0xD0000000, s2;
	s6 =	simm.s32 $0x108;
	_ =	swait.ge @!p0 [sflag:s8], $0x0  }
0x24: {  	s3 =	sadd.s32 $0x88, s3;
	s6 =	simm.s32 @!p1 $0x1082;
	[sflag:s4] =	ssyncset.s32 $0xFFFFF086  }
0x25: {  	[simem:s6], [sflag:s4] =	dma.local [hbm:s3], $0xF7A  }
0x26: {  	[smem:$0x3F9B] =	sst s1;
	(tag) =	ssettag s2;
	_ =	strace s9  }
0x27: {  	s1 =	sld [smem:$0x3FAB]  }
0x28: {  	s2 =	sld [smem:$0x3FAC]  }
0x29: {  	s4 =	sld [smem:$0x3FAE]  }
0x2a: {  	p0 =	seq.s32 s5, $0x0;
	s5 =	sld [smem:$0x3FAF]  }
0x2b: {  	s6 =	sld [smem:$0x3FB0]  }
0x2c: {  	s7 =	sld [smem:$0x3FB1]  }
0x2d: {  	s3 =	simm.s32 $0x108;
	s8 =	sld [smem:$0x3FB2]  }
0x2e: {  	s3 =	simm.s32 @!p0 $0x1082;
	s9 =	sld [smem:$0x3FB3]  }
0x2f: {  	lr =	sadd.s32 s0, s3;
	s0 =	sld [smem:$0x3FAA]  }
0x30: {  	s3 =	sld [smem:$0x3FAD]  }
0x31: {  	[smem:$0x3FB6] =	sst s10  }
0x32: {  	s10 =	sld [smem:$0x3FB4];
	_ =	sdelay $0x3  }
0x33: {  	p0 =	seq.s32 s10, $0x1;
	s10 =	sld [smem:$0x3FB6];
	_ =	sdelay $0x3  }
0x34: {  	[smem:$0x3FB6] =	sst s10  }
0x35: {  	s10 =	sld [smem:$0x3FB5];
	_ =	sdelay $0x3  }
0x36: {  	p1 =	seq.s32 s10, $0x1;
	s10 =	sld [smem:$0x3FB6];
	_ =	sdelay $0x3  }
0x37: {  	[smem:$0x3FB6] =	sst s10  }
0x38: {  	s10 =	sld [smem:$0x3FB7]  }
0x39: {  	_ = 	snop;
	(pc) =	sbr.ind lr, $3  }
0x3a: {  	_ = 	snop  }
0x3b: {  	_ = 	snop  }
0x3c: {  	p2 =	seq.s32 s10, $0x1;
	s10 =	sld [smem:$0x3FB6]  }
0x3d: {  	_ =	shalt  }
0x3e: {  	_ =	shalt  }
0x3f: {  	_ =	shalt  }
0x40: {  	_ =	shalt  }
0x41: {  	_ =	shalt  }
0x42: {  	_ =	shalt  }
0x43: {  	_ =	shalt  }
0x44: {  	_ =	shalt  }
0x45: {  	_ =	shalt  }
0x46: {  	_ =	shalt  }
0x47: {  	_ =	shalt  }
0x48: {  	_ =	shalt  }
0x49: {  	_ =	shalt  }
0x4a: {  	_ =	shalt  }
0x4b: {  	_ =	shalt  }
0x4c: {  	_ =	shalt  }
0x4d: {  	_ =	shalt  }
0x4e: {  	_ =	shalt  }
0x4f: {  	_ =	shalt  }
0x50: {  	_ =	shalt  }
0x51: {  	_ =	shalt  }
0x52: {  	_ =	shalt  }
0x53: {  	_ =	shalt  }
0x54: {  	_ =	shalt  }
0x55: {  	_ =	shalt  }
0x56: {  	_ =	shalt  }
0x57: {  	_ =	shalt  }
0x58: {  	_ =	shalt  }
0x59: {  	_ =	shalt  }
0x5a: {  	_ =	shalt  }
0x5b: {  	_ =	shalt  }
0x5c: {  	_ =	shalt  }
0x5d: {  	_ =	shalt  }
0x5e: {  	_ =	shalt  }
0x5f: {  	_ =	shalt  }
0x60: {  	_ =	shalt  }
0x61: {  	_ =	shalt  }
0x62: {  	_ =	shalt  }
0x63: {  	_ =	shalt  }
0x64: {  	_ =	shalt  }
0x65: {  	_ =	shalt  }
0x66: {  	_ =	shalt  }
0x67: {  	_ =	shalt  }
0x68: {  	_ =	shalt  }
0x69: {  	_ =	shalt  }
0x6a: {  	_ =	shalt  }
0x6b: {  	_ =	shalt  }
0x6c: {  	_ =	shalt  }
0x6d: {  	_ =	shalt  }
0x6e: {  	_ =	shalt  }
0x6f: {  	_ =	shalt  }
0x70: {  	_ =	shalt  }
0x71: {  	_ =	shalt  }
0x72: {  	_ =	shalt  }
0x73: {  	_ =	shalt  }
0x74: {  	_ =	shalt  }
0x75: {  	_ =	shalt  }
0x76: {  	_ =	shalt  }
0x77: {  	_ =	shalt  }
0x78: {  	_ =	shalt  }
0x79: {  	_ =	shalt  }
0x7a: {  	_ =	shalt  }
0x7b: {  	_ =	shalt  }
0x7c: {  	_ =	shalt  }
0x7d: {  	_ =	shalt  }
0x7e: {  	_ =	shalt  }
0x7f: {  	_ =	shalt  }
0x80: {  	_ =	shalt  }
0x81: {  	_ =	shalt  }
0x82: {  	_ =	shalt  }
0x83: {  	_ =	shalt  }
0x84: {  	_ =	shalt  }
0x85: {  	_ =	shalt  }
0x86: {  	_ =	shalt  }
0x87: {  	_ =	shalt  }
.Lfunc_end0:
.L_simem_size_0:
called_computation.1_lowered:
.L_overlay_start_0:
0x88: {  	s2 =	sld [smem:$0x3FD9]  }
0x89: {  	s3 =	sld [smem:$0x3FFE];
	_ =	sdelay $0x1  }
0x8a: {  	s1 =	srdreg.scid  }
0x8b: {  	s0 =	sand.u32 $0x1, s1  }
0x8c: {  	s17 =	sshll.u32 s0, $0xA;
	s2 =	sadd.s32 s3, s2  }
0x8d: {  	s2 =	sadd.s32 s2, s17  }
0x8e: {  	[smem:$0x3FC2] =	sst s2  }
0x8f: {  	_ = 	snop  }
0x90: {  	s2 =	sld [smem:$0x3FD0];
	(tm) =	ssettm $0x1  }
0x91: {  	s18 =	sld [smem:$0x3FFB];
	_ =	sdelay $0x3  }
0x92: {  	_ =	strace s18  }
0x93: {  	s3 =	sld [smem:$0x3FFC];
	_ =	sdelay $0x3  }
0x94: {  	_ =	strace s3  }
0x95: {  	s3 =	sld [smem:$0x3FFD];
	_ =	sdelay $0x3  }
0x96: {  	_ =	strace s3  }
0x97: {  	_ =	strace $0x8FFFFFFF  }
0x98: {  	s19 =	sld [smem:$0x3FDB];
	_ =	sdelay $0x1  }
0x99: {  	s4 =	simm.s32 $_scs_section_size  }
0x9a: {  	s5 =	simm.s32 $_size__tile_overlayer_lowered;
	s6 =	simm.s32 $_tile_overlayer_lowered  }
0x9b: {  	s22 =	simm.s32 $0x1BFF;
	s21 =	sshll.u32 s6, $0x1;
	s3 =	sadd.s32 s4, s19  }
0x9c: {  	s7 =	simm.s32 $0x0;
	s20 =	sshll.u32 s5, $0x1;
	s5 =	sadd.s32 s21, s3  }
0x9d: {  	[timem:s7], [sflag:s22] =	dma.local [hbm:s5], s20  }
0x9e: {  	_ =	swait.ge [sflag:s22], s20  }
0x9f: {  	s4 =	ssub.s32 $0x0, s20;
	[sflag:s22] =	ssyncset.done $0x0  }
0xa0: {  	[sflag:s22] =	ssyncadd.s32 s4;
	_ =	sdelay $0x1  }
0xa1: {  	s23 =	simm.s32 $0x1B8B  }
0xa2: {  	_ =	swait.ge [sflag:s23], $0x1  }
0xa3: {  	[sflag:s23] =	ssyncset.done $0x0  }
0xa4: {  	s25 =	simm.s32 $0x1B8E;
	s24 =	sld [smem:$0x3FFE];
	[sflag:s23] =	ssyncadd.s32 $0xFFFFFFFF  }
0xa5: {  	s26 =	simm.s32 $execute0_lowered;
	[smem:$0x3FD2] =	sst s25  }
0xa6: {  	s5 =	sshll.u32 s26, $0x1;
	_ =	strace $0x80000049;
	[dreg:$0x1] =	wrdreg $0xFFFFFFFF  }
0xa7: {  	s28 =	simm.s32 $_size_execute0_lowered;
	s3 =	sadd.s32 s3, s5;
	[dreg:$0x0] =	wrdreg $0x0  }
0xa8: {  	s5 =	sshll.u32 s28, $0x1;
	[dreg:$0x2] =	wrdreg s3  }
0xa9: {  	[dreg:$0x3] =	wrdreg s5  }
0xaa: {  	[dreg:$0x4] =	wrdreg $0xC0  }
0xab: {  	_ =	task [dreg:s7], $0x5FFFF  }
0xac: {  	[dreg:$0x1] =	wrdreg $0xFFFFFFFF  }
0xad: {  	[dreg:$0x0] =	wrdreg $0x60  }
0xae: {  	[dreg:$0x2] =	wrdreg s24  }
0xaf: {  	[dreg:$0x3] =	wrdreg s2  }
0xb0: {  	[dreg:$0x4] =	wrdreg $0xBC000  }
0xb1: {  	[dreg:$0x5] =	wrdreg $0x9  }
0xb2: {  	_ =	task.clear_ibuf [dreg:s7], $0x6FFFF;
	_ =	strace $0x90000049  }
0xb3: {  	s29 =	simm.s32 $0x9;
	_ =	strace $0x8000004B  }
0xb4: {  	_ =	swait.ge [sflag:s29], $0x1  }
0xb5: {  	[sflag:s29] =	ssyncadd.s32 $0xFFFFFFFF  }
0xb6: {  	_ =	strace $0x9000004B  }
0xb7: {  	_ =	sfence  }
0xb8: {  	s30 =	sld [smem:$0x0];
	_ =	sdelay $0x2  }
0xb9: {  	s31 =	sshll.u32 s1, $0xD;
	s1 =	sshrl.u32 s1, $0x2  }
0xba: {  	s3 =	sand.u32 $0x4000, s31;
	s1 =	sadd.s32 s1, s30  }
0xbb: {  	s0 =	sor.u32 s3, s0;
	s1 =	sshll.u32 s1, $0x11  }
0xbc: {  	s0 =	sor.u32 s1, s0  }
0xbd: {  	s0 =	sadd.s32 $0x8F2B, s0  }
0xbe: {  	[sflag:s0] =	ssyncadd.remote.s32 $0x1  }
0xbf: {  	_ =	sfence.sel $0xFFFF  }
0xc0: {  	[dreg:$0x0] =	wrdreg $0xFFFFFFFF;
	(pc) =	sbr.abs _section_cstart, $3  }
0xc1: {  	[dreg:$0x1] =	wrdreg $0xFFFFFFFF  }
0xc2: {  	_ =	task.clear_ibuf [dreg:s7], $0x2FFFF;
	_ =	strace $0x9FFFFFFF  }
0xc3: {  	(tm) =	ssettm $0x7FFFFFFF  }
tec
execute0_lowered:
.L_overlay_start_1:
0x0: {  	(tag) =	ssettag $0x1  }
0x1: {  	s0 =	srdreg.scid  }
0x2: {  	s10 =	stileid.u32;
	s1 =	rddreg [dreg:$0x0]  }
0x3: {  	s6 =	rddreg [dreg:$0x1];
	s3 =	simm.s32 $0x0;
	s28 =	simm.s32 $0x80  }
0x4: {  	s29 =	simm.s32 $0x7C00;
	s30 =	simm.s32 $0x2;
	s31 =	simm.s32 $0x1480  }
0x5: {  	s12 =	simm.s32 $0x6;
	s0 =	sand.u32 $0x1, s0;
	s9 =	smul.u32 $0x14000, s10  }
0x6: {  	s2 =	sshll.u32 s10, $0x1;
	[smem:$0x7FF] =	sst s3;
	s13 =	smul.u32 $0x50000, s10  }
0x7: {  	s4 =	sadd.s32 $0xC400, s1;
	s5 =	sor.u32 s0, s2;
	s8 =	smul.u32 $0x140000, s0  }
0x8: {  	s10 =	simm.s32 $0x4;
	s2 =	rddreg [dreg:$0x2];
	s7 =	smul.u32 $0x2800, s5  }
0x9: {  	_ =	strace $0x8000004A;
	s0 =	ssub.s32 $0x2, s0;
	s14 =	smul.u32 $0x5000, s5  }
0xa: {  	s15 =	sshrl.u32 s0, $0x1;
	s11 =	smul.u32 $0xA00, s5;
	s8 =	sadd.s32 s9, s8  }
0xb: {  	s9 =	sshrl.u32 s13, $0x2;
	s0 =	ssub.s32 s0, s15;
	s13 =	simm.s32 $0x140  }
0xc: {  	s15 =	simm.s32 $0x8;
	s7 =	sshrl.u32 s7, $0x3;
	s8 =	sshrl.u32 s8, $0x3  }
0xd: {  	s5 =	sadd.s32 s9, s2;
	s17 =	sadd.s32 s6, s11;
	s0 =	smax.u32 s0, $0x1  }
0xe: {  	s9 =	simm.s32 $0x100;
	s11 =	simm.s32 $0x1580;
	[dreg:$0x5] =	wrdreg s17  }
0xf: {  	s7 =	sadd.s32 s7, s1;
	[dreg:$0x9] =	wrdreg s0;
	s18 =	sadd.s32 $0x2000, s5  }
0x10: {  	s1 =	sadd.s32 s8, s1;
	s19 =	sadd.s32 $0x4000, s5;
	[dreg:$0xa] =	wrdreg s18  }
0x11: {  	s8 =	sshrl.u32 s14, $0x3;
	s20 =	sadd.s32 $0x6000, s5;
	[dreg:$0xb] =	wrdreg s19  }
0x12: {  	s21 =	sadd.s32 $0x8000, s5;
	s22 =	sadd.s32 $0xA000, s5;
	[dreg:$0xc] =	wrdreg s20  }
0x13: {  	s23 =	sadd.s32 $0xC000, s5;
	s24 =	sadd.s32 $0xE000, s5;
	[dreg:$0xd] =	wrdreg s21  }
0x14: {  	s25 =	sadd.s32 $0x10000, s5;
	s26 =	sadd.s32 $0x12000, s5;
	[dreg:$0xe] =	wrdreg s22  }
0x15: {  	s0 =	simm.s32 $0x9C00;
	s14 =	simm.s32 $0x7;
	[dreg:$0xf] =	wrdreg s23  }
0x16: {  	s16 =	sadd.s32 $0x2400, s7;
	s6 =	sadd.s32 s6, s8;
	[dreg:$0x10] =	wrdreg s24  }
0x17: {  	s7 =	sadd.s32 $0x2680, s7;
	s1 =	sadd.s32 $0x34400, s1;
	[dreg:$0x11] =	wrdreg s25  }
0x18: {  	[dreg:$0x12] =	wrdreg s26;
	s21 =	simm.s32 $0x3C00;
	s22 =	simm.s32 $0x9  }
.Ltmp0:
0x19: {  	s23 =	simm.s32 $0x1400;
	s24 =	simm.s32 $0x40;
	(pc) =	sbr.rel .LBB2_1-.Ltmp0, $4  }
0x1a: {  	s25 =	simm.s32 $0x5C00;
	s26 =	simm.s32 $0x1;
	[dreg:$0x4] =	wrdreg s16  }
0x1b: {  	s8 =	simm.s32 $0x5;
	[dreg:$0x6] =	wrdreg s7;
	s6 =	sadd.s32 $0x500, s6  }
0x1c: {  	[dreg:$0x8] =	wrdreg s1;
	s1 =	simm.s32 $0xC0;
	s7 =	simm.s32 $0x1500  }
0x1d: {  	v0 =	vimm.f32 $0.0e+00;
	s16 =	simm.s32 $0x3B80;
	[dreg:$0x7] =	wrdreg s6;
	s6 =	simm.s32 $0x3  }
.LBB2_9:
0x1e: {  	_ =	swait.ge [sflag:s10], $0x2000  }
0x1f: {  	[sflag:s10] =	ssyncset.done $0x0  }
0x20: {  	[sflag:s10] =	ssyncadd.s32 $0xFFFFE000  }
0x21: {  	[spmem:s2] =	stream.indirect.scatter.add.f32 [tilespmem:s0], [sflag:$0x8], $0x80, s16, s24, $0xb8;
	[tilespmem:$0x1FC00] =	vst v63  }
0x22: {  	_ =	swait.ge [sflag:s12], $0x2000  }
0x23: {  	[sflag:s12] =	ssyncset.done $0x0  }
0x24: {  	[sflag:s12] =	ssyncadd.s32 $0xFFFFE000  }
0x25: {  	_ =	swait.ge [sflag:s14], $0x2000  }
0x26: {  	[sflag:s14] =	ssyncset.done $0x0  }
0x27: {  	[sflag:s14] =	ssyncadd.s32 $0xFFFFE000  }
0x28: {  	_ =	swait.ge [sflag:s15], $0x2000  }
0x29: {  	[sflag:s15] =	ssyncset.done $0x0  }
0x2a: {  	s17 =	stileid.u32;
	[sflag:s15] =	ssyncadd.s32 $0xFFFFE000  }
0x2b: {  	s17 =	sshll.u32 s17, $0x6;
	[bflag:$0x0] =	sbarrier.arrive $0xFFFF  }
0x2c: {  	s18 =	sshrl.u32 s5, $0x3;
	s17 =	sor.u32 $0x1C09, s17;
	s19 =	rddreg [dreg:$0x8]  }
0x2d: {  	[hbm:s19], [sflag:s17] =	dma.local [spmem:s18], $0x2800  }
0x2e: {  	_ =	swait.ge [sflag:s22], $0x2800  }
0x2f: {  	s3 =	sadd.s32 $0x1, s3;
	s20 =	rddreg [dreg:$0x9]  }
0x30: {  	p0 =	sne.s32 s3, s20  }
.Ltmp1:
0x31: {  	_ = 	snop;
	(pc) =	sbr.rel @!p0 .LBB2_10-.Ltmp1, $3  }
0x32: {  	_ =	sdelay $0x1  }
0x33: {  	[sflag:s22] =	ssyncset.done $0x0  }
0x34: {  	[sflag:s22] =	ssyncadd.s32 $0xFFFFD800  }
.LBB2_1:
0x35: {  	s17 =	simm.s32 $0x0;
	s18 =	simm.s32 $0x200  }
.LBB2_2:
0x36: {  	p0 =	sne.s32 s18, $0x7E00;
	[tilespmem:s17+$0x3C70] =	vst v0  }
0x37: {  	[tilespmem:s17+$0x3C00] =	vst v0  }
0x38: {  	[tilespmem:s17+$0x3C10] =	vst v0  }
.Ltmp2:
0x39: {  	[tilespmem:s17+$0x3C20] =	vst v0;
	(pc) =	sbr.rel @p0 .LBB2_2-.Ltmp2, $4  }
0x3a: {  	[tilespmem:s17+$0x3C30] =	vst v0  }
0x3b: {  	[tilespmem:s17+$0x3C40] =	vst v0  }
0x3c: {  	[tilespmem:s17+$0x3C50] =	vst v0  }
0x3d: {  	[tilespmem:s17+$0x3C60] =	vst v0;
	s17 =	sshra.s32 s18, $0x2;
	s18 =	sadd.s32 $0x200, s18  }
0x3e: {  	[tilespmem:s17+$0x3C70] =	vst v0  }
0x3f: {  	[tilespmem:s17+$0x3C00] =	vst v0  }
0x40: {  	[tilespmem:s17+$0x3C10] =	vst v0  }
0x41: {  	[tilespmem:s17+$0x3C20] =	vst v0  }
0x42: {  	[tilespmem:s17+$0x3C30] =	vst v0  }
0x43: {  	[tilespmem:s17+$0x3C40] =	vst v0  }
0x44: {  	[tilespmem:s17+$0x3C50] =	vst v0  }
0x45: {  	[tilespmem:s17+$0x3C60] =	vst v0  }
0x46: {  	[spmem:s5] =	stream.linear.scatter [tilespmem:s21], [sflag:$0x9], $0x2000, $0x38;
	[tilespmem:$0x1FC00] =	vst v63  }
0x47: {  	_ =	swait.ge [sflag:s22], $0x2000  }
0x48: {  	[sflag:s22] =	ssyncset.done $0x0  }
0x49: {  	s20 =	rddreg [dreg:$0xa];
	[sflag:s22] =	ssyncadd.s32 $0xFFFFE000  }
0x4a: {  	[spmem:s20] =	stream.linear.scatter [tilespmem:s21], [sflag:$0x9], $0x2000, $0x38;
	[tilespmem:$0x1FC00] =	vst v63  }
0x4b: {  	_ =	swait.ge [sflag:s22], $0x2000  }
0x4c: {  	[sflag:s22] =	ssyncset.done $0x0  }
0x4d: {  	s18 =	rddreg [dreg:$0xb];
	[sflag:s22] =	ssyncadd.s32 $0xFFFFE000  }
0x4e: {  	[spmem:s18] =	stream.linear.scatter [tilespmem:s21], [sflag:$0x9], $0x2000, $0x38;
	[tilespmem:$0x1FC00] =	vst v63  }
0x4f: {  	_ =	swait.ge [sflag:s22], $0x2000  }
0x50: {  	[sflag:s22] =	ssyncset.done $0x0  }
0x51: {  	s19 =	rddreg [dreg:$0xc];
	[sflag:s22] =	ssyncadd.s32 $0xFFFFE000  }
0x52: {  	[spmem:s19] =	stream.linear.scatter [tilespmem:s21], [sflag:$0x9], $0x2000, $0x38;
	[tilespmem:$0x1FC00] =	vst v63  }
0x53: {  	_ =	swait.ge [sflag:s22], $0x2000  }
0x54: {  	[sflag:s22] =	ssyncset.done $0x0  }
0x55: {  	s20 =	rddreg [dreg:$0xd];
	[sflag:s22] =	ssyncadd.s32 $0xFFFFE000  }
0x56: {  	[spmem:s20] =	stream.linear.scatter [tilespmem:s21], [sflag:$0x9], $0x2000, $0x38;
	[tilespmem:$0x1FC00] =	vst v63  }
0x57: {  	_ =	swait.ge [sflag:s22], $0x2000  }
0x58: {  	[sflag:s22] =	ssyncset.done $0x0  }
0x59: {  	s18 =	rddreg [dreg:$0xe];
	[sflag:s22] =	ssyncadd.s32 $0xFFFFE000  }
0x5a: {  	[spmem:s18] =	stream.linear.scatter [tilespmem:s21], [sflag:$0x9], $0x2000, $0x38;
	[tilespmem:$0x1FC00] =	vst v63  }
0x5b: {  	_ =	swait.ge [sflag:s22], $0x2000  }
0x5c: {  	[sflag:s22] =	ssyncset.done $0x0  }
0x5d: {  	s19 =	rddreg [dreg:$0xf];
	[sflag:s22] =	ssyncadd.s32 $0xFFFFE000  }
0x5e: {  	[spmem:s19] =	stream.linear.scatter [tilespmem:s21], [sflag:$0x9], $0x2000, $0x38;
	[tilespmem:$0x1FC00] =	vst v63  }
0x5f: {  	_ =	swait.ge [sflag:s22], $0x2000  }
0x60: {  	[sflag:s22] =	ssyncset.done $0x0  }
0x61: {  	s20 =	rddreg [dreg:$0x10];
	[sflag:s22] =	ssyncadd.s32 $0xFFFFE000  }
0x62: {  	[spmem:s20] =	stream.linear.scatter [tilespmem:s21], [sflag:$0x9], $0x2000, $0x38;
	[tilespmem:$0x1FC00] =	vst v63  }
0x63: {  	_ =	swait.ge [sflag:s22], $0x2000  }
0x64: {  	[sflag:s22] =	ssyncset.done $0x0  }
0x65: {  	s18 =	rddreg [dreg:$0x11];
	[sflag:s22] =	ssyncadd.s32 $0xFFFFE000  }
0x66: {  	[spmem:s18] =	stream.linear.scatter [tilespmem:s21], [sflag:$0x9], $0x2000, $0x38;
	[tilespmem:$0x1FC00] =	vst v63  }
0x67: {  	_ =	swait.ge [sflag:s22], $0x2000  }
0x68: {  	[sflag:s22] =	ssyncset.done $0x0  }
0x69: {  	s19 =	rddreg [dreg:$0x12];
	[sflag:s22] =	ssyncadd.s32 $0xFFFFE000  }
0x6a: {  	[spmem:s19] =	stream.linear.scatter [tilespmem:s21], [sflag:$0x9], $0x2000, $0x38;
	[tilespmem:$0x1FC00] =	vst v63  }
0x6b: {  	_ =	swait.ge [sflag:s22], $0x2000  }
0x6c: {  	[sflag:s22] =	ssyncset.done $0x0  }
0x6d: {  	[sflag:s22] =	ssyncadd.s32 $0xFFFFE000  }
0x6e: {  	[bflag:$0x0] =	sbarrier.arrive $0xFFFF  }
0x6f: {  	s17 =	simm.s32 $0x0;
	s18 =	rddreg [dreg:$0x4]  }
0x70: {  	[tilespmem:s17], [sflag:$0x9] =	stream.linear.gather [hbm4b:s18+s17], $0x1400, $0x38;
	[tilespmem:$0x1FC00] =	vst v63  }
0x71: {  	_ =	swait.ge [sflag:s22], $0x1400  }
0x72: {  	[sflag:s22] =	ssyncset.done $0x0  }
0x73: {  	s20 =	rddreg [dreg:$0x5];
	[sflag:s22] =	ssyncadd.s32 $0xFFFFEC00  }
0x74: {  	[tilespmem:s23], [sflag:$0x9] =	stream.linear.gather [hbm4b:s20+s17], $0x2800, $0x38;
	[tilespmem:$0x1FC00] =	vst v63  }
0x75: {  	_ =	swait.ge [sflag:s22], $0x2800  }
0x76: {  	[sflag:s22] =	ssyncset.done $0x0  }
0x77: {  	[sflag:s22] =	ssyncadd.s32 $0xFFFFD800  }
0x78: {  	[tilespmem:s21], [sflag:$0x1] =	stream.indirect.gather [hbm4b:s4+s24], $0x80, s17, s24, $0xb8;
	[tilespmem:$0x1FC00] =	vst v63  }
0x79: {  	_ = 	snop  }
0x7a: {  	[tilespmem:s25], [sflag:$0x2] =	stream.indirect.gather [hbm4b:s4+s24], $0x80, s24, s24, $0xb8;
	[tilespmem:$0x1FC00] =	vst v63  }
0x7b: {  	_ =	swait.ge [sflag:s26], $0x2000  }
0x7c: {  	[sflag:s26] =	ssyncset.done $0x0  }
0x7d: {  	[sflag:s26] =	ssyncadd.s32 $0xFFFFE000  }
0x7e: {  	[spmem:s2] =	stream.indirect.scatter.add.f32 [tilespmem:s21], [sflag:$0x5], $0x80, s23, s24, $0xb8;
	[tilespmem:$0x1FC00] =	vst v63  }
0x7f: {  	_ = 	snop  }
0x80: {  	[tilespmem:s29], [sflag:$0x3] =	stream.indirect.gather [hbm4b:s4+s24], $0x80, s28, s24, $0xb8;
	[tilespmem:$0x1FC00] =	vst v63  }
0x81: {  	_ =	swait.ge [sflag:s30], $0x2000  }
0x82: {  	[sflag:s30] =	ssyncset.done $0x0  }
0x83: {  	[sflag:s30] =	ssyncadd.s32 $0xFFFFE000  }
0x84: {  	[spmem:s2] =	stream.indirect.scatter.add.f32 [tilespmem:s25], [sflag:$0x6], $0x80, s31, s24, $0xb8;
	[tilespmem:$0x1FC00] =	vst v63  }
0x85: {  	_ = 	snop  }
0x86: {  	[tilespmem:s0], [sflag:$0x4] =	stream.indirect.gather [hbm4b:s4+s24], $0x80, s1, s24, $0xb8;
	[tilespmem:$0x1FC00] =	vst v63  }
0x87: {  	_ =	swait.ge [sflag:s6], $0x2000  }
0x88: {  	[sflag:s6] =	ssyncset.done $0x0  }
0x89: {  	[sflag:s6] =	ssyncadd.s32 $0xFFFFE000  }
0x8a: {  	[spmem:s2] =	stream.indirect.scatter.add.f32 [tilespmem:s29], [sflag:$0x7], $0x80, s7, s24, $0xb8;
	[tilespmem:$0x1FC00] =	vst v63  }
0x8b: {  	_ =	swait.ge [sflag:s8], $0x2000  }
0x8c: {  	[sflag:s8] =	ssyncset.done $0x0  }
0x8d: {  	[sflag:s8] =	ssyncadd.s32 $0xFFFFE000  }
0x8e: {  	[tilespmem:s21], [sflag:$0x1] =	stream.indirect.gather [hbm4b:s4+s24], $0x80, s9, s24, $0xb8;
	[tilespmem:$0x1FC00] =	vst v63  }
0x8f: {  	_ =	swait.ge [sflag:s10], $0x2000  }
0x90: {  	[sflag:s10] =	ssyncset.done $0x0  }
0x91: {  	[sflag:s10] =	ssyncadd.s32 $0xFFFFE000  }
0x92: {  	[spmem:s2] =	stream.indirect.scatter.add.f32 [tilespmem:s0], [sflag:$0x8], $0x80, s11, s24, $0xb8;
	[tilespmem:$0x1FC00] =	vst v63  }
0x93: {  	_ =	swait.ge [sflag:s12], $0x2000  }
0x94: {  	[sflag:s12] =	ssyncset.done $0x0  }
0x95: {  	s18 =	simm.s32 $0x1780;
	[sflag:s12] =	ssyncadd.s32 $0xFFFFE000  }
0x96: {  	[tilespmem:s25], [sflag:$0x2] =	stream.indirect.gather [hbm4b:s4+s24], $0x80, s13, s24, $0xb8;
	[tilespmem:$0x1FC00] =	vst v63  }
.LBB2_4:
0x97: {  	_ =	swait.ge [sflag:s26], $0x2000  }
0x98: {  	[sflag:s26] =	ssyncset.done $0x0  }
0x99: {  	s19 =	sadd.s32 $0xFFFFFE80, s18;
	[sflag:s26] =	ssyncadd.s32 $0xFFFFE000  }
0x9a: {  	[spmem:s2] =	stream.indirect.scatter.add.f32 [tilespmem:s21], [sflag:$0x5], $0x80, s19, s24, $0xb8;
	[tilespmem:$0x1FC00] =	vst v63  }
0x9b: {  	_ =	swait.ge [sflag:s14], $0x2000  }
0x9c: {  	s19 =	sshra.s32 s17, $0x2;
	[sflag:s14] =	ssyncset.done $0x0  }
0x9d: {  	s20 =	sadd.s32 $0x180, s19;
	[sflag:s14] =	ssyncadd.s32 $0xFFFFE000  }
0x9e: {  	[tilespmem:s29], [sflag:$0x3] =	stream.indirect.gather [hbm4b:s4+s24], $0x80, s20, s24, $0xb8;
	[tilespmem:$0x1FC00] =	vst v63  }
0x9f: {  	_ =	swait.ge [sflag:s30], $0x2000  }
0xa0: {  	[sflag:s30] =	ssyncset.done $0x0  }
0xa1: {  	s20 =	sadd.s32 $0xFFFFFF00, s18;
	[sflag:s30] =	ssyncadd.s32 $0xFFFFE000  }
0xa2: {  	[spmem:s2] =	stream.indirect.scatter.add.f32 [tilespmem:s25], [sflag:$0x6], $0x80, s20, s24, $0xb8;
	[tilespmem:$0x1FC00] =	vst v63  }
0xa3: {  	_ =	swait.ge [sflag:s15], $0x2000  }
0xa4: {  	[sflag:s15] =	ssyncset.done $0x0  }
0xa5: {  	s20 =	sadd.s32 $0x1C0, s19;
	[sflag:s15] =	ssyncadd.s32 $0xFFFFE000  }
0xa6: {  	[tilespmem:s0], [sflag:$0x4] =	stream.indirect.gather [hbm4b:s4+s24], $0x80, s20, s24, $0xb8;
	[tilespmem:$0x1FC00] =	vst v63  }
0xa7: {  	_ =	swait.ge [sflag:s6], $0x2000  }
0xa8: {  	p0 =	seq.s32 s17, $0x4800;
	[sflag:s6] =	ssyncset.done $0x0  }
.Ltmp3:
0xa9: {  	s20 =	sadd.s32 $0xFFFFFF80, s18;
	[sflag:s6] =	ssyncadd.s32 $0xFFFFE000;
	(pc) =	sbr.rel @p0 .LBB2_6-.Ltmp3, $4  }
0xaa: {  	[spmem:s2] =	stream.indirect.scatter.add.f32 [tilespmem:s29], [sflag:$0x7], $0x80, s20, s24, $0xb8;
	[tilespmem:$0x1FC00] =	vst v63  }
0xab: {  	_ =	swait.ge [sflag:s8], $0x2000  }
0xac: {  	[sflag:s8] =	ssyncset.done $0x0  }
0xad: {  	[sflag:s8] =	ssyncadd.s32 $0xFFFFE000  }
0xae: {  	s20 =	sadd.s32 $0x200, s19  }
0xaf: {  	[tilespmem:s21], [sflag:$0x1] =	stream.indirect.gather [hbm4b:s4+s24], $0x80, s20, s24, $0xb8;
	[tilespmem:$0x1FC00] =	vst v63  }
0xb0: {  	_ =	swait.ge [sflag:s10], $0x2000  }
0xb1: {  	[sflag:s10] =	ssyncset.done $0x0  }
0xb2: {  	[sflag:s10] =	ssyncadd.s32 $0xFFFFE000  }
0xb3: {  	[spmem:s2] =	stream.indirect.scatter.add.f32 [tilespmem:s0], [sflag:$0x8], $0x80, s18, s24, $0xb8;
	[tilespmem:$0x1FC00] =	vst v63  }
.Ltmp4:
0xb4: {  	_ = 	snop;
	(pc) =	sbr.rel .LBB2_4-.Ltmp4, $4  }
0xb5: {  	_ =	swait.ge [sflag:s12], $0x2000  }
0xb6: {  	s17 =	sadd.s32 $0x400, s17;
	[sflag:s12] =	ssyncset.done $0x0  }
0xb7: {  	s20 =	sadd.s32 $0x240, s19;
	s18 =	sadd.s32 $0x200, s18;
	[sflag:s12] =	ssyncadd.s32 $0xFFFFE000  }
0xb8: {  	[tilespmem:s25], [sflag:$0x2] =	stream.indirect.gather [hbm4b:s4+s24], $0x80, s20, s24, $0xb8;
	[tilespmem:$0x1FC00] =	vst v63  }
.LBB2_6:
0xb9: {  	_ =	swait.ge [sflag:s10], $0x2000  }
0xba: {  	[sflag:s10] =	ssyncset.done $0x0  }
0xbb: {  	[sflag:s10] =	ssyncadd.s32 $0xFFFFE000  }
0xbc: {  	[spmem:s2] =	stream.indirect.scatter.add.f32 [tilespmem:s0], [sflag:$0x8], $0x80, s16, s24, $0xb8;
	[tilespmem:$0x1FC00] =	vst v63  }
0xbd: {  	_ =	swait.ge [sflag:s12], $0x2000  }
0xbe: {  	[sflag:s12] =	ssyncset.done $0x0  }
0xbf: {  	[sflag:s12] =	ssyncadd.s32 $0xFFFFE000  }
0xc0: {  	_ =	swait.ge [sflag:s14], $0x2000  }
0xc1: {  	[sflag:s14] =	ssyncset.done $0x0  }
0xc2: {  	[sflag:s14] =	ssyncadd.s32 $0xFFFFE000  }
0xc3: {  	_ =	swait.ge [sflag:s15], $0x2000  }
0xc4: {  	[sflag:s15] =	ssyncset.done $0x0  }
0xc5: {  	s17 =	simm.s32 $0x0;
	s18 =	rddreg [dreg:$0x6];
	[sflag:s15] =	ssyncadd.s32 $0xFFFFE000  }
0xc6: {  	[tilespmem:s17], [sflag:$0x9] =	stream.linear.gather [hbm4b:s18+s17], $0x1400, $0x38;
	[tilespmem:$0x1FC00] =	vst v63  }
0xc7: {  	_ =	swait.ge [sflag:s22], $0x1400  }
0xc8: {  	[sflag:s22] =	ssyncset.done $0x0  }
0xc9: {  	s20 =	rddreg [dreg:$0x7];
	[sflag:s22] =	ssyncadd.s32 $0xFFFFEC00  }
0xca: {  	[tilespmem:s23], [sflag:$0x9] =	stream.linear.gather [hbm4b:s20+s17], $0x2800, $0x38;
	[tilespmem:$0x1FC00] =	vst v63  }
0xcb: {  	_ =	swait.ge [sflag:s22], $0x2800  }
0xcc: {  	[sflag:s22] =	ssyncset.done $0x0  }
0xcd: {  	[sflag:s22] =	ssyncadd.s32 $0xFFFFD800  }
0xce: {  	[tilespmem:s21], [sflag:$0x1] =	stream.indirect.gather [hbm4b:s4+s24], $0x80, s17, s24, $0xb8;
	[tilespmem:$0x1FC00] =	vst v63  }
0xcf: {  	_ = 	snop  }
0xd0: {  	[tilespmem:s25], [sflag:$0x2] =	stream.indirect.gather [hbm4b:s4+s24], $0x80, s24, s24, $0xb8;
	[tilespmem:$0x1FC00] =	vst v63  }
0xd1: {  	_ =	swait.ge [sflag:s26], $0x2000  }
0xd2: {  	[sflag:s26] =	ssyncset.done $0x0  }
0xd3: {  	[sflag:s26] =	ssyncadd.s32 $0xFFFFE000  }
0xd4: {  	[spmem:s2] =	stream.indirect.scatter.add.f32 [tilespmem:s21], [sflag:$0x5], $0x80, s23, s24, $0xb8;
	[tilespmem:$0x1FC00] =	vst v63  }
0xd5: {  	_ = 	snop  }
0xd6: {  	[tilespmem:s29], [sflag:$0x3] =	stream.indirect.gather [hbm4b:s4+s24], $0x80, s28, s24, $0xb8;
	[tilespmem:$0x1FC00] =	vst v63  }
0xd7: {  	_ =	swait.ge [sflag:s30], $0x2000  }
0xd8: {  	[sflag:s30] =	ssyncset.done $0x0  }
0xd9: {  	[sflag:s30] =	ssyncadd.s32 $0xFFFFE000  }
0xda: {  	[spmem:s2] =	stream.indirect.scatter.add.f32 [tilespmem:s25], [sflag:$0x6], $0x80, s31, s24, $0xb8;
	[tilespmem:$0x1FC00] =	vst v63  }
0xdb: {  	_ = 	snop  }
0xdc: {  	[tilespmem:s0], [sflag:$0x4] =	stream.indirect.gather [hbm4b:s4+s24], $0x80, s1, s24, $0xb8;
	[tilespmem:$0x1FC00] =	vst v63  }
0xdd: {  	_ =	swait.ge [sflag:s6], $0x2000  }
0xde: {  	[sflag:s6] =	ssyncset.done $0x0  }
0xdf: {  	[sflag:s6] =	ssyncadd.s32 $0xFFFFE000  }
0xe0: {  	[spmem:s2] =	stream.indirect.scatter.add.f32 [tilespmem:s29], [sflag:$0x7], $0x80, s7, s24, $0xb8;
	[tilespmem:$0x1FC00] =	vst v63  }
0xe1: {  	_ =	swait.ge [sflag:s8], $0x2000  }
0xe2: {  	[sflag:s8] =	ssyncset.done $0x0  }
0xe3: {  	[sflag:s8] =	ssyncadd.s32 $0xFFFFE000  }
0xe4: {  	[tilespmem:s21], [sflag:$0x1] =	stream.indirect.gather [hbm4b:s4+s24], $0x80, s9, s24, $0xb8;
	[tilespmem:$0x1FC00] =	vst v63  }
0xe5: {  	_ =	swait.ge [sflag:s10], $0x2000  }
0xe6: {  	[sflag:s10] =	ssyncset.done $0x0  }
0xe7: {  	[sflag:s10] =	ssyncadd.s32 $0xFFFFE000  }
0xe8: {  	[spmem:s2] =	stream.indirect.scatter.add.f32 [tilespmem:s0], [sflag:$0x8], $0x80, s11, s24, $0xb8;
	[tilespmem:$0x1FC00] =	vst v63  }
0xe9: {  	_ =	swait.ge [sflag:s12], $0x2000  }
0xea: {  	[sflag:s12] =	ssyncset.done $0x0  }
0xeb: {  	s18 =	simm.s32 $0x1780;
	[sflag:s12] =	ssyncadd.s32 $0xFFFFE000  }
0xec: {  	[tilespmem:s25], [sflag:$0x2] =	stream.indirect.gather [hbm4b:s4+s24], $0x80, s13, s24, $0xb8;
	[tilespmem:$0x1FC00] =	vst v63  }
.LBB2_7:
0xed: {  	_ =	swait.ge [sflag:s26], $0x2000  }
0xee: {  	[sflag:s26] =	ssyncset.done $0x0  }
0xef: {  	s19 =	sadd.s32 $0xFFFFFE80, s18;
	[sflag:s26] =	ssyncadd.s32 $0xFFFFE000  }
0xf0: {  	[spmem:s2] =	stream.indirect.scatter.add.f32 [tilespmem:s21], [sflag:$0x5], $0x80, s19, s24, $0xb8;
	[tilespmem:$0x1FC00] =	vst v63  }
0xf1: {  	_ =	swait.ge [sflag:s14], $0x2000  }
0xf2: {  	s19 =	sshra.s32 s17, $0x2;
	[sflag:s14] =	ssyncset.done $0x0  }
0xf3: {  	s20 =	sadd.s32 $0x180, s19;
	[sflag:s14] =	ssyncadd.s32 $0xFFFFE000  }
0xf4: {  	[tilespmem:s29], [sflag:$0x3] =	stream.indirect.gather [hbm4b:s4+s24], $0x80, s20, s24, $0xb8;
	[tilespmem:$0x1FC00] =	vst v63  }
0xf5: {  	_ =	swait.ge [sflag:s30], $0x2000  }
0xf6: {  	[sflag:s30] =	ssyncset.done $0x0  }
0xf7: {  	s20 =	sadd.s32 $0xFFFFFF00, s18;
	[sflag:s30] =	ssyncadd.s32 $0xFFFFE000  }
0xf8: {  	[spmem:s2] =	stream.indirect.scatter.add.f32 [tilespmem:s25], [sflag:$0x6], $0x80, s20, s24, $0xb8;
	[tilespmem:$0x1FC00] =	vst v63  }
0xf9: {  	_ =	swait.ge [sflag:s15], $0x2000  }
0xfa: {  	[sflag:s15] =	ssyncset.done $0x0  }
0xfb: {  	s20 =	sadd.s32 $0x1C0, s19;
	[sflag:s15] =	ssyncadd.s32 $0xFFFFE000  }
0xfc: {  	[tilespmem:s0], [sflag:$0x4] =	stream.indirect.gather [hbm4b:s4+s24], $0x80, s20, s24, $0xb8;
	[tilespmem:$0x1FC00] =	vst v63  }
0xfd: {  	_ =	swait.ge [sflag:s6], $0x2000  }
0xfe: {  	p0 =	seq.s32 s17, $0x4800;
	[sflag:s6] =	ssyncset.done $0x0  }
.Ltmp5:
0xff: {  	s20 =	sadd.s32 $0xFFFFFF80, s18;
	[sflag:s6] =	ssyncadd.s32 $0xFFFFE000;
	(pc) =	sbr.rel @p0 .LBB2_9-.Ltmp5, $4  }
0x100: {  	[spmem:s2] =	stream.indirect.scatter.add.f32 [tilespmem:s29], [sflag:$0x7], $0x80, s20, s24, $0xb8;
	[tilespmem:$0x1FC00] =	vst v63  }
0x101: {  	_ =	swait.ge [sflag:s8], $0x2000  }
0x102: {  	[sflag:s8] =	ssyncset.done $0x0  }
0x103: {  	[sflag:s8] =	ssyncadd.s32 $0xFFFFE000  }
0x104: {  	s20 =	sadd.s32 $0x200, s19  }
0x105: {  	[tilespmem:s21], [sflag:$0x1] =	stream.indirect.gather [hbm4b:s4+s24], $0x80, s20, s24, $0xb8;
	[tilespmem:$0x1FC00] =	vst v63  }
0x106: {  	_ =	swait.ge [sflag:s10], $0x2000  }
0x107: {  	[sflag:s10] =	ssyncset.done $0x0  }
0x108: {  	[sflag:s10] =	ssyncadd.s32 $0xFFFFE000  }
0x109: {  	[spmem:s2] =	stream.indirect.scatter.add.f32 [tilespmem:s0], [sflag:$0x8], $0x80, s18, s24, $0xb8;
	[tilespmem:$0x1FC00] =	vst v63  }
.Ltmp6:
0x10a: {  	_ = 	snop;
	(pc) =	sbr.rel .LBB2_7-.Ltmp6, $4  }
0x10b: {  	_ =	swait.ge [sflag:s12], $0x2000  }
0x10c: {  	s17 =	sadd.s32 $0x400, s17;
	[sflag:s12] =	ssyncset.done $0x0  }
0x10d: {  	s20 =	sadd.s32 $0x240, s19;
	s18 =	sadd.s32 $0x200, s18;
	[sflag:s12] =	ssyncadd.s32 $0xFFFFE000  }
0x10e: {  	[tilespmem:s25], [sflag:$0x2] =	stream.indirect.gather [hbm4b:s4+s24], $0x80, s20, s24, $0xb8;
	[tilespmem:$0x1FC00] =	vst v63  }
.LBB2_10:
0x10f: {  	_ =	sfence.sel $0x180000  }
0x110: {  	[bflag:$0x0] =	sbarrier.arrive $0xFFFF  }
0x111: {  	_ =	strace $0x9000004A  }
0x112: {  	s0 =	stileid.u32;
	[bflag:$0x2] =	sbarrier.arrive $0xFFFF  }
0x113: {  	p0 =	sne.s32 s0, $0x0;
	s0 =	rddreg [dreg:$0x3]  }
0x114: {  	s0 =	sadd.s32 @!p0 $0x100000, s0  }
0x115: {  	[sflag:s0] =	ssyncadd.tile.s32 @!p0 $0x1;
	_ =	shalt  }
.Lfunc_end2:
_tile_overlayer_lowered:
.L_overlay_start_2:
0x116: {  	(tag) =	ssettag $0x2  }
0x117: {  	s0 =	rddreg [dreg:$0x0];
	s2 =	stileid.u32  }
0x118: {  	s1 =	rddreg [dreg:$0x1];
	p0 =	sne.s32 s2, $0x0  }
0x119: {  	s3 =	rddreg [dreg:$0x2];
	[bflag:$0x3] =	sbarrier.arrive $0xFFFF;
	s2 =	simm.s32 @!p0 $0x1C09  }
0x11a: {  	[timem:s3], [sflag:s2] =	dma.local @!p0 [hbm:s0], s1  }
0x11b: {  	s0 =	simm.s32 @!p0 $0x9  }
0x11c: {  	_ =	swait.ge @!p0 [sflag:s0], s1  }
0x11d: {  	s1 =	ssub.s32 @!p0 $0x0, s1;
	[sflag:s0] =	ssyncset.done @!p0 $0x0  }
0x11e: {  	[sflag:s0] =	ssyncadd.s32 @!p0 s1  }
0x11f: {  	[bflag:$0x3] =	sbarrier.arrive $0xFFFF  }
0x120: {  	_ =	shalt  }

// kernel: kernel.14.cloned.1.call-start
scs
__scs_entry_jumppad:
0x0: {  	(pc) =	sbr.rel $0x88, $3  }
0x1: {  	(tag) =	ssettag $0x0;
	lr =	simm.s32 $0x1  }
0x2: {  	[smem:$0x3F9B] =	sst lr;
	_ =	strace $0xD0000000  }
0x3: {  	_ = 	snop  }
0x4: {  	_ = 	snop  }
0x5: {  	_ = 	snop  }
0x6: {  	_ = 	snop  }
0x7: {  	_ = 	snop  }
__scs_overlays_trampoline_lowered:
0x8: {  	[smem:$0x3FAA] =	sst s0  }
0x9: {  	[smem:$0x3FAB] =	sst s1  }
0xa: {  	[smem:$0x3FAC] =	sst s2  }
0xb: {  	[smem:$0x3FAD] =	sst s3  }
0xc: {  	[smem:$0x3FAE] =	sst s4  }
0xd: {  	[smem:$0x3FAF] =	sst s5  }
0xe: {  	[smem:$0x3FB0] =	sst s6  }
0xf: {  	[smem:$0x3FB1] =	sst s7  }
0x10: {  	[smem:$0x3FB2] =	sst s8  }
0x11: {  	[smem:$0x3FB3] =	sst s9;
	s0 =	simm.s32 @!p0 $0x0  }
0x12: {  	s1 =	sld [smem:$0x3F99];
	s0 =	simm.s32 @p0 $0x1  }
0x13: {  	[smem:$0x3FB4] =	sst s0;
	s0 =	simm.s32 @!p1 $0x0  }
0x14: {  	s2 =	sld [smem:$0x3F98];
	s0 =	simm.s32 @p1 $0x1  }
0x15: {  	[smem:$0x3FB5] =	sst s0;
	s0 =	simm.s32 @!p2 $0x0  }
0x16: {  	s3 =	sld [smem:$0x3FDB];
	s0 =	simm.s32 @p2 $0x1  }
0x17: {  	s4 =	simm.s32 $0x1BF5;
	[smem:$0x3FB7] =	sst s0  }
0x18: {  	s0 =	sld [smem:$0x3F9A];
	_ =	swait.ge [sflag:s4], $0x0  }
0x19: {  	s7 =	sld [smem:$0x3F9B]  }
0x1a: {  	s8 =	sadd.s32 $0xFFFFE003, lr  }
0x1b: {  	s9 =	sadd.s32 $0xFFFFFEF7, lr;
	s5 =	simm.s32 $0xFFFFFFFF;
	p2 =	slt.u32 s8, $0xFFFFF086  }
0x1c: {  	p1 =	slt.u32 s9, $0xF7A;
	s5 =	simm.s32 @!p2 $0x0  }
0x1d: {  	s5 =	simm.s32 @p1 $0x1;
	p0 =	seq.s32 s7, s2  }
0x1e: {  	s7 =	smul.u32 @!p0 $0xF7A, s2;
	p2 =	seq.s32 @!p0 s5, $0x0  }
0x1f: {  	s9 =	smul.u32 $0xF7A, s1;
	s8 =	simm.s32 @!p0 $0x1BF5;
	p2 =	por !p2, p0  }
0x20: {  	[sflag:s8] =	ssyncset.s32 @!p0 $0xFFFFF086;
	s6 =	sadd.s32 @!p0 s3, s7;
	s7 =	simm.s32 @!p0 $0x108  }
0x21: {  	s3 =	sadd.s32 s3, s9;
	s6 =	sadd.s32 @!p0 $0x88, s6;
	s7 =	simm.s32 @p2 $0x1082  }
0x22: {  	[simem:s7], [sflag:s8] =	dma.local @!p0 [hbm:s6], $0xF7A  }
0x23: {  	s9 =	sor.u32 $0xD0000000, s2;
	s6 =	simm.s32 $0x108;
	_ =	swait.ge @!p0 [sflag:s8], $0x0  }
0x24: {  	s3 =	sadd.s32 $0x88, s3;
	s6 =	simm.s32 @!p1 $0x1082;
	[sflag:s4] =	ssyncset.s32 $0xFFFFF086  }
0x25: {  	[simem:s6], [sflag:s4] =	dma.local [hbm:s3], $0xF7A  }
0x26: {  	[smem:$0x3F9B] =	sst s1;
	(tag) =	ssettag s2;
	_ =	strace s9  }
0x27: {  	s1 =	sld [smem:$0x3FAB]  }
0x28: {  	s2 =	sld [smem:$0x3FAC]  }
0x29: {  	s4 =	sld [smem:$0x3FAE]  }
0x2a: {  	p0 =	seq.s32 s5, $0x0;
	s5 =	sld [smem:$0x3FAF]  }
0x2b: {  	s6 =	sld [smem:$0x3FB0]  }
0x2c: {  	s7 =	sld [smem:$0x3FB1]  }
0x2d: {  	s3 =	simm.s32 $0x108;
	s8 =	sld [smem:$0x3FB2]  }
0x2e: {  	s3 =	simm.s32 @!p0 $0x1082;
	s9 =	sld [smem:$0x3FB3]  }
0x2f: {  	lr =	sadd.s32 s0, s3;
	s0 =	sld [smem:$0x3FAA]  }
0x30: {  	s3 =	sld [smem:$0x3FAD]  }
0x31: {  	[smem:$0x3FB6] =	sst s10  }
0x32: {  	s10 =	sld [smem:$0x3FB4];
	_ =	sdelay $0x3  }
0x33: {  	p0 =	seq.s32 s10, $0x1;
	s10 =	sld [smem:$0x3FB6];
	_ =	sdelay $0x3  }
0x34: {  	[smem:$0x3FB6] =	sst s10  }
0x35: {  	s10 =	sld [smem:$0x3FB5];
	_ =	sdelay $0x3  }
0x36: {  	p1 =	seq.s32 s10, $0x1;
	s10 =	sld [smem:$0x3FB6];
	_ =	sdelay $0x3  }
0x37: {  	[smem:$0x3FB6] =	sst s10  }
0x38: {  	s10 =	sld [smem:$0x3FB7]  }
0x39: {  	_ = 	snop;
	(pc) =	sbr.ind lr, $3  }
0x3a: {  	_ = 	snop  }
0x3b: {  	_ = 	snop  }
0x3c: {  	p2 =	seq.s32 s10, $0x1;
	s10 =	sld [smem:$0x3FB6]  }
0x3d: {  	_ =	shalt  }
0x3e: {  	_ =	shalt  }
0x3f: {  	_ =	shalt  }
0x40: {  	_ =	shalt  }
0x41: {  	_ =	shalt  }
0x42: {  	_ =	shalt  }
0x43: {  	_ =	shalt  }
0x44: {  	_ =	shalt  }
0x45: {  	_ =	shalt  }
0x46: {  	_ =	shalt  }
0x47: {  	_ =	shalt  }
0x48: {  	_ =	shalt  }
0x49: {  	_ =	shalt  }
0x4a: {  	_ =	shalt  }
0x4b: {  	_ =	shalt  }
0x4c: {  	_ =	shalt  }
0x4d: {  	_ =	shalt  }
0x4e: {  	_ =	shalt  }
0x4f: {  	_ =	shalt  }
0x50: {  	_ =	shalt  }
0x51: {  	_ =	shalt  }
0x52: {  	_ =	shalt  }
0x53: {  	_ =	shalt  }
0x54: {  	_ =	shalt  }
0x55: {  	_ =	shalt  }
0x56: {  	_ =	shalt  }
0x57: {  	_ =	shalt  }
0x58: {  	_ =	shalt  }
0x59: {  	_ =	shalt  }
0x5a: {  	_ =	shalt  }
0x5b: {  	_ =	shalt  }
0x5c: {  	_ =	shalt  }
0x5d: {  	_ =	shalt  }
0x5e: {  	_ =	shalt  }
0x5f: {  	_ =	shalt  }
0x60: {  	_ =	shalt  }
0x61: {  	_ =	shalt  }
0x62: {  	_ =	shalt  }
0x63: {  	_ =	shalt  }
0x64: {  	_ =	shalt  }
0x65: {  	_ =	shalt  }
0x66: {  	_ =	shalt  }
0x67: {  	_ =	shalt  }
0x68: {  	_ =	shalt  }
0x69: {  	_ =	shalt  }
0x6a: {  	_ =	shalt  }
0x6b: {  	_ =	shalt  }
0x6c: {  	_ =	shalt  }
0x6d: {  	_ =	shalt  }
0x6e: {  	_ =	shalt  }
0x6f: {  	_ =	shalt  }
0x70: {  	_ =	shalt  }
0x71: {  	_ =	shalt  }
0x72: {  	_ =	shalt  }
0x73: {  	_ =	shalt  }
0x74: {  	_ =	shalt  }
0x75: {  	_ =	shalt  }
0x76: {  	_ =	shalt  }
0x77: {  	_ =	shalt  }
0x78: {  	_ =	shalt  }
0x79: {  	_ =	shalt  }
0x7a: {  	_ =	shalt  }
0x7b: {  	_ =	shalt  }
0x7c: {  	_ =	shalt  }
0x7d: {  	_ =	shalt  }
0x7e: {  	_ =	shalt  }
0x7f: {  	_ =	shalt  }
0x80: {  	_ =	shalt  }
0x81: {  	_ =	shalt  }
0x82: {  	_ =	shalt  }
0x83: {  	_ =	shalt  }
0x84: {  	_ =	shalt  }
0x85: {  	_ =	shalt  }
0x86: {  	_ =	shalt  }
0x87: {  	_ =	shalt  }
.Lfunc_end0:
.L_simem_size_0:
called_computation.2_lowered:
.L_overlay_start_0:
0x88: {  	s2 =	sld [smem:$0x3FD9]  }
0x89: {  	s3 =	sld [smem:$0x3FFE];
	_ =	sdelay $0x1  }
0x8a: {  	s1 =	srdreg.scid  }
0x8b: {  	s0 =	sand.u32 $0x1, s1  }
0x8c: {  	s17 =	sshll.u32 s0, $0xA;
	s2 =	sadd.s32 s3, s2  }
0x8d: {  	s2 =	sadd.s32 s2, s17  }
0x8e: {  	[smem:$0x3FC2] =	sst s2  }
0x8f: {  	_ = 	snop  }
0x90: {  	s2 =	sld [smem:$0x3FD0];
	(tm) =	ssettm $0x1  }
0x91: {  	s18 =	sld [smem:$0x3FFB];
	_ =	sdelay $0x3  }
0x92: {  	_ =	strace s18  }
0x93: {  	s3 =	sld [smem:$0x3FFC];
	_ =	sdelay $0x3  }
0x94: {  	_ =	strace s3  }
0x95: {  	s3 =	sld [smem:$0x3FFD];
	_ =	sdelay $0x3  }
0x96: {  	_ =	strace s3  }
0x97: {  	_ =	strace $0x8FFFFFFF  }
0x98: {  	s19 =	sld [smem:$0x3FDB];
	_ =	sdelay $0x1  }
0x99: {  	s4 =	simm.s32 $_scs_section_size  }
0x9a: {  	s5 =	simm.s32 $_size__tile_overlayer_lowered;
	s6 =	simm.s32 $_tile_overlayer_lowered  }
0x9b: {  	s22 =	simm.s32 $0x1BFF;
	s21 =	sshll.u32 s6, $0x1;
	s3 =	sadd.s32 s4, s19  }
0x9c: {  	s7 =	simm.s32 $0x0;
	s20 =	sshll.u32 s5, $0x1;
	s5 =	sadd.s32 s21, s3  }
0x9d: {  	[timem:s7], [sflag:s22] =	dma.local [hbm:s5], s20  }
0x9e: {  	_ =	swait.ge [sflag:s22], s20  }
0x9f: {  	s4 =	ssub.s32 $0x0, s20;
	[sflag:s22] =	ssyncset.done $0x0  }
0xa0: {  	[sflag:s22] =	ssyncadd.s32 s4;
	_ =	sdelay $0x1  }
0xa1: {  	s23 =	simm.s32 $0x1B8B  }
0xa2: {  	_ =	swait.ge [sflag:s23], $0x1  }
0xa3: {  	[sflag:s23] =	ssyncset.done $0x0  }
0xa4: {  	s25 =	simm.s32 $0x1B8E;
	s24 =	sld [smem:$0x3FFE];
	[sflag:s23] =	ssyncadd.s32 $0xFFFFFFFF  }
0xa5: {  	s26 =	simm.s32 $execute0_lowered;
	[smem:$0x3FD2] =	sst s25  }
0xa6: {  	s5 =	sshll.u32 s26, $0x1;
	_ =	strace $0x8000004C;
	[dreg:$0x1] =	wrdreg $0xFFFFFFFF  }
0xa7: {  	s28 =	simm.s32 $_size_execute0_lowered;
	s3 =	sadd.s32 s3, s5;
	[dreg:$0x0] =	wrdreg $0x0  }
0xa8: {  	s5 =	sshll.u32 s28, $0x1;
	[dreg:$0x2] =	wrdreg s3  }
0xa9: {  	[dreg:$0x3] =	wrdreg s5  }
0xaa: {  	[dreg:$0x4] =	wrdreg $0xC0  }
0xab: {  	_ =	task [dreg:s7], $0x5FFFF  }
0xac: {  	[dreg:$0x1] =	wrdreg $0xFFFFFFFF  }
0xad: {  	[dreg:$0x0] =	wrdreg $0x60  }
0xae: {  	[dreg:$0x2] =	wrdreg s24  }
0xaf: {  	[dreg:$0x3] =	wrdreg s2  }
0xb0: {  	[dreg:$0x4] =	wrdreg $0xBC000  }
0xb1: {  	[dreg:$0x5] =	wrdreg $0x9  }
0xb2: {  	_ =	task.clear_ibuf [dreg:s7], $0x6FFFF;
	_ =	strace $0x9000004C  }
0xb3: {  	s29 =	simm.s32 $0x9;
	_ =	strace $0x8000004E  }
0xb4: {  	_ =	swait.ge [sflag:s29], $0x1  }
0xb5: {  	[sflag:s29] =	ssyncadd.s32 $0xFFFFFFFF  }
0xb6: {  	_ =	strace $0x9000004E  }
0xb7: {  	_ =	sfence  }
0xb8: {  	s30 =	sld [smem:$0x0];
	_ =	sdelay $0x2  }
0xb9: {  	s31 =	sshll.u32 s1, $0xD;
	s1 =	sshrl.u32 s1, $0x2  }
0xba: {  	s3 =	sand.u32 $0x4000, s31;
	s1 =	sadd.s32 s1, s30  }
0xbb: {  	s0 =	sor.u32 s3, s0;
	s1 =	sshll.u32 s1, $0x11  }
0xbc: {  	s0 =	sor.u32 s1, s0  }
0xbd: {  	s0 =	sadd.s32 $0x8F2B, s0  }
0xbe: {  	[sflag:s0] =	ssyncadd.remote.s32 $0x1  }
0xbf: {  	_ =	sfence.sel $0xFFFF  }
0xc0: {  	[dreg:$0x0] =	wrdreg $0xFFFFFFFF;
	(pc) =	sbr.abs _section_cstart, $3  }
0xc1: {  	[dreg:$0x1] =	wrdreg $0xFFFFFFFF  }
0xc2: {  	_ =	task.clear_ibuf [dreg:s7], $0x2FFFF;
	_ =	strace $0x9FFFFFFF  }
0xc3: {  	(tm) =	ssettm $0x7FFFFFFF  }
tec
execute0_lowered:
.L_overlay_start_1:
0x0: {  	(tag) =	ssettag $0x1  }
0x1: {  	s0 =	srdreg.scid  }
0x2: {  	s10 =	stileid.u32;
	s1 =	rddreg [dreg:$0x0]  }
0x3: {  	s6 =	rddreg [dreg:$0x1];
	s3 =	simm.s32 $0x0;
	s28 =	simm.s32 $0x80  }
0x4: {  	s29 =	simm.s32 $0x7C00;
	s30 =	simm.s32 $0x2;
	s31 =	simm.s32 $0x1480  }
0x5: {  	s12 =	simm.s32 $0x6;
	s0 =	sand.u32 $0x1, s0;
	s9 =	smul.u32 $0x14000, s10  }
0x6: {  	s2 =	sshll.u32 s10, $0x1;
	[smem:$0x7FF] =	sst s3;
	s13 =	smul.u32 $0x50000, s10  }
0x7: {  	s4 =	sadd.s32 $0xC400, s1;
	s5 =	sor.u32 s0, s2;
	s8 =	smul.u32 $0x140000, s0  }
0x8: {  	s10 =	simm.s32 $0x4;
	s2 =	rddreg [dreg:$0x2];
	s7 =	smul.u32 $0x2800, s5  }
0x9: {  	_ =	strace $0x8000004D;
	s0 =	ssub.s32 $0x2, s0;
	s14 =	smul.u32 $0x5000, s5  }
0xa: {  	s15 =	sshrl.u32 s0, $0x1;
	s11 =	smul.u32 $0xA00, s5;
	s8 =	sadd.s32 s9, s8  }
0xb: {  	s9 =	sshrl.u32 s13, $0x2;
	s0 =	ssub.s32 s0, s15;
	s13 =	simm.s32 $0x140  }
0xc: {  	s15 =	simm.s32 $0x8;
	s7 =	sshrl.u32 s7, $0x3;
	s8 =	sshrl.u32 s8, $0x3  }
0xd: {  	s5 =	sadd.s32 s9, s2;
	s17 =	sadd.s32 s6, s11;
	s0 =	smax.u32 s0, $0x1  }
0xe: {  	s9 =	simm.s32 $0x100;
	s11 =	simm.s32 $0x1580;
	[dreg:$0x5] =	wrdreg s17  }
0xf: {  	s7 =	sadd.s32 s7, s1;
	[dreg:$0x9] =	wrdreg s0;
	s18 =	sadd.s32 $0x2000, s5  }
0x10: {  	s1 =	sadd.s32 s8, s1;
	s19 =	sadd.s32 $0x4000, s5;
	[dreg:$0xa] =	wrdreg s18  }
0x11: {  	s8 =	sshrl.u32 s14, $0x3;
	s20 =	sadd.s32 $0x6000, s5;
	[dreg:$0xb] =	wrdreg s19  }
0x12: {  	s21 =	sadd.s32 $0x8000, s5;
	s22 =	sadd.s32 $0xA000, s5;
	[dreg:$0xc] =	wrdreg s20  }
0x13: {  	s23 =	sadd.s32 $0xC000, s5;
	s24 =	sadd.s32 $0xE000, s5;
	[dreg:$0xd] =	wrdreg s21  }
0x14: {  	s25 =	sadd.s32 $0x10000, s5;
	s26 =	sadd.s32 $0x12000, s5;
	[dreg:$0xe] =	wrdreg s22  }
0x15: {  	s0 =	simm.s32 $0x9C00;
	s14 =	simm.s32 $0x7;
	[dreg:$0xf] =	wrdreg s23  }
0x16: {  	s16 =	sadd.s32 $0x2400, s7;
	s6 =	sadd.s32 s6, s8;
	[dreg:$0x10] =	wrdreg s24  }
0x17: {  	s7 =	sadd.s32 $0x2680, s7;
	s1 =	sadd.s32 $0x34400, s1;
	[dreg:$0x11] =	wrdreg s25  }
0x18: {  	[dreg:$0x12] =	wrdreg s26;
	s21 =	simm.s32 $0x3C00;
	s22 =	simm.s32 $0x9  }
.Ltmp0:
0x19: {  	s23 =	simm.s32 $0x1400;
	s24 =	simm.s32 $0x40;
	(pc) =	sbr.rel .LBB2_1-.Ltmp0, $4  }
0x1a: {  	s25 =	simm.s32 $0x5C00;
	s26 =	simm.s32 $0x1;
	[dreg:$0x4] =	wrdreg s16  }
0x1b: {  	s8 =	simm.s32 $0x5;
	[dreg:$0x6] =	wrdreg s7;
	s6 =	sadd.s32 $0x500, s6  }
0x1c: {  	[dreg:$0x8] =	wrdreg s1;
	s1 =	simm.s32 $0xC0;
	s7 =	simm.s32 $0x1500  }
0x1d: {  	v0 =	vimm.f32 $0.0e+00;
	s16 =	simm.s32 $0x3B80;
	[dreg:$0x7] =	wrdreg s6;
	s6 =	simm.s32 $0x3  }
.LBB2_9:
0x1e: {  	_ =	swait.ge [sflag:s10], $0x2000  }
0x1f: {  	[sflag:s10] =	ssyncset.done $0x0  }
0x20: {  	[sflag:s10] =	ssyncadd.s32 $0xFFFFE000  }
0x21: {  	[spmem:s2] =	stream.indirect.scatter.add.f32 [tilespmem:s0], [sflag:$0x8], $0x80, s16, s24, $0xb8;
	[tilespmem:$0x1FC00] =	vst v63  }
0x22: {  	_ =	swait.ge [sflag:s12], $0x2000  }
0x23: {  	[sflag:s12] =	ssyncset.done $0x0  }
0x24: {  	[sflag:s12] =	ssyncadd.s32 $0xFFFFE000  }
0x25: {  	_ =	swait.ge [sflag:s14], $0x2000  }
0x26: {  	[sflag:s14] =	ssyncset.done $0x0  }
0x27: {  	[sflag:s14] =	ssyncadd.s32 $0xFFFFE000  }
0x28: {  	_ =	swait.ge [sflag:s15], $0x2000  }
0x29: {  	[sflag:s15] =	ssyncset.done $0x0  }
0x2a: {  	s17 =	stileid.u32;
	[sflag:s15] =	ssyncadd.s32 $0xFFFFE000  }
0x2b: {  	s17 =	sshll.u32 s17, $0x6;
	[bflag:$0x0] =	sbarrier.arrive $0xFFFF  }
0x2c: {  	s18 =	sshrl.u32 s5, $0x3;
	s17 =	sor.u32 $0x1C09, s17;
	s19 =	rddreg [dreg:$0x8]  }
0x2d: {  	[hbm:s19], [sflag:s17] =	dma.local [spmem:s18], $0x2800  }
0x2e: {  	_ =	swait.ge [sflag:s22], $0x2800  }
0x2f: {  	s3 =	sadd.s32 $0x1, s3;
	s20 =	rddreg [dreg:$0x9]  }
0x30: {  	p0 =	sne.s32 s3, s20  }
.Ltmp1:
0x31: {  	_ = 	snop;
	(pc) =	sbr.rel @!p0 .LBB2_10-.Ltmp1, $3  }
0x32: {  	_ =	sdelay $0x1  }
0x33: {  	[sflag:s22] =	ssyncset.done $0x0  }
0x34: {  	[sflag:s22] =	ssyncadd.s32 $0xFFFFD800  }
.LBB2_1:
0x35: {  	s17 =	simm.s32 $0x0;
	s18 =	simm.s32 $0x200  }
.LBB2_2:
0x36: {  	p0 =	sne.s32 s18, $0x7E00;
	[tilespmem:s17+$0x3C70] =	vst v0  }
0x37: {  	[tilespmem:s17+$0x3C00] =	vst v0  }
0x38: {  	[tilespmem:s17+$0x3C10] =	vst v0  }
.Ltmp2:
0x39: {  	[tilespmem:s17+$0x3C20] =	vst v0;
	(pc) =	sbr.rel @p0 .LBB2_2-.Ltmp2, $4  }
0x3a: {  	[tilespmem:s17+$0x3C30] =	vst v0  }
0x3b: {  	[tilespmem:s17+$0x3C40] =	vst v0  }
0x3c: {  	[tilespmem:s17+$0x3C50] =	vst v0  }
0x3d: {  	[tilespmem:s17+$0x3C60] =	vst v0;
	s17 =	sshra.s32 s18, $0x2;
	s18 =	sadd.s32 $0x200, s18  }
0x3e: {  	[tilespmem:s17+$0x3C70] =	vst v0  }
0x3f: {  	[tilespmem:s17+$0x3C00] =	vst v0  }
0x40: {  	[tilespmem:s17+$0x3C10] =	vst v0  }
0x41: {  	[tilespmem:s17+$0x3C20] =	vst v0  }
0x42: {  	[tilespmem:s17+$0x3C30] =	vst v0  }
0x43: {  	[tilespmem:s17+$0x3C40] =	vst v0  }
0x44: {  	[tilespmem:s17+$0x3C50] =	vst v0  }
0x45: {  	[tilespmem:s17+$0x3C60] =	vst v0  }
0x46: {  	[spmem:s5] =	stream.linear.scatter [tilespmem:s21], [sflag:$0x9], $0x2000, $0x38;
	[tilespmem:$0x1FC00] =	vst v63  }
0x47: {  	_ =	swait.ge [sflag:s22], $0x2000  }
0x48: {  	[sflag:s22] =	ssyncset.done $0x0  }
0x49: {  	s20 =	rddreg [dreg:$0xa];
	[sflag:s22] =	ssyncadd.s32 $0xFFFFE000  }
0x4a: {  	[spmem:s20] =	stream.linear.scatter [tilespmem:s21], [sflag:$0x9], $0x2000, $0x38;
	[tilespmem:$0x1FC00] =	vst v63  }
0x4b: {  	_ =	swait.ge [sflag:s22], $0x2000  }
0x4c: {  	[sflag:s22] =	ssyncset.done $0x0  }
0x4d: {  	s18 =	rddreg [dreg:$0xb];
	[sflag:s22] =	ssyncadd.s32 $0xFFFFE000  }
0x4e: {  	[spmem:s18] =	stream.linear.scatter [tilespmem:s21], [sflag:$0x9], $0x2000, $0x38;
	[tilespmem:$0x1FC00] =	vst v63  }
0x4f: {  	_ =	swait.ge [sflag:s22], $0x2000  }
0x50: {  	[sflag:s22] =	ssyncset.done $0x0  }
0x51: {  	s19 =	rddreg [dreg:$0xc];
	[sflag:s22] =	ssyncadd.s32 $0xFFFFE000  }
0x52: {  	[spmem:s19] =	stream.linear.scatter [tilespmem:s21], [sflag:$0x9], $0x2000, $0x38;
	[tilespmem:$0x1FC00] =	vst v63  }
0x53: {  	_ =	swait.ge [sflag:s22], $0x2000  }
0x54: {  	[sflag:s22] =	ssyncset.done $0x0  }
0x55: {  	s20 =	rddreg [dreg:$0xd];
	[sflag:s22] =	ssyncadd.s32 $0xFFFFE000  }
0x56: {  	[spmem:s20] =	stream.linear.scatter [tilespmem:s21], [sflag:$0x9], $0x2000, $0x38;
	[tilespmem:$0x1FC00] =	vst v63  }
0x57: {  	_ =	swait.ge [sflag:s22], $0x2000  }
0x58: {  	[sflag:s22] =	ssyncset.done $0x0  }
0x59: {  	s18 =	rddreg [dreg:$0xe];
	[sflag:s22] =	ssyncadd.s32 $0xFFFFE000  }
0x5a: {  	[spmem:s18] =	stream.linear.scatter [tilespmem:s21], [sflag:$0x9], $0x2000, $0x38;
	[tilespmem:$0x1FC00] =	vst v63  }
0x5b: {  	_ =	swait.ge [sflag:s22], $0x2000  }
0x5c: {  	[sflag:s22] =	ssyncset.done $0x0  }
0x5d: {  	s19 =	rddreg [dreg:$0xf];
	[sflag:s22] =	ssyncadd.s32 $0xFFFFE000  }
0x5e: {  	[spmem:s19] =	stream.linear.scatter [tilespmem:s21], [sflag:$0x9], $0x2000, $0x38;
	[tilespmem:$0x1FC00] =	vst v63  }
0x5f: {  	_ =	swait.ge [sflag:s22], $0x2000  }
0x60: {  	[sflag:s22] =	ssyncset.done $0x0  }
0x61: {  	s20 =	rddreg [dreg:$0x10];
	[sflag:s22] =	ssyncadd.s32 $0xFFFFE000  }
0x62: {  	[spmem:s20] =	stream.linear.scatter [tilespmem:s21], [sflag:$0x9], $0x2000, $0x38;
	[tilespmem:$0x1FC00] =	vst v63  }
0x63: {  	_ =	swait.ge [sflag:s22], $0x2000  }
0x64: {  	[sflag:s22] =	ssyncset.done $0x0  }
0x65: {  	s18 =	rddreg [dreg:$0x11];
	[sflag:s22] =	ssyncadd.s32 $0xFFFFE000  }
0x66: {  	[spmem:s18] =	stream.linear.scatter [tilespmem:s21], [sflag:$0x9], $0x2000, $0x38;
	[tilespmem:$0x1FC00] =	vst v63  }
0x67: {  	_ =	swait.ge [sflag:s22], $0x2000  }
0x68: {  	[sflag:s22] =	ssyncset.done $0x0  }
0x69: {  	s19 =	rddreg [dreg:$0x12];
	[sflag:s22] =	ssyncadd.s32 $0xFFFFE000  }
0x6a: {  	[spmem:s19] =	stream.linear.scatter [tilespmem:s21], [sflag:$0x9], $0x2000, $0x38;
	[tilespmem:$0x1FC00] =	vst v63  }
0x6b: {  	_ =	swait.ge [sflag:s22], $0x2000  }
0x6c: {  	[sflag:s22] =	ssyncset.done $0x0  }
0x6d: {  	[sflag:s22] =	ssyncadd.s32 $0xFFFFE000  }
0x6e: {  	[bflag:$0x0] =	sbarrier.arrive $0xFFFF  }
0x6f: {  	s17 =	simm.s32 $0x0;
	s18 =	rddreg [dreg:$0x4]  }
0x70: {  	[tilespmem:s17], [sflag:$0x9] =	stream.linear.gather [hbm4b:s18+s17], $0x1400, $0x38;
	[tilespmem:$0x1FC00] =	vst v63  }
0x71: {  	_ =	swait.ge [sflag:s22], $0x1400  }
0x72: {  	[sflag:s22] =	ssyncset.done $0x0  }
0x73: {  	s20 =	rddreg [dreg:$0x5];
	[sflag:s22] =	ssyncadd.s32 $0xFFFFEC00  }
0x74: {  	[tilespmem:s23], [sflag:$0x9] =	stream.linear.gather [hbm4b:s20+s17], $0x2800, $0x38;
	[tilespmem:$0x1FC00] =	vst v63  }
0x75: {  	_ =	swait.ge [sflag:s22], $0x2800  }
0x76: {  	[sflag:s22] =	ssyncset.done $0x0  }
0x77: {  	[sflag:s22] =	ssyncadd.s32 $0xFFFFD800  }
0x78: {  	[tilespmem:s21], [sflag:$0x1] =	stream.indirect.gather [hbm4b:s4+s24], $0x80, s17, s24, $0xb8;
	[tilespmem:$0x1FC00] =	vst v63  }
0x79: {  	_ = 	snop  }
0x7a: {  	[tilespmem:s25], [sflag:$0x2] =	stream.indirect.gather [hbm4b:s4+s24], $0x80, s24, s24, $0xb8;
	[tilespmem:$0x1FC00] =	vst v63  }
0x7b: {  	_ =	swait.ge [sflag:s26], $0x2000  }
0x7c: {  	[sflag:s26] =	ssyncset.done $0x0  }
0x7d: {  	[sflag:s26] =	ssyncadd.s32 $0xFFFFE000  }
0x7e: {  	[spmem:s2] =	stream.indirect.scatter.add.f32 [tilespmem:s21], [sflag:$0x5], $0x80, s23, s24, $0xb8;
	[tilespmem:$0x1FC00] =	vst v63  }
0x7f: {  	_ = 	snop  }
0x80: {  	[tilespmem:s29], [sflag:$0x3] =	stream.indirect.gather [hbm4b:s4+s24], $0x80, s28, s24, $0xb8;
	[tilespmem:$0x1FC00] =	vst v63  }
0x81: {  	_ =	swait.ge [sflag:s30], $0x2000  }
0x82: {  	[sflag:s30] =	ssyncset.done $0x0  }
0x83: {  	[sflag:s30] =	ssyncadd.s32 $0xFFFFE000  }
0x84: {  	[spmem:s2] =	stream.indirect.scatter.add.f32 [tilespmem:s25], [sflag:$0x6], $0x80, s31, s24, $0xb8;
	[tilespmem:$0x1FC00] =	vst v63  }
0x85: {  	_ = 	snop  }
0x86: {  	[tilespmem:s0], [sflag:$0x4] =	stream.indirect.gather [hbm4b:s4+s24], $0x80, s1, s24, $0xb8;
	[tilespmem:$0x1FC00] =	vst v63  }
0x87: {  	_ =	swait.ge [sflag:s6], $0x2000  }
0x88: {  	[sflag:s6] =	ssyncset.done $0x0  }
0x89: {  	[sflag:s6] =	ssyncadd.s32 $0xFFFFE000  }
0x8a: {  	[spmem:s2] =	stream.indirect.scatter.add.f32 [tilespmem:s29], [sflag:$0x7], $0x80, s7, s24, $0xb8;
	[tilespmem:$0x1FC00] =	vst v63  }
0x8b: {  	_ =	swait.ge [sflag:s8], $0x2000  }
0x8c: {  	[sflag:s8] =	ssyncset.done $0x0  }
0x8d: {  	[sflag:s8] =	ssyncadd.s32 $0xFFFFE000  }
0x8e: {  	[tilespmem:s21], [sflag:$0x1] =	stream.indirect.gather [hbm4b:s4+s24], $0x80, s9, s24, $0xb8;
	[tilespmem:$0x1FC00] =	vst v63  }
0x8f: {  	_ =	swait.ge [sflag:s10], $0x2000  }
0x90: {  	[sflag:s10] =	ssyncset.done $0x0  }
0x91: {  	[sflag:s10] =	ssyncadd.s32 $0xFFFFE000  }
0x92: {  	[spmem:s2] =	stream.indirect.scatter.add.f32 [tilespmem:s0], [sflag:$0x8], $0x80, s11, s24, $0xb8;
	[tilespmem:$0x1FC00] =	vst v63  }
0x93: {  	_ =	swait.ge [sflag:s12], $0x2000  }
0x94: {  	[sflag:s12] =	ssyncset.done $0x0  }
0x95: {  	s18 =	simm.s32 $0x1780;
	[sflag:s12] =	ssyncadd.s32 $0xFFFFE000  }
0x96: {  	[tilespmem:s25], [sflag:$0x2] =	stream.indirect.gather [hbm4b:s4+s24], $0x80, s13, s24, $0xb8;
	[tilespmem:$0x1FC00] =	vst v63  }
.LBB2_4:
0x97: {  	_ =	swait.ge [sflag:s26], $0x2000  }
0x98: {  	[sflag:s26] =	ssyncset.done $0x0  }
0x99: {  	s19 =	sadd.s32 $0xFFFFFE80, s18;
	[sflag:s26] =	ssyncadd.s32 $0xFFFFE000  }
0x9a: {  	[spmem:s2] =	stream.indirect.scatter.add.f32 [tilespmem:s21], [sflag:$0x5], $0x80, s19, s24, $0xb8;
	[tilespmem:$0x1FC00] =	vst v63  }
0x9b: {  	_ =	swait.ge [sflag:s14], $0x2000  }
0x9c: {  	s19 =	sshra.s32 s17, $0x2;
	[sflag:s14] =	ssyncset.done $0x0  }
0x9d: {  	s20 =	sadd.s32 $0x180, s19;
	[sflag:s14] =	ssyncadd.s32 $0xFFFFE000  }
0x9e: {  	[tilespmem:s29], [sflag:$0x3] =	stream.indirect.gather [hbm4b:s4+s24], $0x80, s20, s24, $0xb8;
	[tilespmem:$0x1FC00] =	vst v63  }
0x9f: {  	_ =	swait.ge [sflag:s30], $0x2000  }
0xa0: {  	[sflag:s30] =	ssyncset.done $0x0  }
0xa1: {  	s20 =	sadd.s32 $0xFFFFFF00, s18;
	[sflag:s30] =	ssyncadd.s32 $0xFFFFE000  }
0xa2: {  	[spmem:s2] =	stream.indirect.scatter.add.f32 [tilespmem:s25], [sflag:$0x6], $0x80, s20, s24, $0xb8;
	[tilespmem:$0x1FC00] =	vst v63  }
0xa3: {  	_ =	swait.ge [sflag:s15], $0x2000  }
0xa4: {  	[sflag:s15] =	ssyncset.done $0x0  }
0xa5: {  	s20 =	sadd.s32 $0x1C0, s19;
	[sflag:s15] =	ssyncadd.s32 $0xFFFFE000  }
0xa6: {  	[tilespmem:s0], [sflag:$0x4] =	stream.indirect.gather [hbm4b:s4+s24], $0x80, s20, s24, $0xb8;
	[tilespmem:$0x1FC00] =	vst v63  }
0xa7: {  	_ =	swait.ge [sflag:s6], $0x2000  }
0xa8: {  	p0 =	seq.s32 s17, $0x4800;
	[sflag:s6] =	ssyncset.done $0x0  }
.Ltmp3:
0xa9: {  	s20 =	sadd.s32 $0xFFFFFF80, s18;
	[sflag:s6] =	ssyncadd.s32 $0xFFFFE000;
	(pc) =	sbr.rel @p0 .LBB2_6-.Ltmp3, $4  }
0xaa: {  	[spmem:s2] =	stream.indirect.scatter.add.f32 [tilespmem:s29], [sflag:$0x7], $0x80, s20, s24, $0xb8;
	[tilespmem:$0x1FC00] =	vst v63  }
0xab: {  	_ =	swait.ge [sflag:s8], $0x2000  }
0xac: {  	[sflag:s8] =	ssyncset.done $0x0  }
0xad: {  	[sflag:s8] =	ssyncadd.s32 $0xFFFFE000  }
0xae: {  	s20 =	sadd.s32 $0x200, s19  }
0xaf: {  	[tilespmem:s21], [sflag:$0x1] =	stream.indirect.gather [hbm4b:s4+s24], $0x80, s20, s24, $0xb8;
	[tilespmem:$0x1FC00] =	vst v63  }
0xb0: {  	_ =	swait.ge [sflag:s10], $0x2000  }
0xb1: {  	[sflag:s10] =	ssyncset.done $0x0  }
0xb2: {  	[sflag:s10] =	ssyncadd.s32 $0xFFFFE000  }
0xb3: {  	[spmem:s2] =	stream.indirect.scatter.add.f32 [tilespmem:s0], [sflag:$0x8], $0x80, s18, s24, $0xb8;
	[tilespmem:$0x1FC00] =	vst v63  }
.Ltmp4:
0xb4: {  	_ = 	snop;
	(pc) =	sbr.rel .LBB2_4-.Ltmp4, $4  }
0xb5: {  	_ =	swait.ge [sflag:s12], $0x2000  }
0xb6: {  	s17 =	sadd.s32 $0x400, s17;
	[sflag:s12] =	ssyncset.done $0x0  }
0xb7: {  	s20 =	sadd.s32 $0x240, s19;
	s18 =	sadd.s32 $0x200, s18;
	[sflag:s12] =	ssyncadd.s32 $0xFFFFE000  }
0xb8: {  	[tilespmem:s25], [sflag:$0x2] =	stream.indirect.gather [hbm4b:s4+s24], $0x80, s20, s24, $0xb8;
	[tilespmem:$0x1FC00] =	vst v63  }
.LBB2_6:
0xb9: {  	_ =	swait.ge [sflag:s10], $0x2000  }
0xba: {  	[sflag:s10] =	ssyncset.done $0x0  }
0xbb: {  	[sflag:s10] =	ssyncadd.s32 $0xFFFFE000  }
0xbc: {  	[spmem:s2] =	stream.indirect.scatter.add.f32 [tilespmem:s0], [sflag:$0x8], $0x80, s16, s24, $0xb8;
	[tilespmem:$0x1FC00] =	vst v63  }
0xbd: {  	_ =	swait.ge [sflag:s12], $0x2000  }
0xbe: {  	[sflag:s12] =	ssyncset.done $0x0  }
0xbf: {  	[sflag:s12] =	ssyncadd.s32 $0xFFFFE000  }
0xc0: {  	_ =	swait.ge [sflag:s14], $0x2000  }
0xc1: {  	[sflag:s14] =	ssyncset.done $0x0  }
0xc2: {  	[sflag:s14] =	ssyncadd.s32 $0xFFFFE000  }
0xc3: {  	_ =	swait.ge [sflag:s15], $0x2000  }
0xc4: {  	[sflag:s15] =	ssyncset.done $0x0  }
0xc5: {  	s17 =	simm.s32 $0x0;
	s18 =	rddreg [dreg:$0x6];
	[sflag:s15] =	ssyncadd.s32 $0xFFFFE000  }
0xc6: {  	[tilespmem:s17], [sflag:$0x9] =	stream.linear.gather [hbm4b:s18+s17], $0x1400, $0x38;
	[tilespmem:$0x1FC00] =	vst v63  }
0xc7: {  	_ =	swait.ge [sflag:s22], $0x1400  }
0xc8: {  	[sflag:s22] =	ssyncset.done $0x0  }
0xc9: {  	s20 =	rddreg [dreg:$0x7];
	[sflag:s22] =	ssyncadd.s32 $0xFFFFEC00  }
0xca: {  	[tilespmem:s23], [sflag:$0x9] =	stream.linear.gather [hbm4b:s20+s17], $0x2800, $0x38;
	[tilespmem:$0x1FC00] =	vst v63  }
0xcb: {  	_ =	swait.ge [sflag:s22], $0x2800  }
0xcc: {  	[sflag:s22] =	ssyncset.done $0x0  }
0xcd: {  	[sflag:s22] =	ssyncadd.s32 $0xFFFFD800  }
0xce: {  	[tilespmem:s21], [sflag:$0x1] =	stream.indirect.gather [hbm4b:s4+s24], $0x80, s17, s24, $0xb8;
	[tilespmem:$0x1FC00] =	vst v63  }
0xcf: {  	_ = 	snop  }
0xd0: {  	[tilespmem:s25], [sflag:$0x2] =	stream.indirect.gather [hbm4b:s4+s24], $0x80, s24, s24, $0xb8;
	[tilespmem:$0x1FC00] =	vst v63  }
0xd1: {  	_ =	swait.ge [sflag:s26], $0x2000  }
0xd2: {  	[sflag:s26] =	ssyncset.done $0x0  }
0xd3: {  	[sflag:s26] =	ssyncadd.s32 $0xFFFFE000  }
0xd4: {  	[spmem:s2] =	stream.indirect.scatter.add.f32 [tilespmem:s21], [sflag:$0x5], $0x80, s23, s24, $0xb8;
	[tilespmem:$0x1FC00] =	vst v63  }
0xd5: {  	_ = 	snop  }
0xd6: {  	[tilespmem:s29], [sflag:$0x3] =	stream.indirect.gather [hbm4b:s4+s24], $0x80, s28, s24, $0xb8;
	[tilespmem:$0x1FC00] =	vst v63  }
0xd7: {  	_ =	swait.ge [sflag:s30], $0x2000  }
0xd8: {  	[sflag:s30] =	ssyncset.done $0x0  }
0xd9: {  	[sflag:s30] =	ssyncadd.s32 $0xFFFFE000  }
0xda: {  	[spmem:s2] =	stream.indirect.scatter.add.f32 [tilespmem:s25], [sflag:$0x6], $0x80, s31, s24, $0xb8;
	[tilespmem:$0x1FC00] =	vst v63  }
0xdb: {  	_ = 	snop  }
0xdc: {  	[tilespmem:s0], [sflag:$0x4] =	stream.indirect.gather [hbm4b:s4+s24], $0x80, s1, s24, $0xb8;
	[tilespmem:$0x1FC00] =	vst v63  }
0xdd: {  	_ =	swait.ge [sflag:s6], $0x2000  }
0xde: {  	[sflag:s6] =	ssyncset.done $0x0  }
0xdf: {  	[sflag:s6] =	ssyncadd.s32 $0xFFFFE000  }
0xe0: {  	[spmem:s2] =	stream.indirect.scatter.add.f32 [tilespmem:s29], [sflag:$0x7], $0x80, s7, s24, $0xb8;
	[tilespmem:$0x1FC00] =	vst v63  }
0xe1: {  	_ =	swait.ge [sflag:s8], $0x2000  }
0xe2: {  	[sflag:s8] =	ssyncset.done $0x0  }
0xe3: {  	[sflag:s8] =	ssyncadd.s32 $0xFFFFE000  }
0xe4: {  	[tilespmem:s21], [sflag:$0x1] =	stream.indirect.gather [hbm4b:s4+s24], $0x80, s9, s24, $0xb8;
	[tilespmem:$0x1FC00] =	vst v63  }
0xe5: {  	_ =	swait.ge [sflag:s10], $0x2000  }
0xe6: {  	[sflag:s10] =	ssyncset.done $0x0  }
0xe7: {  	[sflag:s10] =	ssyncadd.s32 $0xFFFFE000  }
0xe8: {  	[spmem:s2] =	stream.indirect.scatter.add.f32 [tilespmem:s0], [sflag:$0x8], $0x80, s11, s24, $0xb8;
	[tilespmem:$0x1FC00] =	vst v63  }
0xe9: {  	_ =	swait.ge [sflag:s12], $0x2000  }
0xea: {  	[sflag:s12] =	ssyncset.done $0x0  }
0xeb: {  	s18 =	simm.s32 $0x1780;
	[sflag:s12] =	ssyncadd.s32 $0xFFFFE000  }
0xec: {  	[tilespmem:s25], [sflag:$0x2] =	stream.indirect.gather [hbm4b:s4+s24], $0x80, s13, s24, $0xb8;
	[tilespmem:$0x1FC00] =	vst v63  }
.LBB2_7:
0xed: {  	_ =	swait.ge [sflag:s26], $0x2000  }
0xee: {  	[sflag:s26] =	ssyncset.done $0x0  }
0xef: {  	s19 =	sadd.s32 $0xFFFFFE80, s18;
	[sflag:s26] =	ssyncadd.s32 $0xFFFFE000  }
0xf0: {  	[spmem:s2] =	stream.indirect.scatter.add.f32 [tilespmem:s21], [sflag:$0x5], $0x80, s19, s24, $0xb8;
	[tilespmem:$0x1FC00] =	vst v63  }
0xf1: {  	_ =	swait.ge [sflag:s14], $0x2000  }
0xf2: {  	s19 =	sshra.s32 s17, $0x2;
	[sflag:s14] =	ssyncset.done $0x0  }
0xf3: {  	s20 =	sadd.s32 $0x180, s19;
	[sflag:s14] =	ssyncadd.s32 $0xFFFFE000  }
0xf4: {  	[tilespmem:s29], [sflag:$0x3] =	stream.indirect.gather [hbm4b:s4+s24], $0x80, s20, s24, $0xb8;
	[tilespmem:$0x1FC00] =	vst v63  }
0xf5: {  	_ =	swait.ge [sflag:s30], $0x2000  }
0xf6: {  	[sflag:s30] =	ssyncset.done $0x0  }
0xf7: {  	s20 =	sadd.s32 $0xFFFFFF00, s18;
	[sflag:s30] =	ssyncadd.s32 $0xFFFFE000  }
0xf8: {  	[spmem:s2] =	stream.indirect.scatter.add.f32 [tilespmem:s25], [sflag:$0x6], $0x80, s20, s24, $0xb8;
	[tilespmem:$0x1FC00] =	vst v63  }
0xf9: {  	_ =	swait.ge [sflag:s15], $0x2000  }
0xfa: {  	[sflag:s15] =	ssyncset.done $0x0  }
0xfb: {  	s20 =	sadd.s32 $0x1C0, s19;
	[sflag:s15] =	ssyncadd.s32 $0xFFFFE000  }
0xfc: {  	[tilespmem:s0], [sflag:$0x4] =	stream.indirect.gather [hbm4b:s4+s24], $0x80, s20, s24, $0xb8;
	[tilespmem:$0x1FC00] =	vst v63  }
0xfd: {  	_ =	swait.ge [sflag:s6], $0x2000  }
0xfe: {  	p0 =	seq.s32 s17, $0x4800;
	[sflag:s6] =	ssyncset.done $0x0  }
.Ltmp5:
0xff: {  	s20 =	sadd.s32 $0xFFFFFF80, s18;
	[sflag:s6] =	ssyncadd.s32 $0xFFFFE000;
	(pc) =	sbr.rel @p0 .LBB2_9-.Ltmp5, $4  }
0x100: {  	[spmem:s2] =	stream.indirect.scatter.add.f32 [tilespmem:s29], [sflag:$0x7], $0x80, s20, s24, $0xb8;
	[tilespmem:$0x1FC00] =	vst v63  }
0x101: {  	_ =	swait.ge [sflag:s8], $0x2000  }
0x102: {  	[sflag:s8] =	ssyncset.done $0x0  }
0x103: {  	[sflag:s8] =	ssyncadd.s32 $0xFFFFE000  }
0x104: {  	s20 =	sadd.s32 $0x200, s19  }
0x105: {  	[tilespmem:s21], [sflag:$0x1] =	stream.indirect.gather [hbm4b:s4+s24], $0x80, s20, s24, $0xb8;
	[tilespmem:$0x1FC00] =	vst v63  }
0x106: {  	_ =	swait.ge [sflag:s10], $0x2000  }
0x107: {  	[sflag:s10] =	ssyncset.done $0x0  }
0x108: {  	[sflag:s10] =	ssyncadd.s32 $0xFFFFE000  }
0x109: {  	[spmem:s2] =	stream.indirect.scatter.add.f32 [tilespmem:s0], [sflag:$0x8], $0x80, s18, s24, $0xb8;
	[tilespmem:$0x1FC00] =	vst v63  }
.Ltmp6:
0x10a: {  	_ = 	snop;
	(pc) =	sbr.rel .LBB2_7-.Ltmp6, $4  }
0x10b: {  	_ =	swait.ge [sflag:s12], $0x2000  }
0x10c: {  	s17 =	sadd.s32 $0x400, s17;
	[sflag:s12] =	ssyncset.done $0x0  }
0x10d: {  	s20 =	sadd.s32 $0x240, s19;
	s18 =	sadd.s32 $0x200, s18;
	[sflag:s12] =	ssyncadd.s32 $0xFFFFE000  }
0x10e: {  	[tilespmem:s25], [sflag:$0x2] =	stream.indirect.gather [hbm4b:s4+s24], $0x80, s20, s24, $0xb8;
	[tilespmem:$0x1FC00] =	vst v63  }
.LBB2_10:
0x10f: {  	_ =	sfence.sel $0x180000  }
0x110: {  	[bflag:$0x0] =	sbarrier.arrive $0xFFFF  }
0x111: {  	_ =	strace $0x9000004D  }
0x112: {  	s0 =	stileid.u32;
	[bflag:$0x2] =	sbarrier.arrive $0xFFFF  }
0x113: {  	p0 =	sne.s32 s0, $0x0;
	s0 =	rddreg [dreg:$0x3]  }
0x114: {  	s0 =	sadd.s32 @!p0 $0x100000, s0  }
0x115: {  	[sflag:s0] =	ssyncadd.tile.s32 @!p0 $0x1;
	_ =	shalt  }
.Lfunc_end2:
_tile_overlayer_lowered:
.L_overlay_start_2:
0x116: {  	(tag) =	ssettag $0x2  }
0x117: {  	s0 =	rddreg [dreg:$0x0];
	s2 =	stileid.u32  }
0x118: {  	s1 =	rddreg [dreg:$0x1];
	p0 =	sne.s32 s2, $0x0  }
0x119: {  	s3 =	rddreg [dreg:$0x2];
	[bflag:$0x3] =	sbarrier.arrive $0xFFFF;
	s2 =	simm.s32 @!p0 $0x1C09  }
0x11a: {  	[timem:s3], [sflag:s2] =	dma.local @!p0 [hbm:s0], s1  }
0x11b: {  	s0 =	simm.s32 @!p0 $0x9  }
0x11c: {  	_ =	swait.ge @!p0 [sflag:s0], s1  }
0x11d: {  	s1 =	ssub.s32 @!p0 $0x0, s1;
	[sflag:s0] =	ssyncset.done @!p0 $0x0  }
0x11e: {  	[sflag:s0] =	ssyncadd.s32 @!p0 s1  }
0x11f: {  	[bflag:$0x3] =	sbarrier.arrive $0xFFFF  }
0x120: {  	_ =	shalt  }

// kernel: kernel.8.cloned.1.call-start
scs
__scs_entry_jumppad:
0x0: {  	(pc) =	sbr.rel $0x88, $3  }
0x1: {  	(tag) =	ssettag $0x0;
	lr =	simm.s32 $0x1  }
0x2: {  	[smem:$0x3F9B] =	sst lr;
	_ =	strace $0xD0000000  }
0x3: {  	_ = 	snop  }
0x4: {  	_ = 	snop  }
0x5: {  	_ = 	snop  }
0x6: {  	_ = 	snop  }
0x7: {  	_ = 	snop  }
__scs_overlays_trampoline_lowered:
0x8: {  	[smem:$0x3FAA] =	sst s0  }
0x9: {  	[smem:$0x3FAB] =	sst s1  }
0xa: {  	[smem:$0x3FAC] =	sst s2  }
0xb: {  	[smem:$0x3FAD] =	sst s3  }
0xc: {  	[smem:$0x3FAE] =	sst s4  }
0xd: {  	[smem:$0x3FAF] =	sst s5  }
0xe: {  	[smem:$0x3FB0] =	sst s6  }
0xf: {  	[smem:$0x3FB1] =	sst s7  }
0x10: {  	[smem:$0x3FB2] =	sst s8  }
0x11: {  	[smem:$0x3FB3] =	sst s9;
	s0 =	simm.s32 @!p0 $0x0  }
0x12: {  	s1 =	sld [smem:$0x3F99];
	s0 =	simm.s32 @p0 $0x1  }
0x13: {  	[smem:$0x3FB4] =	sst s0;
	s0 =	simm.s32 @!p1 $0x0  }
0x14: {  	s2 =	sld [smem:$0x3F98];
	s0 =	simm.s32 @p1 $0x1  }
0x15: {  	[smem:$0x3FB5] =	sst s0;
	s0 =	simm.s32 @!p2 $0x0  }
0x16: {  	s3 =	sld [smem:$0x3FDB];
	s0 =	simm.s32 @p2 $0x1  }
0x17: {  	s4 =	simm.s32 $0x1BF5;
	[smem:$0x3FB7] =	sst s0  }
0x18: {  	s0 =	sld [smem:$0x3F9A];
	_ =	swait.ge [sflag:s4], $0x0  }
0x19: {  	s7 =	sld [smem:$0x3F9B]  }
0x1a: {  	s8 =	sadd.s32 $0xFFFFE003, lr  }
0x1b: {  	s9 =	sadd.s32 $0xFFFFFEF7, lr;
	s5 =	simm.s32 $0xFFFFFFFF;
	p2 =	slt.u32 s8, $0xFFFFF086  }
0x1c: {  	p1 =	slt.u32 s9, $0xF7A;
	s5 =	simm.s32 @!p2 $0x0  }
0x1d: {  	s5 =	simm.s32 @p1 $0x1;
	p0 =	seq.s32 s7, s2  }
0x1e: {  	s7 =	smul.u32 @!p0 $0xF7A, s2;
	p2 =	seq.s32 @!p0 s5, $0x0  }
0x1f: {  	s9 =	smul.u32 $0xF7A, s1;
	s8 =	simm.s32 @!p0 $0x1BF5;
	p2 =	por !p2, p0  }
0x20: {  	[sflag:s8] =	ssyncset.s32 @!p0 $0xFFFFF086;
	s6 =	sadd.s32 @!p0 s3, s7;
	s7 =	simm.s32 @!p0 $0x108  }
0x21: {  	s3 =	sadd.s32 s3, s9;
	s6 =	sadd.s32 @!p0 $0x88, s6;
	s7 =	simm.s32 @p2 $0x1082  }
0x22: {  	[simem:s7], [sflag:s8] =	dma.local @!p0 [hbm:s6], $0xF7A  }
0x23: {  	s9 =	sor.u32 $0xD0000000, s2;
	s6 =	simm.s32 $0x108;
	_ =	swait.ge @!p0 [sflag:s8], $0x0  }
0x24: {  	s3 =	sadd.s32 $0x88, s3;
	s6 =	simm.s32 @!p1 $0x1082;
	[sflag:s4] =	ssyncset.s32 $0xFFFFF086  }
0x25: {  	[simem:s6], [sflag:s4] =	dma.local [hbm:s3], $0xF7A  }
0x26: {  	[smem:$0x3F9B] =	sst s1;
	(tag) =	ssettag s2;
	_ =	strace s9  }
0x27: {  	s1 =	sld [smem:$0x3FAB]  }
0x28: {  	s2 =	sld [smem:$0x3FAC]  }
0x29: {  	s4 =	sld [smem:$0x3FAE]  }
0x2a: {  	p0 =	seq.s32 s5, $0x0;
	s5 =	sld [smem:$0x3FAF]  }
0x2b: {  	s6 =	sld [smem:$0x3FB0]  }
0x2c: {  	s7 =	sld [smem:$0x3FB1]  }
0x2d: {  	s3 =	simm.s32 $0x108;
	s8 =	sld [smem:$0x3FB2]  }
0x2e: {  	s3 =	simm.s32 @!p0 $0x1082;
	s9 =	sld [smem:$0x3FB3]  }
0x2f: {  	lr =	sadd.s32 s0, s3;
	s0 =	sld [smem:$0x3FAA]  }
0x30: {  	s3 =	sld [smem:$0x3FAD]  }
0x31: {  	[smem:$0x3FB6] =	sst s10  }
0x32: {  	s10 =	sld [smem:$0x3FB4];
	_ =	sdelay $0x3  }
0x33: {  	p0 =	seq.s32 s10, $0x1;
	s10 =	sld [smem:$0x3FB6];
	_ =	sdelay $0x3  }
0x34: {  	[smem:$0x3FB6] =	sst s10  }
0x35: {  	s10 =	sld [smem:$0x3FB5];
	_ =	sdelay $0x3  }
0x36: {  	p1 =	seq.s32 s10, $0x1;
	s10 =	sld [smem:$0x3FB6];
	_ =	sdelay $0x3  }
0x37: {  	[smem:$0x3FB6] =	sst s10  }
0x38: {  	s10 =	sld [smem:$0x3FB7]  }
0x39: {  	_ = 	snop;
	(pc) =	sbr.ind lr, $3  }
0x3a: {  	_ = 	snop  }
0x3b: {  	_ = 	snop  }
0x3c: {  	p2 =	seq.s32 s10, $0x1;
	s10 =	sld [smem:$0x3FB6]  }
0x3d: {  	_ =	shalt  }
0x3e: {  	_ =	shalt  }
0x3f: {  	_ =	shalt  }
0x40: {  	_ =	shalt  }
0x41: {  	_ =	shalt  }
0x42: {  	_ =	shalt  }
0x43: {  	_ =	shalt  }
0x44: {  	_ =	shalt  }
0x45: {  	_ =	shalt  }
0x46: {  	_ =	shalt  }
0x47: {  	_ =	shalt  }
0x48: {  	_ =	shalt  }
0x49: {  	_ =	shalt  }
0x4a: {  	_ =	shalt  }
0x4b: {  	_ =	shalt  }
0x4c: {  	_ =	shalt  }
0x4d: {  	_ =	shalt  }
0x4e: {  	_ =	shalt  }
0x4f: {  	_ =	shalt  }
0x50: {  	_ =	shalt  }
0x51: {  	_ =	shalt  }
0x52: {  	_ =	shalt  }
0x53: {  	_ =	shalt  }
0x54: {  	_ =	shalt  }
0x55: {  	_ =	shalt  }
0x56: {  	_ =	shalt  }
0x57: {  	_ =	shalt  }
0x58: {  	_ =	shalt  }
0x59: {  	_ =	shalt  }
0x5a: {  	_ =	shalt  }
0x5b: {  	_ =	shalt  }
0x5c: {  	_ =	shalt  }
0x5d: {  	_ =	shalt  }
0x5e: {  	_ =	shalt  }
0x5f: {  	_ =	shalt  }
0x60: {  	_ =	shalt  }
0x61: {  	_ =	shalt  }
0x62: {  	_ =	shalt  }
0x63: {  	_ =	shalt  }
0x64: {  	_ =	shalt  }
0x65: {  	_ =	shalt  }
0x66: {  	_ =	shalt  }
0x67: {  	_ =	shalt  }
0x68: {  	_ =	shalt  }
0x69: {  	_ =	shalt  }
0x6a: {  	_ =	shalt  }
0x6b: {  	_ =	shalt  }
0x6c: {  	_ =	shalt  }
0x6d: {  	_ =	shalt  }
0x6e: {  	_ =	shalt  }
0x6f: {  	_ =	shalt  }
0x70: {  	_ =	shalt  }
0x71: {  	_ =	shalt  }
0x72: {  	_ =	shalt  }
0x73: {  	_ =	shalt  }
0x74: {  	_ =	shalt  }
0x75: {  	_ =	shalt  }
0x76: {  	_ =	shalt  }
0x77: {  	_ =	shalt  }
0x78: {  	_ =	shalt  }
0x79: {  	_ =	shalt  }
0x7a: {  	_ =	shalt  }
0x7b: {  	_ =	shalt  }
0x7c: {  	_ =	shalt  }
0x7d: {  	_ =	shalt  }
0x7e: {  	_ =	shalt  }
0x7f: {  	_ =	shalt  }
0x80: {  	_ =	shalt  }
0x81: {  	_ =	shalt  }
0x82: {  	_ =	shalt  }
0x83: {  	_ =	shalt  }
0x84: {  	_ =	shalt  }
0x85: {  	_ =	shalt  }
0x86: {  	_ =	shalt  }
0x87: {  	_ =	shalt  }
.Lfunc_end0:
.L_simem_size_0:
called_computation_lowered:
.L_overlay_start_0:
0x88: {  	s2 =	sld [smem:$0x3FD9]  }
0x89: {  	s3 =	sld [smem:$0x3FFE];
	_ =	sdelay $0x1  }
0x8a: {  	s1 =	srdreg.scid  }
0x8b: {  	s0 =	sand.u32 $0x1, s1  }
0x8c: {  	s17 =	sshll.u32 s0, $0xA;
	s2 =	sadd.s32 s3, s2  }
0x8d: {  	s2 =	sadd.s32 s2, s17  }
0x8e: {  	[smem:$0x3FC2] =	sst s2  }
0x8f: {  	_ = 	snop  }
0x90: {  	s2 =	sld [smem:$0x3FD0];
	(tm) =	ssettm $0x1  }
0x91: {  	s18 =	sld [smem:$0x3FFB];
	_ =	sdelay $0x3  }
0x92: {  	_ =	strace s18  }
0x93: {  	s3 =	sld [smem:$0x3FFC];
	_ =	sdelay $0x3  }
0x94: {  	_ =	strace s3  }
0x95: {  	s3 =	sld [smem:$0x3FFD];
	_ =	sdelay $0x3  }
0x96: {  	_ =	strace s3  }
0x97: {  	_ =	strace $0x8FFFFFFF  }
0x98: {  	s19 =	sld [smem:$0x3FDB];
	_ =	sdelay $0x1  }
0x99: {  	s4 =	simm.s32 $_scs_section_size  }
0x9a: {  	s5 =	simm.s32 $_size__tile_overlayer_lowered;
	s6 =	simm.s32 $_tile_overlayer_lowered  }
0x9b: {  	s22 =	simm.s32 $0x1BFF;
	s21 =	sshll.u32 s6, $0x1;
	s3 =	sadd.s32 s4, s19  }
0x9c: {  	s7 =	simm.s32 $0x0;
	s20 =	sshll.u32 s5, $0x1;
	s5 =	sadd.s32 s21, s3  }
0x9d: {  	[timem:s7], [sflag:s22] =	dma.local [hbm:s5], s20  }
0x9e: {  	_ =	swait.ge [sflag:s22], s20  }
0x9f: {  	s4 =	ssub.s32 $0x0, s20;
	[sflag:s22] =	ssyncset.done $0x0  }
0xa0: {  	[sflag:s22] =	ssyncadd.s32 s4;
	_ =	sdelay $0x1  }
0xa1: {  	s23 =	simm.s32 $0x1B8B  }
0xa2: {  	_ =	swait.ge [sflag:s23], $0x1  }
0xa3: {  	[sflag:s23] =	ssyncset.done $0x0  }
0xa4: {  	s25 =	simm.s32 $0x1B8E;
	s24 =	sld [smem:$0x3FFE];
	[sflag:s23] =	ssyncadd.s32 $0xFFFFFFFF  }
0xa5: {  	s26 =	simm.s32 $execute0_lowered;
	[smem:$0x3FD2] =	sst s25  }
0xa6: {  	s5 =	sshll.u32 s26, $0x1;
	_ =	strace $0x80000046;
	[dreg:$0x1] =	wrdreg $0xFFFFFFFF  }
0xa7: {  	s28 =	simm.s32 $_size_execute0_lowered;
	s3 =	sadd.s32 s3, s5;
	[dreg:$0x0] =	wrdreg $0x0  }
0xa8: {  	s5 =	sshll.u32 s28, $0x1;
	[dreg:$0x2] =	wrdreg s3  }
0xa9: {  	[dreg:$0x3] =	wrdreg s5  }
0xaa: {  	[dreg:$0x4] =	wrdreg $0xC0  }
0xab: {  	_ =	task [dreg:s7], $0x5FFFF  }
0xac: {  	[dreg:$0x1] =	wrdreg $0xFFFFFFFF  }
0xad: {  	[dreg:$0x0] =	wrdreg $0x60  }
0xae: {  	[dreg:$0x2] =	wrdreg s2  }
0xaf: {  	[dreg:$0x3] =	wrdreg s24  }
0xb0: {  	[dreg:$0x4] =	wrdreg $0x53000  }
0xb1: {  	[dreg:$0x5] =	wrdreg $0x9  }
0xb2: {  	_ =	task.clear_ibuf [dreg:s7], $0x6FFFF;
	_ =	strace $0x90000046  }
0xb3: {  	s29 =	simm.s32 $0x9;
	_ =	strace $0x80000048  }
0xb4: {  	_ =	swait.ge [sflag:s29], $0x1  }
0xb5: {  	[sflag:s29] =	ssyncadd.s32 $0xFFFFFFFF  }
0xb6: {  	_ =	strace $0x90000048  }
0xb7: {  	_ =	sfence  }
0xb8: {  	s30 =	sld [smem:$0x0];
	_ =	sdelay $0x2  }
0xb9: {  	s31 =	sshll.u32 s1, $0xD;
	s1 =	sshrl.u32 s1, $0x2  }
0xba: {  	s3 =	sand.u32 $0x4000, s31;
	s1 =	sadd.s32 s1, s30  }
0xbb: {  	s0 =	sor.u32 s3, s0;
	s1 =	sshll.u32 s1, $0x11  }
0xbc: {  	s0 =	sor.u32 s1, s0  }
0xbd: {  	s0 =	sadd.s32 $0x8F2B, s0  }
0xbe: {  	[sflag:s0] =	ssyncadd.remote.s32 $0x1  }
0xbf: {  	_ =	sfence.sel $0xFFFF  }
0xc0: {  	[dreg:$0x0] =	wrdreg $0xFFFFFFFF;
	(pc) =	sbr.abs _section_cstart, $3  }
0xc1: {  	[dreg:$0x1] =	wrdreg $0xFFFFFFFF  }
0xc2: {  	_ =	task.clear_ibuf [dreg:s7], $0x2FFFF;
	_ =	strace $0x9FFFFFFF  }
0xc3: {  	(tm) =	ssettm $0x7FFFFFFF  }
tec
execute0_lowered:
.L_overlay_start_1:
0x0: {  	(tag) =	ssettag $0x1  }
0x1: {  	s4 =	rddreg [dreg:$0x0]  }
0x2: {  	s5 =	rddreg [dreg:$0x1]  }
0x3: {  	s2 =	rddreg [dreg:$0x2]  }
0x4: {  	s0 =	rddreg [dreg:$0x3];
	s6 =	srdreg.scid  }
0x5: {  	s1 =	stileid.u32;
	s3 =	simm.s32 $0x0;
	s11 =	simm.s32 $0x5000  }
0x6: {  	s12 =	simm.s32 $0x1;
	s15 =	simm.s32 $0x20;
	s16 =	simm.s32 $0x10  }
0x7: {  	s17 =	simm.s32 $0x0;
	s6 =	sand.u32 $0x1, s6;
	s7 =	smul.u32 $0x500, s1  }
0x8: {  	[smem:$0x7FF] =	sst s3;
	s29 =	sshll.u32 s1, $0x1;
	s30 =	smul.u32 $0xA00, s1  }
0x9: {  	s13 =	sshll.u32 s1, $0x6;
	s8 =	sshll.u32 s6, $0x7;
	_ =	strace $0x80000047  }
0xa: {  	s9 =	ssub.s32 $0x2, s6;
	s6 =	sor.u32 s6, s29;
	s13 =	sor.u32 $0x1C02, s13  }
0xb: {  	s7 =	sor.u32 s8, s7;
	s10 =	sshrl.u32 s9, $0x1;
	s6 =	smul.u32 $0xA00, s6  }
0xc: {  	s31 =	sshrl.u32 s30, $0x2;
	s8 =	simm.s32 $0x2;
	s7 =	sshrl.u32 s7, $0x3  }
0xd: {  	s9 =	ssub.s32 s9, s10;
	s10 =	simm.s32 $0x40;
	s7 =	sadd.s32 s7, s5  }
0xe: {  	s4 =	sadd.s32 s4, s6;
	s5 =	sadd.s32 s31, s2;
	s6 =	sadd.s32 $0xC400, s7  }
0xf: {  	v0 =	vimm.f32 $1.000000000e+00;
	v1 =	vimm.f32 $0.0e+00;
	s7 =	smax.u32 s9, $0x1;
	s9 =	simm.s32 $0x5080;
	s14 =	sshrl.u32 s5, $0x3  }
.LBB2_1:
0x10: {  	[tilespmem:s3], [sflag:$0x2] =	stream.linear.gather [hbm4b:s4+s3], $0x5000, $0x38;
	[tilespmem:$0x5580] =	vst v63  }
0x11: {  	_ =	swait.ge [sflag:s8], $0x5000  }
0x12: {  	[sflag:s8] =	ssyncset.done $0x0  }
0x13: {  	[sflag:s8] =	ssyncadd.s32 $0xFFFFB000  }
0x14: {  	[tilespmem:$0x5000] =	vst v0  }
0x15: {  	[tilespmem:$0x5010] =	vst v0  }
0x16: {  	[tilespmem:$0x5020] =	vst v0  }
0x17: {  	[tilespmem:$0x5030] =	vst v0  }
0x18: {  	[tilespmem:$0x5080] =	vst v1  }
0x19: {  	[tilespmem:$0x5090] =	vst v1  }
0x1a: {  	[tilespmem:$0x50A0] =	vst v1  }
0x1b: {  	[tilespmem:$0x50B0] =	vst v1  }
0x1c: {  	[tilespmem:$0x50C0] =	vst v1  }
0x1d: {  	[tilespmem:$0x50D0] =	vst v1  }
0x1e: {  	[tilespmem:$0x50E0] =	vst v1  }
0x1f: {  	[tilespmem:$0x50F0] =	vst v1  }
0x20: {  	[tilespmem:$0x5100] =	vst v1  }
0x21: {  	[tilespmem:$0x5110] =	vst v1  }
0x22: {  	[tilespmem:$0x5120] =	vst v1  }
0x23: {  	[tilespmem:$0x5130] =	vst v1  }
0x24: {  	[tilespmem:$0x5140] =	vst v1  }
0x25: {  	[tilespmem:$0x5150] =	vst v1  }
0x26: {  	[tilespmem:$0x5160] =	vst v1  }
0x27: {  	[tilespmem:$0x5170] =	vst v1  }
0x28: {  	[tilespmem:$0x5180] =	vst v1  }
0x29: {  	[tilespmem:$0x5190] =	vst v1  }
0x2a: {  	[tilespmem:$0x51A0] =	vst v1  }
0x2b: {  	[tilespmem:$0x51B0] =	vst v1  }
0x2c: {  	[tilespmem:$0x51C0] =	vst v1  }
0x2d: {  	[tilespmem:$0x51D0] =	vst v1  }
0x2e: {  	[tilespmem:$0x51E0] =	vst v1  }
0x2f: {  	[tilespmem:$0x51F0] =	vst v1  }
0x30: {  	[tilespmem:$0x5200] =	vst v1  }
0x31: {  	[tilespmem:$0x5210] =	vst v1  }
0x32: {  	[tilespmem:$0x5220] =	vst v1  }
0x33: {  	[tilespmem:$0x5230] =	vst v1  }
0x34: {  	[tilespmem:$0x5240] =	vst v1  }
0x35: {  	[tilespmem:$0x5250] =	vst v1  }
0x36: {  	[tilespmem:$0x5260] =	vst v1  }
0x37: {  	[tilespmem:$0x5270] =	vst v1  }
0x38: {  	[tilespmem:$0x5280] =	vst v1  }
0x39: {  	[tilespmem:$0x5290] =	vst v1  }
0x3a: {  	[tilespmem:$0x52A0] =	vst v1  }
0x3b: {  	[tilespmem:$0x52B0] =	vst v1  }
0x3c: {  	[tilespmem:$0x52C0] =	vst v1  }
0x3d: {  	[tilespmem:$0x52D0] =	vst v1  }
0x3e: {  	[tilespmem:$0x52E0] =	vst v1  }
0x3f: {  	[tilespmem:$0x52F0] =	vst v1  }
0x40: {  	[spmem:s5] =	stream.linear.scatter [tilespmem:s9], [sflag:$0x2], $0x280, $0x38;
	[tilespmem:$0x5580] =	vst v63  }
0x41: {  	_ =	swait.ge [sflag:s8], $0x280  }
0x42: {  	[sflag:s8] =	ssyncset.done $0x0  }
0x43: {  	p0 =	por $0x1, $0x1;
	[sflag:s8] =	ssyncadd.s32 $0xFFFFFD80  }
0x44: {  	s20 =	simm.s32 @!p0 $0x1;
	[bflag:$0x0] =	sbarrier.arrive $0xFFFF  }
0x45: {  	[spmem:s2] =	stream.indirect.scatter.add.f32 [tilespmem:s11], [sflag:$0x1], $0x1, s3, s10, $0xb8;
	[tilespmem:$0x5580] =	vst v63  }
0x46: {  	_ =	swait.ge @!p0 [sflag:s20], $0x40  }
0x47: {  	s18 =	simm.s32 $0x1;
	s19 =	simm.s32 $0x0;
	[sflag:s20] =	ssyncset.done @!p0 $0x0  }
.LBB2_2:
0x48: {  	[sflag:s20] =	ssyncadd.s32 @!p0 $0xFFFFFFC0  }
0x49: {  	s19 =	sadd.s32 $0x80, s19;
	s20 =	smov.u32 s18;
	s18 =	sadd.s32 $0x1, s18  }
0x4a: {  	p1 =	sne.s32 s18, $0xA0  }
0x4b: {  	[spmem:s2] =	stream.indirect.scatter.add.f32 [tilespmem:s11], [sflag:$0x1], $0x1, s19, s10, $0xb8;
	[tilespmem:$0x5580] =	vst v63  }
.Ltmp0:
0x4c: {  	_ = 	snop;
	(pc) =	sbr.rel @p1 .LBB2_2-.Ltmp0, $4  }
0x4d: {  	p0 =	slt.u32 s20, $0x8  }
0x4e: {  	s20 =	simm.s32 @!p0 $0x1  }
0x4f: {  	_ =	swait.ge @!p0 [sflag:s20], $0x40  }
0x50: {  	[sflag:s20] =	ssyncset.done @!p0 $0x0  }
0x51: {  	[sflag:s20] =	ssyncadd.s32 @!p0 $0xFFFFFFC0  }
0x52: {  	_ =	swait.ge [sflag:s12], $0x40  }
0x53: {  	[sflag:s12] =	ssyncset.done $0x0  }
0x54: {  	[sflag:s12] =	ssyncadd.s32 $0xFFFFFFC0  }
0x55: {  	_ =	swait.ge [sflag:s12], $0x40  }
0x56: {  	[sflag:s12] =	ssyncset.done $0x0  }
0x57: {  	[sflag:s12] =	ssyncadd.s32 $0xFFFFFFC0  }
0x58: {  	_ =	swait.ge [sflag:s12], $0x40  }
0x59: {  	[sflag:s12] =	ssyncset.done $0x0  }
0x5a: {  	[sflag:s12] =	ssyncadd.s32 $0xFFFFFFC0  }
0x5b: {  	_ =	swait.ge [sflag:s12], $0x40  }
0x5c: {  	[sflag:s12] =	ssyncset.done $0x0  }
0x5d: {  	[sflag:s12] =	ssyncadd.s32 $0xFFFFFFC0  }
0x5e: {  	_ =	swait.ge [sflag:s12], $0x40  }
0x5f: {  	[sflag:s12] =	ssyncset.done $0x0  }
0x60: {  	[sflag:s12] =	ssyncadd.s32 $0xFFFFFFC0  }
0x61: {  	_ =	swait.ge [sflag:s12], $0x40  }
0x62: {  	[sflag:s12] =	ssyncset.done $0x0  }
0x63: {  	[sflag:s12] =	ssyncadd.s32 $0xFFFFFFC0  }
0x64: {  	_ =	swait.ge [sflag:s12], $0x40  }
0x65: {  	[sflag:s12] =	ssyncset.done $0x0  }
0x66: {  	[sflag:s12] =	ssyncadd.s32 $0xFFFFFFC0  }
0x67: {  	_ =	swait.ge [sflag:s12], $0x40  }
0x68: {  	s17 =	sadd.s32 $0x1, s17;
	[sflag:s12] =	ssyncset.done $0x0  }
0x69: {  	p0 =	sne.s32 s17, s7;
	[sflag:s12] =	ssyncadd.s32 $0xFFFFFFC0  }
.Ltmp1:
0x6a: {  	[bflag:$0x0] =	sbarrier.arrive $0xFFFF;
	(pc) =	sbr.rel @p0 .LBB2_1-.Ltmp1, $4  }
0x6b: {  	[hbm:s6@s15], [sflag:s13] =	dma.strided [spmem:s14@s16], $0x50, s12, $0x10   }
0x6c: {  	_ =	swait.ge [sflag:s8], $0x50  }
0x6d: {  	[sflag:s8] =	ssyncset.done $0x0  }
0x6e: {  	[sflag:s8] =	ssyncadd.s32 $0xFFFFFFB0  }
0x6f: {  	_ =	sfence.sel $0x180000  }
0x70: {  	[bflag:$0x0] =	sbarrier.arrive $0xFFFF  }
0x71: {  	p0 =	sne.s32 s1, $0x0;
	_ =	strace $0x90000047  }
0x72: {  	s0 =	sadd.s32 @!p0 $0x100000, s0;
	[bflag:$0x2] =	sbarrier.arrive $0xFFFF  }
0x73: {  	[sflag:s0] =	ssyncadd.tile.s32 @!p0 $0x1;
	_ =	shalt  }
.Lfunc_end2:
_tile_overlayer_lowered:
.L_overlay_start_2:
0x74: {  	(tag) =	ssettag $0x2  }
0x75: {  	s0 =	rddreg [dreg:$0x0];
	s2 =	stileid.u32  }
0x76: {  	s1 =	rddreg [dreg:$0x1];
	p0 =	sne.s32 s2, $0x0  }
0x77: {  	s3 =	rddreg [dreg:$0x2];
	[bflag:$0x3] =	sbarrier.arrive $0xFFFF;
	s2 =	simm.s32 @!p0 $0x1C02  }
0x78: {  	[timem:s3], [sflag:s2] =	dma.local @!p0 [hbm:s0], s1  }
0x79: {  	s0 =	simm.s32 @!p0 $0x2  }
0x7a: {  	_ =	swait.ge @!p0 [sflag:s0], s1  }
0x7b: {  	s1 =	ssub.s32 @!p0 $0x0, s1;
	[sflag:s0] =	ssyncset.done @!p0 $0x0  }
0x7c: {  	[sflag:s0] =	ssyncadd.s32 @!p0 s1  }
0x7d: {  	[bflag:$0x3] =	sbarrier.arrive $0xFFFF  }
0x7e: {  	_ =	shalt  }

</sc_bundles>
